<compile_context>
chip_gen: v7x
topology: tpu7x:2x2x1
jax: 0.10.2.dev20260603
libtpu: 0.0.44.dev20260713+nightly
codegen_flags: <defaults>
</compile_context>

<pallas_src>
import functools

import jax
import jax.numpy as jnp
from jax import lax
from jax.experimental import pallas as pl
from jax.experimental.pallas import tpu as pltpu
from jax.experimental.pallas import tpu_sc as plsc

B = 16384
F = 26
FP = 32
C = 100
ROW = F * C
BR = 16
BLK = BR * ROW


@functools.lru_cache(maxsize=1)
def _build():
    info = plsc.get_sparse_core_info()
    nw = info.num_cores * info.num_subcores
    rows_w = B // nw
    nb = rows_w // BR

    mesh = plsc.VectorSubcoreMesh(core_axis_name="c", subcore_axis_name="s")

    @functools.partial(
        pl.kernel,
        out_type=jax.ShapeDtypeStruct((B * ROW,), jnp.int32),
        mesh=mesh,
        compiler_params=pltpu.CompilerParams(needs_layout_passes=False),
        scratch_types=[
            pltpu.VMEM((rows_w * FP,), jnp.int32),
            pltpu.VMEM((BLK + 512,), jnp.int32),
            pltpu.VMEM((BLK + 512,), jnp.int32),
            pltpu.SemaphoreType.DMA,
            pltpu.SemaphoreType.DMA,
        ],
    )
    def onehot(x_hbm, out_hbm, xv, buf0, buf1, sem0, sem1):
        wid = lax.axis_index("s") * info.num_cores + lax.axis_index("c")
        base = wid * rows_w

        i16 = lax.broadcasted_iota(jnp.int32, (16,), 0)
        ca = i16 * C
        cb = (i16 + 16) * C
        mb = i16 < (F - 16)
        ones = jnp.ones((16,), jnp.int32)
        zeros = jnp.zeros((16,), jnp.int32)

        pltpu.sync_copy(x_hbm.at[pl.ds(base * FP, rows_w * FP)], xv)

        def zbody(i, _):
            for u in range(4):
                buf0[pl.ds(i * 64 + u * 16, 16)] = zeros
                buf1[pl.ds(i * 64 + u * 16, 16)] = zeros
            return 0

        lax.fori_loop(0, BLK // 64, zbody, 0)

        def scat(g, buf, vals):
            for r in range(BR):
                off = (g * BR + r) * FP
                xa = xv[pl.ds(off, 16)]
                xb = xv[pl.ds(off + 16, 16)]
                plsc.store_scatter(buf, [xa + (ca + r * ROW)], vals)
                plsc.store_scatter(buf, [xb + (cb + r * ROW)], vals, mask=mb)

        def fire(g, buf, sem):
            pltpu.async_copy(
                buf.at[pl.ds(0, BLK)],
                out_hbm.at[pl.ds((base + g * BR) * ROW, BLK)], sem)

        def drain(buf, sem):
            pltpu.make_async_copy(
                buf.at[pl.ds(0, BLK)],
                out_hbm.at[pl.ds(base * ROW, BLK)], sem).wait()

        scat(0, buf0, ones)
        fire(0, buf0, sem0)
        scat(1, buf1, ones)
        fire(1, buf1, sem1)

        def body(h, _):
            for b in range(2):
                buf = buf0 if b == 0 else buf1
                sem = sem0 if b == 0 else sem1
                g = h * 2 + b
                drain(buf, sem)
                scat(g - 2, buf, zeros)
                scat(g, buf, ones)
                fire(g, buf, sem)
            return 0

        lax.fori_loop(1, nb // 2, body, 0)
        drain(buf0, sem0)
        drain(buf1, sem1)

    return onehot


def kernel(x):
    xp = jnp.pad(x, ((0, 0), (0, FP - F)))
    out = _build()(xp.reshape(-1))
    return out.reshape(B, ROW)

# --- scband reference (transcript-rebuilt; emitter-appended) ---
"""Pipeline reference for scband-one-hot-encoding-63960652972240 (READ-ONLY COPY).

The authoritative reference and input builder live on the scoring server;
editing this copy changes nothing except your own understanding.
"""

import jax, jax.numpy as jnp
import numpy as np

CARDINALITIES = [100] * 26
BATCH = 16384


def setup_inputs(seed: int = 0) -> dict:
    key = jax.random.key(seed)
    x = jax.random.randint(key, (BATCH, len(CARDINALITIES)), 0, 100, dtype=jnp.int32)
    return {"x": x}


def reference(x) -> jnp.ndarray:
    # Faithful translation of _OneHotEncoding.forward:
    # torch.cat([F.one_hot(x[..., i], c) for i, c in enumerate(cardinalities)], dim=-1)
    # torch's one_hot returns integer dtype; we emit int32 one-hot blocks and concat.
    assert x.ndim >= 1
    assert x.shape[-1] == len(CARDINALITIES)
    parts = []
    for i, card in enumerate(CARDINALITIES):
        oh = (x[..., i:i + 1] == jnp.arange(card, dtype=x.dtype)).astype(jnp.int32)
        parts.append(oh)
    return jnp.concatenate(parts, axis=-1)

if __name__ == "__main__":
    import jax
    _d = setup_inputs()
    print(jax.jit(kernel)(*tuple(_d.values())))

</pallas_src>

<mosaic_0001>
#map = affine_map<(d0, d1) -> (0)>
module attributes {stable_mosaic.version = 14 : i64} {
  func.func @onehot(%arg0: i32, %arg1: i32, %arg2: memref<524288xi32, #tpu.memory_space<hbm>>, %arg3: memref<42598400xi32, #tpu.memory_space<hbm>>, %arg4: memref<16384xi32, #tpu.memory_space<vmem>>, %arg5: memref<42112xi32, #tpu.memory_space<vmem>>, %arg6: memref<42112xi32, #tpu.memory_space<vmem>>, %arg7: memref<!tpu.dma_semaphore, #tpu.memory_space<semaphore_mem>>, %arg8: memref<!tpu.dma_semaphore, #tpu.memory_space<semaphore_mem>>) attributes {dimension_semantics = [#tpu.dimension_semantics<core_parallel>, #tpu.dimension_semantics<subcore_parallel>], iteration_bounds = array<i64: 2, 16>, scalar_prefetch = 0 : i64, scratch_operands = 5 : i64, tpu.core_type = #tpu.core_type<sc_vector_subcore>, window_params = [{transform_indices = #map}, {transform_indices = #map}]} {
    %mul3A = arith.constant 2 : i32
    %mul3A_0 = arith.muli %arg1, %mul3A : i32
    %add3A = arith.addi %mul3A_0, %arg0 : i32
    %mul3A_1 = arith.constant 512 : i32
    %mul3A_2 = arith.muli %add3A, %mul3A_1 : i32
    %iota3A = tpu.iota {dimensions = array<i32: 0>} : vector<16xi32>
    %mul3A_3 = arith.constant 100 : i32
    %mul3A_4 = vector.broadcast %mul3A_3 : i32 to vector<16xi32>
    %mul3A_5 = arith.muli %iota3A, %mul3A_4 : vector<16xi32>
    %add3A_6 = arith.constant 16 : i32
    %add3A_7 = vector.broadcast %add3A_6 : i32 to vector<16xi32>
    %add3A_8 = arith.addi %iota3A, %add3A_7 : vector<16xi32>
    %mul3A_9 = arith.constant 100 : i32
    %mul3A_10 = vector.broadcast %mul3A_9 : i32 to vector<16xi32>
    %mul3A_11 = arith.muli %add3A_8, %mul3A_10 : vector<16xi32>
    %lt3A = arith.constant 10 : i32
    %lt3A_12 = vector.broadcast %lt3A : i32 to vector<16xi32>
    %lt3A_13 = arith.cmpi slt, %iota3A, %lt3A_12 : vector<16xi32>
    %broadcast_in_dim3A = arith.constant 1 : i32
    %broadcast_in_dim3A_14 = vector.broadcast %broadcast_in_dim3A : i32 to vector<16xi32>
    %broadcast_in_dim3A_15 = arith.constant 0 : i32
    %broadcast_in_dim3A_16 = vector.broadcast %broadcast_in_dim3A_15 : i32 to vector<16xi32>
    %mul3A_17 = arith.constant 32 : i32
    %mul3A_18 = arith.muli %mul3A_2, %mul3A_17 : i32
    "tpu.region"() ({
      %run_scoped3A = tpu.sem_alloc : memref<!tpu.dma_semaphore, #tpu.memory_space<semaphore_mem>>
      %dma_start3A_449 = tpu.memref_slice %arg2[%mul3A_18] : memref<524288xi32, #tpu.memory_space<hbm>> -> memref<16384xi32, #tpu.memory_space<hbm>>
      %dma_start3A_450 = tpu.memref_slice %arg2[%mul3A_18] : memref<524288xi32, #tpu.memory_space<hbm>> -> memref<16384xi32, #tpu.memory_space<hbm>>
      tpu.enqueue_dma source(%dma_start3A_450 : memref<16384xi32, #tpu.memory_space<hbm>>) target(%arg4 : memref<16384xi32, #tpu.memory_space<vmem>>) target_semaphore(%run_scoped3A : memref<!tpu.dma_semaphore, #tpu.memory_space<semaphore_mem>>)
      %dma_wait3A_451 = tpu.memref_slice %arg2[%mul3A_18] : memref<524288xi32, #tpu.memory_space<hbm>> -> memref<16384xi32, #tpu.memory_space<hbm>>
      %dma_wait3A_452 = tpu.memref_slice %arg2[%mul3A_18] : memref<524288xi32, #tpu.memory_space<hbm>> -> memref<16384xi32, #tpu.memory_space<hbm>>
      tpu.wait_dma2 semaphore(%run_scoped3A : memref<!tpu.dma_semaphore, #tpu.memory_space<semaphore_mem>>) src(%dma_wait3A_452 : memref<16384xi32, #tpu.memory_space<hbm>>) dst(%arg4 : memref<16384xi32, #tpu.memory_space<vmem>>)
      tpu.yield
    }) : () -> ()
    %scan3A = arith.constant 0 : i32
    %scan3A_19 = arith.constant 0 : i32
    %scan3A_20 = arith.constant 650 : i32
    %scan3A_21 = arith.addi %scan3A_19, %scan3A_20 : i32
    %scan3A_22 = arith.constant 1 : i32
    %scan3A_23 = scf.for %scan3A_449 = %scan3A_19 to %scan3A_21 step %scan3A_22 iter_args(%scan3A_450 = %scan3A) -> (i32)  : i32 {
      %mul3A_451 = arith.constant 64 : i32
      %mul3A_452 = arith.muli %scan3A_449, %mul3A_451 : i32
      %add3A_453 = arith.constant 0 : i32
      %add3A_454 = arith.addi %mul3A_452, %add3A_453 : i32
      %swap3A = arith.index_cast %add3A_454 : i32 to index
      %swap3A_455 = tpu.vector_load %arg5[%swap3A] {strides = array<i32>} : memref<42112xi32, #tpu.memory_space<vmem>>, vector<16xi32>,
      tpu.vector_store %arg5[%swap3A], %broadcast_in_dim3A_16 {strides = array<i32>} : memref<42112xi32, #tpu.memory_space<vmem>>, vector<16xi32>,
      %mul3A_456 = arith.constant 64 : i32
      %mul3A_457 = arith.muli %scan3A_449, %mul3A_456 : i32
      %add3A_458 = arith.constant 0 : i32
      %add3A_459 = arith.addi %mul3A_457, %add3A_458 : i32
      %swap3A_460 = arith.index_cast %add3A_459 : i32 to index
      %swap3A_461 = tpu.vector_load %arg6[%swap3A_460] {strides = array<i32>} : memref<42112xi32, #tpu.memory_space<vmem>>, vector<16xi32>,
      tpu.vector_store %arg6[%swap3A_460], %broadcast_in_dim3A_16 {strides = array<i32>} : memref<42112xi32, #tpu.memory_space<vmem>>, vector<16xi32>,
      %mul3A_462 = arith.constant 64 : i32
      %mul3A_463 = arith.muli %scan3A_449, %mul3A_462 : i32
      %add3A_464 = arith.constant 16 : i32
      %add3A_465 = arith.addi %mul3A_463, %add3A_464 : i32
      %swap3A_466 = arith.index_cast %add3A_465 : i32 to index
      %swap3A_467 = tpu.vector_load %arg5[%swap3A_466] {strides = array<i32>} : memref<42112xi32, #tpu.memory_space<vmem>>, vector<16xi32>,
      tpu.vector_store %arg5[%swap3A_466], %broadcast_in_dim3A_16 {strides = array<i32>} : memref<42112xi32, #tpu.memory_space<vmem>>, vector<16xi32>,
      %mul3A_468 = arith.constant 64 : i32
      %mul3A_469 = arith.muli %scan3A_449, %mul3A_468 : i32
      %add3A_470 = arith.constant 16 : i32
      %add3A_471 = arith.addi %mul3A_469, %add3A_470 : i32
      %swap3A_472 = arith.index_cast %add3A_471 : i32 to index
      %swap3A_473 = tpu.vector_load %arg6[%swap3A_472] {strides = array<i32>} : memref<42112xi32, #tpu.memory_space<vmem>>, vector<16xi32>,
      tpu.vector_store %arg6[%swap3A_472], %broadcast_in_dim3A_16 {strides = array<i32>} : memref<42112xi32, #tpu.memory_space<vmem>>, vector<16xi32>,
      %mul3A_474 = arith.constant 64 : i32
      %mul3A_475 = arith.muli %scan3A_449, %mul3A_474 : i32
      %add3A_476 = arith.constant 32 : i32
      %add3A_477 = arith.addi %mul3A_475, %add3A_476 : i32
      %swap3A_478 = arith.index_cast %add3A_477 : i32 to index
      %swap3A_479 = tpu.vector_load %arg5[%swap3A_478] {strides = array<i32>} : memref<42112xi32, #tpu.memory_space<vmem>>, vector<16xi32>,
      tpu.vector_store %arg5[%swap3A_478], %broadcast_in_dim3A_16 {strides = array<i32>} : memref<42112xi32, #tpu.memory_space<vmem>>, vector<16xi32>,
      %mul3A_480 = arith.constant 64 : i32
      %mul3A_481 = arith.muli %scan3A_449, %mul3A_480 : i32
      %add3A_482 = arith.constant 32 : i32
      %add3A_483 = arith.addi %mul3A_481, %add3A_482 : i32
      %swap3A_484 = arith.index_cast %add3A_483 : i32 to index
      %swap3A_485 = tpu.vector_load %arg6[%swap3A_484] {strides = array<i32>} : memref<42112xi32, #tpu.memory_space<vmem>>, vector<16xi32>,
      tpu.vector_store %arg6[%swap3A_484], %broadcast_in_dim3A_16 {strides = array<i32>} : memref<42112xi32, #tpu.memory_space<vmem>>, vector<16xi32>,
      %mul3A_486 = arith.constant 64 : i32
      %mul3A_487 = arith.muli %scan3A_449, %mul3A_486 : i32
      %add3A_488 = arith.constant 48 : i32
      %add3A_489 = arith.addi %mul3A_487, %add3A_488 : i32
      %swap3A_490 = arith.index_cast %add3A_489 : i32 to index
      %swap3A_491 = tpu.vector_load %arg5[%swap3A_490] {strides = array<i32>} : memref<42112xi32, #tpu.memory_space<vmem>>, vector<16xi32>,
      tpu.vector_store %arg5[%swap3A_490], %broadcast_in_dim3A_16 {strides = array<i32>} : memref<42112xi32, #tpu.memory_space<vmem>>, vector<16xi32>,
      %mul3A_492 = arith.constant 64 : i32
      %mul3A_493 = arith.muli %scan3A_449, %mul3A_492 : i32
      %add3A_494 = arith.constant 48 : i32
      %add3A_495 = arith.addi %mul3A_493, %add3A_494 : i32
      %swap3A_496 = arith.index_cast %add3A_495 : i32 to index
      %swap3A_497 = tpu.vector_load %arg6[%swap3A_496] {strides = array<i32>} : memref<42112xi32, #tpu.memory_space<vmem>>, vector<16xi32>,
      tpu.vector_store %arg6[%swap3A_496], %broadcast_in_dim3A_16 {strides = array<i32>} : memref<42112xi32, #tpu.memory_space<vmem>>, vector<16xi32>,
      %scan3A_498 = arith.constant 0 : i32
      scf.yield %scan3A_498 : i32
    }
    %scan3A_24 = arith.constant 650 : i32
    %get3A = arith.constant 0 : index
    %get3A_25 = tpu.vector_load %arg4[%get3A] {strides = array<i32>} : memref<16384xi32, #tpu.memory_space<vmem>>, vector<16xi32>,
    %get3A_26 = arith.constant 16 : index
    %get3A_27 = tpu.vector_load %arg4[%get3A_26] {strides = array<i32>} : memref<16384xi32, #tpu.memory_space<vmem>>, vector<16xi32>,
    %add3A_28 = arith.constant 0 : i32
    %add3A_29 = vector.broadcast %add3A_28 : i32 to vector<16xi32>
    %add3A_30 = arith.addi %mul3A_5, %add3A_29 : vector<16xi32>
    %add3A_31 = arith.addi %get3A_25, %add3A_30 : vector<16xi32>
    tpu.vector_store_idx %arg5[%add3A_31], %broadcast_in_dim3A_14 : memref<42112xi32, #tpu.memory_space<vmem>>[vector<16xi32>], vector<16xi32>,
    %add3A_32 = arith.constant 0 : i32
    %add3A_33 = vector.broadcast %add3A_32 : i32 to vector<16xi32>
    %add3A_34 = arith.addi %mul3A_11, %add3A_33 : vector<16xi32>
    %add3A_35 = arith.addi %get3A_27, %add3A_34 : vector<16xi32>
    tpu.vector_store_idx %arg5[%add3A_35], %broadcast_in_dim3A_14 masked %lt3A_13 : memref<42112xi32, #tpu.memory_space<vmem>>[vector<16xi32>], vector<16xi32>, vector<16xi1>
    %get3A_36 = arith.constant 32 : index
    %get3A_37 = tpu.vector_load %arg4[%get3A_36] {strides = array<i32>} : memref<16384xi32, #tpu.memory_space<vmem>>, vector<16xi32>,
    %get3A_38 = arith.constant 48 : index
    %get3A_39 = tpu.vector_load %arg4[%get3A_38] {strides = array<i32>} : memref<16384xi32, #tpu.memory_space<vmem>>, vector<16xi32>,
    %add3A_40 = arith.constant 2600 : i32
    %add3A_41 = vector.broadcast %add3A_40 : i32 to vector<16xi32>
    %add3A_42 = arith.addi %mul3A_5, %add3A_41 : vector<16xi32>
    %add3A_43 = arith.addi %get3A_37, %add3A_42 : vector<16xi32>
    tpu.vector_store_idx %arg5[%add3A_43], %broadcast_in_dim3A_14 : memref<42112xi32, #tpu.memory_space<vmem>>[vector<16xi32>], vector<16xi32>,
    %add3A_44 = arith.constant 2600 : i32
    %add3A_45 = vector.broadcast %add3A_44 : i32 to vector<16xi32>
    %add3A_46 = arith.addi %mul3A_11, %add3A_45 : vector<16xi32>
    %add3A_47 = arith.addi %get3A_39, %add3A_46 : vector<16xi32>
    tpu.vector_store_idx %arg5[%add3A_47], %broadcast_in_dim3A_14 masked %lt3A_13 : memref<42112xi32, #tpu.memory_space<vmem>>[vector<16xi32>], vector<16xi32>, vector<16xi1>
    %get3A_48 = arith.constant 64 : index
    %get3A_49 = tpu.vector_load %arg4[%get3A_48] {strides = array<i32>} : memref<16384xi32, #tpu.memory_space<vmem>>, vector<16xi32>,
    %get3A_50 = arith.constant 80 : index
    %get3A_51 = tpu.vector_load %arg4[%get3A_50] {strides = array<i32>} : memref<16384xi32, #tpu.memory_space<vmem>>, vector<16xi32>,
    %add3A_52 = arith.constant 5200 : i32
    %add3A_53 = vector.broadcast %add3A_52 : i32 to vector<16xi32>
    %add3A_54 = arith.addi %mul3A_5, %add3A_53 : vector<16xi32>
    %add3A_55 = arith.addi %get3A_49, %add3A_54 : vector<16xi32>
    tpu.vector_store_idx %arg5[%add3A_55], %broadcast_in_dim3A_14 : memref<42112xi32, #tpu.memory_space<vmem>>[vector<16xi32>], vector<16xi32>,
    %add3A_56 = arith.constant 5200 : i32
    %add3A_57 = vector.broadcast %add3A_56 : i32 to vector<16xi32>
    %add3A_58 = arith.addi %mul3A_11, %add3A_57 : vector<16xi32>
    %add3A_59 = arith.addi %get3A_51, %add3A_58 : vector<16xi32>
    tpu.vector_store_idx %arg5[%add3A_59], %broadcast_in_dim3A_14 masked %lt3A_13 : memref<42112xi32, #tpu.memory_space<vmem>>[vector<16xi32>], vector<16xi32>, vector<16xi1>
    %get3A_60 = arith.constant 96 : index
    %get3A_61 = tpu.vector_load %arg4[%get3A_60] {strides = array<i32>} : memref<16384xi32, #tpu.memory_space<vmem>>, vector<16xi32>,
    %get3A_62 = arith.constant 112 : index
    %get3A_63 = tpu.vector_load %arg4[%get3A_62] {strides = array<i32>} : memref<16384xi32, #tpu.memory_space<vmem>>, vector<16xi32>,
    %add3A_64 = arith.constant 7800 : i32
    %add3A_65 = vector.broadcast %add3A_64 : i32 to vector<16xi32>
    %add3A_66 = arith.addi %mul3A_5, %add3A_65 : vector<16xi32>
    %add3A_67 = arith.addi %get3A_61, %add3A_66 : vector<16xi32>
    tpu.vector_store_idx %arg5[%add3A_67], %broadcast_in_dim3A_14 : memref<42112xi32, #tpu.memory_space<vmem>>[vector<16xi32>], vector<16xi32>,
    %add3A_68 = arith.constant 7800 : i32
    %add3A_69 = vector.broadcast %add3A_68 : i32 to vector<16xi32>
    %add3A_70 = arith.addi %mul3A_11, %add3A_69 : vector<16xi32>
    %add3A_71 = arith.addi %get3A_63, %add3A_70 : vector<16xi32>
    tpu.vector_store_idx %arg5[%add3A_71], %broadcast_in_dim3A_14 masked %lt3A_13 : memref<42112xi32, #tpu.memory_space<vmem>>[vector<16xi32>], vector<16xi32>, vector<16xi1>
    %get3A_72 = arith.constant 128 : index
    %get3A_73 = tpu.vector_load %arg4[%get3A_72] {strides = array<i32>} : memref<16384xi32, #tpu.memory_space<vmem>>, vector<16xi32>,
    %get3A_74 = arith.constant 144 : index
    %get3A_75 = tpu.vector_load %arg4[%get3A_74] {strides = array<i32>} : memref<16384xi32, #tpu.memory_space<vmem>>, vector<16xi32>,
    %add3A_76 = arith.constant 10400 : i32
    %add3A_77 = vector.broadcast %add3A_76 : i32 to vector<16xi32>
    %add3A_78 = arith.addi %mul3A_5, %add3A_77 : vector<16xi32>
    %add3A_79 = arith.addi %get3A_73, %add3A_78 : vector<16xi32>
    tpu.vector_store_idx %arg5[%add3A_79], %broadcast_in_dim3A_14 : memref<42112xi32, #tpu.memory_space<vmem>>[vector<16xi32>], vector<16xi32>,
    %add3A_80 = arith.constant 10400 : i32
    %add3A_81 = vector.broadcast %add3A_80 : i32 to vector<16xi32>
    %add3A_82 = arith.addi %mul3A_11, %add3A_81 : vector<16xi32>
    %add3A_83 = arith.addi %get3A_75, %add3A_82 : vector<16xi32>
    tpu.vector_store_idx %arg5[%add3A_83], %broadcast_in_dim3A_14 masked %lt3A_13 : memref<42112xi32, #tpu.memory_space<vmem>>[vector<16xi32>], vector<16xi32>, vector<16xi1>
    %get3A_84 = arith.constant 160 : index
    %get3A_85 = tpu.vector_load %arg4[%get3A_84] {strides = array<i32>} : memref<16384xi32, #tpu.memory_space<vmem>>, vector<16xi32>,
    %get3A_86 = arith.constant 176 : index
    %get3A_87 = tpu.vector_load %arg4[%get3A_86] {strides = array<i32>} : memref<16384xi32, #tpu.memory_space<vmem>>, vector<16xi32>,
    %add3A_88 = arith.constant 13000 : i32
    %add3A_89 = vector.broadcast %add3A_88 : i32 to vector<16xi32>
    %add3A_90 = arith.addi %mul3A_5, %add3A_89 : vector<16xi32>
    %add3A_91 = arith.addi %get3A_85, %add3A_90 : vector<16xi32>
    tpu.vector_store_idx %arg5[%add3A_91], %broadcast_in_dim3A_14 : memref<42112xi32, #tpu.memory_space<vmem>>[vector<16xi32>], vector<16xi32>,
    %add3A_92 = arith.constant 13000 : i32
    %add3A_93 = vector.broadcast %add3A_92 : i32 to vector<16xi32>
    %add3A_94 = arith.addi %mul3A_11, %add3A_93 : vector<16xi32>
    %add3A_95 = arith.addi %get3A_87, %add3A_94 : vector<16xi32>
    tpu.vector_store_idx %arg5[%add3A_95], %broadcast_in_dim3A_14 masked %lt3A_13 : memref<42112xi32, #tpu.memory_space<vmem>>[vector<16xi32>], vector<16xi32>, vector<16xi1>
    %get3A_96 = arith.constant 192 : index
    %get3A_97 = tpu.vector_load %arg4[%get3A_96] {strides = array<i32>} : memref<16384xi32, #tpu.memory_space<vmem>>, vector<16xi32>,
    %get3A_98 = arith.constant 208 : index
    %get3A_99 = tpu.vector_load %arg4[%get3A_98] {strides = array<i32>} : memref<16384xi32, #tpu.memory_space<vmem>>, vector<16xi32>,
    %add3A_100 = arith.constant 15600 : i32
    %add3A_101 = vector.broadcast %add3A_100 : i32 to vector<16xi32>
    %add3A_102 = arith.addi %mul3A_5, %add3A_101 : vector<16xi32>
    %add3A_103 = arith.addi %get3A_97, %add3A_102 : vector<16xi32>
    tpu.vector_store_idx %arg5[%add3A_103], %broadcast_in_dim3A_14 : memref<42112xi32, #tpu.memory_space<vmem>>[vector<16xi32>], vector<16xi32>,
    %add3A_104 = arith.constant 15600 : i32
    %add3A_105 = vector.broadcast %add3A_104 : i32 to vector<16xi32>
    %add3A_106 = arith.addi %mul3A_11, %add3A_105 : vector<16xi32>
    %add3A_107 = arith.addi %get3A_99, %add3A_106 : vector<16xi32>
    tpu.vector_store_idx %arg5[%add3A_107], %broadcast_in_dim3A_14 masked %lt3A_13 : memref<42112xi32, #tpu.memory_space<vmem>>[vector<16xi32>], vector<16xi32>, vector<16xi1>
    %get3A_108 = arith.constant 224 : index
    %get3A_109 = tpu.vector_load %arg4[%get3A_108] {strides = array<i32>} : memref<16384xi32, #tpu.memory_space<vmem>>, vector<16xi32>,
    %get3A_110 = arith.constant 240 : index
    %get3A_111 = tpu.vector_load %arg4[%get3A_110] {strides = array<i32>} : memref<16384xi32, #tpu.memory_space<vmem>>, vector<16xi32>,
    %add3A_112 = arith.constant 18200 : i32
    %add3A_113 = vector.broadcast %add3A_112 : i32 to vector<16xi32>
    %add3A_114 = arith.addi %mul3A_5, %add3A_113 : vector<16xi32>
    %add3A_115 = arith.addi %get3A_109, %add3A_114 : vector<16xi32>
    tpu.vector_store_idx %arg5[%add3A_115], %broadcast_in_dim3A_14 : memref<42112xi32, #tpu.memory_space<vmem>>[vector<16xi32>], vector<16xi32>,
    %add3A_116 = arith.constant 18200 : i32
    %add3A_117 = vector.broadcast %add3A_116 : i32 to vector<16xi32>
    %add3A_118 = arith.addi %mul3A_11, %add3A_117 : vector<16xi32>
    %add3A_119 = arith.addi %get3A_111, %add3A_118 : vector<16xi32>
    tpu.vector_store_idx %arg5[%add3A_119], %broadcast_in_dim3A_14 masked %lt3A_13 : memref<42112xi32, #tpu.memory_space<vmem>>[vector<16xi32>], vector<16xi32>, vector<16xi1>
    %get3A_120 = arith.constant 256 : index
    %get3A_121 = tpu.vector_load %arg4[%get3A_120] {strides = array<i32>} : memref<16384xi32, #tpu.memory_space<vmem>>, vector<16xi32>,
    %get3A_122 = arith.constant 272 : index
    %get3A_123 = tpu.vector_load %arg4[%get3A_122] {strides = array<i32>} : memref<16384xi32, #tpu.memory_space<vmem>>, vector<16xi32>,
    %add3A_124 = arith.constant 20800 : i32
    %add3A_125 = vector.broadcast %add3A_124 : i32 to vector<16xi32>
    %add3A_126 = arith.addi %mul3A_5, %add3A_125 : vector<16xi32>
    %add3A_127 = arith.addi %get3A_121, %add3A_126 : vector<16xi32>
    tpu.vector_store_idx %arg5[%add3A_127], %broadcast_in_dim3A_14 : memref<42112xi32, #tpu.memory_space<vmem>>[vector<16xi32>], vector<16xi32>,
    %add3A_128 = arith.constant 20800 : i32
    %add3A_129 = vector.broadcast %add3A_128 : i32 to vector<16xi32>
    %add3A_130 = arith.addi %mul3A_11, %add3A_129 : vector<16xi32>
    %add3A_131 = arith.addi %get3A_123, %add3A_130 : vector<16xi32>
    tpu.vector_store_idx %arg5[%add3A_131], %broadcast_in_dim3A_14 masked %lt3A_13 : memref<42112xi32, #tpu.memory_space<vmem>>[vector<16xi32>], vector<16xi32>, vector<16xi1>
    %get3A_132 = arith.constant 288 : index
    %get3A_133 = tpu.vector_load %arg4[%get3A_132] {strides = array<i32>} : memref<16384xi32, #tpu.memory_space<vmem>>, vector<16xi32>,
    %get3A_134 = arith.constant 304 : index
    %get3A_135 = tpu.vector_load %arg4[%get3A_134] {strides = array<i32>} : memref<16384xi32, #tpu.memory_space<vmem>>, vector<16xi32>,
    %add3A_136 = arith.constant 23400 : i32
    %add3A_137 = vector.broadcast %add3A_136 : i32 to vector<16xi32>
    %add3A_138 = arith.addi %mul3A_5, %add3A_137 : vector<16xi32>
    %add3A_139 = arith.addi %get3A_133, %add3A_138 : vector<16xi32>
    tpu.vector_store_idx %arg5[%add3A_139], %broadcast_in_dim3A_14 : memref<42112xi32, #tpu.memory_space<vmem>>[vector<16xi32>], vector<16xi32>,
    %add3A_140 = arith.constant 23400 : i32
    %add3A_141 = vector.broadcast %add3A_140 : i32 to vector<16xi32>
    %add3A_142 = arith.addi %mul3A_11, %add3A_141 : vector<16xi32>
    %add3A_143 = arith.addi %get3A_135, %add3A_142 : vector<16xi32>
    tpu.vector_store_idx %arg5[%add3A_143], %broadcast_in_dim3A_14 masked %lt3A_13 : memref<42112xi32, #tpu.memory_space<vmem>>[vector<16xi32>], vector<16xi32>, vector<16xi1>
    %get3A_144 = arith.constant 320 : index
    %get3A_145 = tpu.vector_load %arg4[%get3A_144] {strides = array<i32>} : memref<16384xi32, #tpu.memory_space<vmem>>, vector<16xi32>,
    %get3A_146 = arith.constant 336 : index
    %get3A_147 = tpu.vector_load %arg4[%get3A_146] {strides = array<i32>} : memref<16384xi32, #tpu.memory_space<vmem>>, vector<16xi32>,
    %add3A_148 = arith.constant 26000 : i32
    %add3A_149 = vector.broadcast %add3A_148 : i32 to vector<16xi32>
    %add3A_150 = arith.addi %mul3A_5, %add3A_149 : vector<16xi32>
    %add3A_151 = arith.addi %get3A_145, %add3A_150 : vector<16xi32>
    tpu.vector_store_idx %arg5[%add3A_151], %broadcast_in_dim3A_14 : memref<42112xi32, #tpu.memory_space<vmem>>[vector<16xi32>], vector<16xi32>,
    %add3A_152 = arith.constant 26000 : i32
    %add3A_153 = vector.broadcast %add3A_152 : i32 to vector<16xi32>
    %add3A_154 = arith.addi %mul3A_11, %add3A_153 : vector<16xi32>
    %add3A_155 = arith.addi %get3A_147, %add3A_154 : vector<16xi32>
    tpu.vector_store_idx %arg5[%add3A_155], %broadcast_in_dim3A_14 masked %lt3A_13 : memref<42112xi32, #tpu.memory_space<vmem>>[vector<16xi32>], vector<16xi32>, vector<16xi1>
    %get3A_156 = arith.constant 352 : index
    %get3A_157 = tpu.vector_load %arg4[%get3A_156] {strides = array<i32>} : memref<16384xi32, #tpu.memory_space<vmem>>, vector<16xi32>,
    %get3A_158 = arith.constant 368 : index
    %get3A_159 = tpu.vector_load %arg4[%get3A_158] {strides = array<i32>} : memref<16384xi32, #tpu.memory_space<vmem>>, vector<16xi32>,
    %add3A_160 = arith.constant 28600 : i32
    %add3A_161 = vector.broadcast %add3A_160 : i32 to vector<16xi32>
    %add3A_162 = arith.addi %mul3A_5, %add3A_161 : vector<16xi32>
    %add3A_163 = arith.addi %get3A_157, %add3A_162 : vector<16xi32>
    tpu.vector_store_idx %arg5[%add3A_163], %broadcast_in_dim3A_14 : memref<42112xi32, #tpu.memory_space<vmem>>[vector<16xi32>], vector<16xi32>,
    %add3A_164 = arith.constant 28600 : i32
    %add3A_165 = vector.broadcast %add3A_164 : i32 to vector<16xi32>
    %add3A_166 = arith.addi %mul3A_11, %add3A_165 : vector<16xi32>
    %add3A_167 = arith.addi %get3A_159, %add3A_166 : vector<16xi32>
    tpu.vector_store_idx %arg5[%add3A_167], %broadcast_in_dim3A_14 masked %lt3A_13 : memref<42112xi32, #tpu.memory_space<vmem>>[vector<16xi32>], vector<16xi32>, vector<16xi1>
    %get3A_168 = arith.constant 384 : index
    %get3A_169 = tpu.vector_load %arg4[%get3A_168] {strides = array<i32>} : memref<16384xi32, #tpu.memory_space<vmem>>, vector<16xi32>,
    %get3A_170 = arith.constant 400 : index
    %get3A_171 = tpu.vector_load %arg4[%get3A_170] {strides = array<i32>} : memref<16384xi32, #tpu.memory_space<vmem>>, vector<16xi32>,
    %add3A_172 = arith.constant 31200 : i32
    %add3A_173 = vector.broadcast %add3A_172 : i32 to vector<16xi32>
    %add3A_174 = arith.addi %mul3A_5, %add3A_173 : vector<16xi32>
    %add3A_175 = arith.addi %get3A_169, %add3A_174 : vector<16xi32>
    tpu.vector_store_idx %arg5[%add3A_175], %broadcast_in_dim3A_14 : memref<42112xi32, #tpu.memory_space<vmem>>[vector<16xi32>], vector<16xi32>,
    %add3A_176 = arith.constant 31200 : i32
    %add3A_177 = vector.broadcast %add3A_176 : i32 to vector<16xi32>
    %add3A_178 = arith.addi %mul3A_11, %add3A_177 : vector<16xi32>
    %add3A_179 = arith.addi %get3A_171, %add3A_178 : vector<16xi32>
    tpu.vector_store_idx %arg5[%add3A_179], %broadcast_in_dim3A_14 masked %lt3A_13 : memref<42112xi32, #tpu.memory_space<vmem>>[vector<16xi32>], vector<16xi32>, vector<16xi1>
    %get3A_180 = arith.constant 416 : index
    %get3A_181 = tpu.vector_load %arg4[%get3A_180] {strides = array<i32>} : memref<16384xi32, #tpu.memory_space<vmem>>, vector<16xi32>,
    %get3A_182 = arith.constant 432 : index
    %get3A_183 = tpu.vector_load %arg4[%get3A_182] {strides = array<i32>} : memref<16384xi32, #tpu.memory_space<vmem>>, vector<16xi32>,
    %add3A_184 = arith.constant 33800 : i32
    %add3A_185 = vector.broadcast %add3A_184 : i32 to vector<16xi32>
    %add3A_186 = arith.addi %mul3A_5, %add3A_185 : vector<16xi32>
    %add3A_187 = arith.addi %get3A_181, %add3A_186 : vector<16xi32>
    tpu.vector_store_idx %arg5[%add3A_187], %broadcast_in_dim3A_14 : memref<42112xi32, #tpu.memory_space<vmem>>[vector<16xi32>], vector<16xi32>,
    %add3A_188 = arith.constant 33800 : i32
    %add3A_189 = vector.broadcast %add3A_188 : i32 to vector<16xi32>
    %add3A_190 = arith.addi %mul3A_11, %add3A_189 : vector<16xi32>
    %add3A_191 = arith.addi %get3A_183, %add3A_190 : vector<16xi32>
    tpu.vector_store_idx %arg5[%add3A_191], %broadcast_in_dim3A_14 masked %lt3A_13 : memref<42112xi32, #tpu.memory_space<vmem>>[vector<16xi32>], vector<16xi32>, vector<16xi1>
    %get3A_192 = arith.constant 448 : index
    %get3A_193 = tpu.vector_load %arg4[%get3A_192] {strides = array<i32>} : memref<16384xi32, #tpu.memory_space<vmem>>, vector<16xi32>,
    %get3A_194 = arith.constant 464 : index
    %get3A_195 = tpu.vector_load %arg4[%get3A_194] {strides = array<i32>} : memref<16384xi32, #tpu.memory_space<vmem>>, vector<16xi32>,
    %add3A_196 = arith.constant 36400 : i32
    %add3A_197 = vector.broadcast %add3A_196 : i32 to vector<16xi32>
    %add3A_198 = arith.addi %mul3A_5, %add3A_197 : vector<16xi32>
    %add3A_199 = arith.addi %get3A_193, %add3A_198 : vector<16xi32>
    tpu.vector_store_idx %arg5[%add3A_199], %broadcast_in_dim3A_14 : memref<42112xi32, #tpu.memory_space<vmem>>[vector<16xi32>], vector<16xi32>,
    %add3A_200 = arith.constant 36400 : i32
    %add3A_201 = vector.broadcast %add3A_200 : i32 to vector<16xi32>
    %add3A_202 = arith.addi %mul3A_11, %add3A_201 : vector<16xi32>
    %add3A_203 = arith.addi %get3A_195, %add3A_202 : vector<16xi32>
    tpu.vector_store_idx %arg5[%add3A_203], %broadcast_in_dim3A_14 masked %lt3A_13 : memref<42112xi32, #tpu.memory_space<vmem>>[vector<16xi32>], vector<16xi32>, vector<16xi1>
    %get3A_204 = arith.constant 480 : index
    %get3A_205 = tpu.vector_load %arg4[%get3A_204] {strides = array<i32>} : memref<16384xi32, #tpu.memory_space<vmem>>, vector<16xi32>,
    %get3A_206 = arith.constant 496 : index
    %get3A_207 = tpu.vector_load %arg4[%get3A_206] {strides = array<i32>} : memref<16384xi32, #tpu.memory_space<vmem>>, vector<16xi32>,
    %add3A_208 = arith.constant 39000 : i32
    %add3A_209 = vector.broadcast %add3A_208 : i32 to vector<16xi32>
    %add3A_210 = arith.addi %mul3A_5, %add3A_209 : vector<16xi32>
    %add3A_211 = arith.addi %get3A_205, %add3A_210 : vector<16xi32>
    tpu.vector_store_idx %arg5[%add3A_211], %broadcast_in_dim3A_14 : memref<42112xi32, #tpu.memory_space<vmem>>[vector<16xi32>], vector<16xi32>,
    %add3A_212 = arith.constant 39000 : i32
    %add3A_213 = vector.broadcast %add3A_212 : i32 to vector<16xi32>
    %add3A_214 = arith.addi %mul3A_11, %add3A_213 : vector<16xi32>
    %add3A_215 = arith.addi %get3A_207, %add3A_214 : vector<16xi32>
    tpu.vector_store_idx %arg5[%add3A_215], %broadcast_in_dim3A_14 masked %lt3A_13 : memref<42112xi32, #tpu.memory_space<vmem>>[vector<16xi32>], vector<16xi32>, vector<16xi1>
    %add3A_216 = arith.constant 0 : i32
    %add3A_217 = arith.addi %mul3A_2, %add3A_216 : i32
    %mul3A_218 = arith.constant 2600 : i32
    %mul3A_219 = arith.muli %add3A_217, %mul3A_218 : i32
    %dma_start3A = arith.constant 0 : i32
    %dma_start3A_220 = tpu.memref_slice %arg5[%dma_start3A] : memref<42112xi32, #tpu.memory_space<vmem>> -> memref<41600xi32, #tpu.memory_space<vmem>>
    %dma_start3A_221 = tpu.memref_slice %arg3[%mul3A_219] : memref<42598400xi32, #tpu.memory_space<hbm>> -> memref<41600xi32, #tpu.memory_space<hbm>>
    %dma_start3A_222 = tpu.memref_slice %arg3[%mul3A_219] : memref<42598400xi32, #tpu.memory_space<hbm>> -> memref<41600xi32, #tpu.memory_space<hbm>>
    %dma_start3A_223 = arith.constant 0 : i32
    %dma_start3A_224 = tpu.memref_slice %arg5[%dma_start3A_223] : memref<42112xi32, #tpu.memory_space<vmem>> -> memref<41600xi32, #tpu.memory_space<vmem>>
    tpu.enqueue_dma source(%dma_start3A_224 : memref<41600xi32, #tpu.memory_space<vmem>>) target(%dma_start3A_222 : memref<41600xi32, #tpu.memory_space<hbm>>) target_semaphore(%arg7 : memref<!tpu.dma_semaphore, #tpu.memory_space<semaphore_mem>>)
    %get3A_225 = arith.constant 512 : index
    %get3A_226 = tpu.vector_load %arg4[%get3A_225] {strides = array<i32>} : memref<16384xi32, #tpu.memory_space<vmem>>, vector<16xi32>,
    %get3A_227 = arith.constant 528 : index
    %get3A_228 = tpu.vector_load %arg4[%get3A_227] {strides = array<i32>} : memref<16384xi32, #tpu.memory_space<vmem>>, vector<16xi32>,
    %add3A_229 = arith.constant 0 : i32
    %add3A_230 = vector.broadcast %add3A_229 : i32 to vector<16xi32>
    %add3A_231 = arith.addi %mul3A_5, %add3A_230 : vector<16xi32>
    %add3A_232 = arith.addi %get3A_226, %add3A_231 : vector<16xi32>
    tpu.vector_store_idx %arg6[%add3A_232], %broadcast_in_dim3A_14 : memref<42112xi32, #tpu.memory_space<vmem>>[vector<16xi32>], vector<16xi32>,
    %add3A_233 = arith.constant 0 : i32
    %add3A_234 = vector.broadcast %add3A_233 : i32 to vector<16xi32>
    %add3A_235 = arith.addi %mul3A_11, %add3A_234 : vector<16xi32>
    %add3A_236 = arith.addi %get3A_228, %add3A_235 : vector<16xi32>
    tpu.vector_store_idx %arg6[%add3A_236], %broadcast_in_dim3A_14 masked %lt3A_13 : memref<42112xi32, #tpu.memory_space<vmem>>[vector<16xi32>], vector<16xi32>, vector<16xi1>
    %get3A_237 = arith.constant 544 : index
    %get3A_238 = tpu.vector_load %arg4[%get3A_237] {strides = array<i32>} : memref<16384xi32, #tpu.memory_space<vmem>>, vector<16xi32>,
    %get3A_239 = arith.constant 560 : index
    %get3A_240 = tpu.vector_load %arg4[%get3A_239] {strides = array<i32>} : memref<16384xi32, #tpu.memory_space<vmem>>, vector<16xi32>,
    %add3A_241 = arith.constant 2600 : i32
    %add3A_242 = vector.broadcast %add3A_241 : i32 to vector<16xi32>
    %add3A_243 = arith.addi %mul3A_5, %add3A_242 : vector<16xi32>
    %add3A_244 = arith.addi %get3A_238, %add3A_243 : vector<16xi32>
    tpu.vector_store_idx %arg6[%add3A_244], %broadcast_in_dim3A_14 : memref<42112xi32, #tpu.memory_space<vmem>>[vector<16xi32>], vector<16xi32>,
    %add3A_245 = arith.constant 2600 : i32
    %add3A_246 = vector.broadcast %add3A_245 : i32 to vector<16xi32>
    %add3A_247 = arith.addi %mul3A_11, %add3A_246 : vector<16xi32>
    %add3A_248 = arith.addi %get3A_240, %add3A_247 : vector<16xi32>
    tpu.vector_store_idx %arg6[%add3A_248], %broadcast_in_dim3A_14 masked %lt3A_13 : memref<42112xi32, #tpu.memory_space<vmem>>[vector<16xi32>], vector<16xi32>, vector<16xi1>
    %get3A_249 = arith.constant 576 : index
    %get3A_250 = tpu.vector_load %arg4[%get3A_249] {strides = array<i32>} : memref<16384xi32, #tpu.memory_space<vmem>>, vector<16xi32>,
    %get3A_251 = arith.constant 592 : index
    %get3A_252 = tpu.vector_load %arg4[%get3A_251] {strides = array<i32>} : memref<16384xi32, #tpu.memory_space<vmem>>, vector<16xi32>,
    %add3A_253 = arith.constant 5200 : i32
    %add3A_254 = vector.broadcast %add3A_253 : i32 to vector<16xi32>
    %add3A_255 = arith.addi %mul3A_5, %add3A_254 : vector<16xi32>
    %add3A_256 = arith.addi %get3A_250, %add3A_255 : vector<16xi32>
    tpu.vector_store_idx %arg6[%add3A_256], %broadcast_in_dim3A_14 : memref<42112xi32, #tpu.memory_space<vmem>>[vector<16xi32>], vector<16xi32>,
    %add3A_257 = arith.constant 5200 : i32
    %add3A_258 = vector.broadcast %add3A_257 : i32 to vector<16xi32>
    %add3A_259 = arith.addi %mul3A_11, %add3A_258 : vector<16xi32>
    %add3A_260 = arith.addi %get3A_252, %add3A_259 : vector<16xi32>
    tpu.vector_store_idx %arg6[%add3A_260], %broadcast_in_dim3A_14 masked %lt3A_13 : memref<42112xi32, #tpu.memory_space<vmem>>[vector<16xi32>], vector<16xi32>, vector<16xi1>
    %get3A_261 = arith.constant 608 : index
    %get3A_262 = tpu.vector_load %arg4[%get3A_261] {strides = array<i32>} : memref<16384xi32, #tpu.memory_space<vmem>>, vector<16xi32>,
    %get3A_263 = arith.constant 624 : index
    %get3A_264 = tpu.vector_load %arg4[%get3A_263] {strides = array<i32>} : memref<16384xi32, #tpu.memory_space<vmem>>, vector<16xi32>,
    %add3A_265 = arith.constant 7800 : i32
    %add3A_266 = vector.broadcast %add3A_265 : i32 to vector<16xi32>
    %add3A_267 = arith.addi %mul3A_5, %add3A_266 : vector<16xi32>
    %add3A_268 = arith.addi %get3A_262, %add3A_267 : vector<16xi32>
    tpu.vector_store_idx %arg6[%add3A_268], %broadcast_in_dim3A_14 : memref<42112xi32, #tpu.memory_space<vmem>>[vector<16xi32>], vector<16xi32>,
    %add3A_269 = arith.constant 7800 : i32
    %add3A_270 = vector.broadcast %add3A_269 : i32 to vector<16xi32>
    %add3A_271 = arith.addi %mul3A_11, %add3A_270 : vector<16xi32>
    %add3A_272 = arith.addi %get3A_264, %add3A_271 : vector<16xi32>
    tpu.vector_store_idx %arg6[%add3A_272], %broadcast_in_dim3A_14 masked %lt3A_13 : memref<42112xi32, #tpu.memory_space<vmem>>[vector<16xi32>], vector<16xi32>, vector<16xi1>
    %get3A_273 = arith.constant 640 : index
    %get3A_274 = tpu.vector_load %arg4[%get3A_273] {strides = array<i32>} : memref<16384xi32, #tpu.memory_space<vmem>>, vector<16xi32>,
    %get3A_275 = arith.constant 656 : index
    %get3A_276 = tpu.vector_load %arg4[%get3A_275] {strides = array<i32>} : memref<16384xi32, #tpu.memory_space<vmem>>, vector<16xi32>,
    %add3A_277 = arith.constant 10400 : i32
    %add3A_278 = vector.broadcast %add3A_277 : i32 to vector<16xi32>
    %add3A_279 = arith.addi %mul3A_5, %add3A_278 : vector<16xi32>
    %add3A_280 = arith.addi %get3A_274, %add3A_279 : vector<16xi32>
    tpu.vector_store_idx %arg6[%add3A_280], %broadcast_in_dim3A_14 : memref<42112xi32, #tpu.memory_space<vmem>>[vector<16xi32>], vector<16xi32>,
    %add3A_281 = arith.constant 10400 : i32
    %add3A_282 = vector.broadcast %add3A_281 : i32 to vector<16xi32>
    %add3A_283 = arith.addi %mul3A_11, %add3A_282 : vector<16xi32>
    %add3A_284 = arith.addi %get3A_276, %add3A_283 : vector<16xi32>
    tpu.vector_store_idx %arg6[%add3A_284], %broadcast_in_dim3A_14 masked %lt3A_13 : memref<42112xi32, #tpu.memory_space<vmem>>[vector<16xi32>], vector<16xi32>, vector<16xi1>
    %get3A_285 = arith.constant 672 : index
    %get3A_286 = tpu.vector_load %arg4[%get3A_285] {strides = array<i32>} : memref<16384xi32, #tpu.memory_space<vmem>>, vector<16xi32>,
    %get3A_287 = arith.constant 688 : index
    %get3A_288 = tpu.vector_load %arg4[%get3A_287] {strides = array<i32>} : memref<16384xi32, #tpu.memory_space<vmem>>, vector<16xi32>,
    %add3A_289 = arith.constant 13000 : i32
    %add3A_290 = vector.broadcast %add3A_289 : i32 to vector<16xi32>
    %add3A_291 = arith.addi %mul3A_5, %add3A_290 : vector<16xi32>
    %add3A_292 = arith.addi %get3A_286, %add3A_291 : vector<16xi32>
    tpu.vector_store_idx %arg6[%add3A_292], %broadcast_in_dim3A_14 : memref<42112xi32, #tpu.memory_space<vmem>>[vector<16xi32>], vector<16xi32>,
    %add3A_293 = arith.constant 13000 : i32
    %add3A_294 = vector.broadcast %add3A_293 : i32 to vector<16xi32>
    %add3A_295 = arith.addi %mul3A_11, %add3A_294 : vector<16xi32>
    %add3A_296 = arith.addi %get3A_288, %add3A_295 : vector<16xi32>
    tpu.vector_store_idx %arg6[%add3A_296], %broadcast_in_dim3A_14 masked %lt3A_13 : memref<42112xi32, #tpu.memory_space<vmem>>[vector<16xi32>], vector<16xi32>, vector<16xi1>
    %get3A_297 = arith.constant 704 : index
    %get3A_298 = tpu.vector_load %arg4[%get3A_297] {strides = array<i32>} : memref<16384xi32, #tpu.memory_space<vmem>>, vector<16xi32>,
    %get3A_299 = arith.constant 720 : index
    %get3A_300 = tpu.vector_load %arg4[%get3A_299] {strides = array<i32>} : memref<16384xi32, #tpu.memory_space<vmem>>, vector<16xi32>,
    %add3A_301 = arith.constant 15600 : i32
    %add3A_302 = vector.broadcast %add3A_301 : i32 to vector<16xi32>
    %add3A_303 = arith.addi %mul3A_5, %add3A_302 : vector<16xi32>
    %add3A_304 = arith.addi %get3A_298, %add3A_303 : vector<16xi32>
    tpu.vector_store_idx %arg6[%add3A_304], %broadcast_in_dim3A_14 : memref<42112xi32, #tpu.memory_space<vmem>>[vector<16xi32>], vector<16xi32>,
    %add3A_305 = arith.constant 15600 : i32
    %add3A_306 = vector.broadcast %add3A_305 : i32 to vector<16xi32>
    %add3A_307 = arith.addi %mul3A_11, %add3A_306 : vector<16xi32>
    %add3A_308 = arith.addi %get3A_300, %add3A_307 : vector<16xi32>
    tpu.vector_store_idx %arg6[%add3A_308], %broadcast_in_dim3A_14 masked %lt3A_13 : memref<42112xi32, #tpu.memory_space<vmem>>[vector<16xi32>], vector<16xi32>, vector<16xi1>
    %get3A_309 = arith.constant 736 : index
    %get3A_310 = tpu.vector_load %arg4[%get3A_309] {strides = array<i32>} : memref<16384xi32, #tpu.memory_space<vmem>>, vector<16xi32>,
    %get3A_311 = arith.constant 752 : index
    %get3A_312 = tpu.vector_load %arg4[%get3A_311] {strides = array<i32>} : memref<16384xi32, #tpu.memory_space<vmem>>, vector<16xi32>,
    %add3A_313 = arith.constant 18200 : i32
    %add3A_314 = vector.broadcast %add3A_313 : i32 to vector<16xi32>
    %add3A_315 = arith.addi %mul3A_5, %add3A_314 : vector<16xi32>
    %add3A_316 = arith.addi %get3A_310, %add3A_315 : vector<16xi32>
    tpu.vector_store_idx %arg6[%add3A_316], %broadcast_in_dim3A_14 : memref<42112xi32, #tpu.memory_space<vmem>>[vector<16xi32>], vector<16xi32>,
    %add3A_317 = arith.constant 18200 : i32
    %add3A_318 = vector.broadcast %add3A_317 : i32 to vector<16xi32>
    %add3A_319 = arith.addi %mul3A_11, %add3A_318 : vector<16xi32>
    %add3A_320 = arith.addi %get3A_312, %add3A_319 : vector<16xi32>
    tpu.vector_store_idx %arg6[%add3A_320], %broadcast_in_dim3A_14 masked %lt3A_13 : memref<42112xi32, #tpu.memory_space<vmem>>[vector<16xi32>], vector<16xi32>, vector<16xi1>
    %get3A_321 = arith.constant 768 : index
    %get3A_322 = tpu.vector_load %arg4[%get3A_321] {strides = array<i32>} : memref<16384xi32, #tpu.memory_space<vmem>>, vector<16xi32>,
    %get3A_323 = arith.constant 784 : index
    %get3A_324 = tpu.vector_load %arg4[%get3A_323] {strides = array<i32>} : memref<16384xi32, #tpu.memory_space<vmem>>, vector<16xi32>,
    %add3A_325 = arith.constant 20800 : i32
    %add3A_326 = vector.broadcast %add3A_325 : i32 to vector<16xi32>
    %add3A_327 = arith.addi %mul3A_5, %add3A_326 : vector<16xi32>
    %add3A_328 = arith.addi %get3A_322, %add3A_327 : vector<16xi32>
    tpu.vector_store_idx %arg6[%add3A_328], %broadcast_in_dim3A_14 : memref<42112xi32, #tpu.memory_space<vmem>>[vector<16xi32>], vector<16xi32>,
    %add3A_329 = arith.constant 20800 : i32
    %add3A_330 = vector.broadcast %add3A_329 : i32 to vector<16xi32>
    %add3A_331 = arith.addi %mul3A_11, %add3A_330 : vector<16xi32>
    %add3A_332 = arith.addi %get3A_324, %add3A_331 : vector<16xi32>
    tpu.vector_store_idx %arg6[%add3A_332], %broadcast_in_dim3A_14 masked %lt3A_13 : memref<42112xi32, #tpu.memory_space<vmem>>[vector<16xi32>], vector<16xi32>, vector<16xi1>
    %get3A_333 = arith.constant 800 : index
    %get3A_334 = tpu.vector_load %arg4[%get3A_333] {strides = array<i32>} : memref<16384xi32, #tpu.memory_space<vmem>>, vector<16xi32>,
    %get3A_335 = arith.constant 816 : index
    %get3A_336 = tpu.vector_load %arg4[%get3A_335] {strides = array<i32>} : memref<16384xi32, #tpu.memory_space<vmem>>, vector<16xi32>,
    %add3A_337 = arith.constant 23400 : i32
    %add3A_338 = vector.broadcast %add3A_337 : i32 to vector<16xi32>
    %add3A_339 = arith.addi %mul3A_5, %add3A_338 : vector<16xi32>
    %add3A_340 = arith.addi %get3A_334, %add3A_339 : vector<16xi32>
    tpu.vector_store_idx %arg6[%add3A_340], %broadcast_in_dim3A_14 : memref<42112xi32, #tpu.memory_space<vmem>>[vector<16xi32>], vector<16xi32>,
    %add3A_341 = arith.constant 23400 : i32
    %add3A_342 = vector.broadcast %add3A_341 : i32 to vector<16xi32>
    %add3A_343 = arith.addi %mul3A_11, %add3A_342 : vector<16xi32>
    %add3A_344 = arith.addi %get3A_336, %add3A_343 : vector<16xi32>
    tpu.vector_store_idx %arg6[%add3A_344], %broadcast_in_dim3A_14 masked %lt3A_13 : memref<42112xi32, #tpu.memory_space<vmem>>[vector<16xi32>], vector<16xi32>, vector<16xi1>
    %get3A_345 = arith.constant 832 : index
    %get3A_346 = tpu.vector_load %arg4[%get3A_345] {strides = array<i32>} : memref<16384xi32, #tpu.memory_space<vmem>>, vector<16xi32>,
    %get3A_347 = arith.constant 848 : index
    %get3A_348 = tpu.vector_load %arg4[%get3A_347] {strides = array<i32>} : memref<16384xi32, #tpu.memory_space<vmem>>, vector<16xi32>,
    %add3A_349 = arith.constant 26000 : i32
    %add3A_350 = vector.broadcast %add3A_349 : i32 to vector<16xi32>
    %add3A_351 = arith.addi %mul3A_5, %add3A_350 : vector<16xi32>
    %add3A_352 = arith.addi %get3A_346, %add3A_351 : vector<16xi32>
    tpu.vector_store_idx %arg6[%add3A_352], %broadcast_in_dim3A_14 : memref<42112xi32, #tpu.memory_space<vmem>>[vector<16xi32>], vector<16xi32>,
    %add3A_353 = arith.constant 26000 : i32
    %add3A_354 = vector.broadcast %add3A_353 : i32 to vector<16xi32>
    %add3A_355 = arith.addi %mul3A_11, %add3A_354 : vector<16xi32>
    %add3A_356 = arith.addi %get3A_348, %add3A_355 : vector<16xi32>
    tpu.vector_store_idx %arg6[%add3A_356], %broadcast_in_dim3A_14 masked %lt3A_13 : memref<42112xi32, #tpu.memory_space<vmem>>[vector<16xi32>], vector<16xi32>, vector<16xi1>
    %get3A_357 = arith.constant 864 : index
    %get3A_358 = tpu.vector_load %arg4[%get3A_357] {strides = array<i32>} : memref<16384xi32, #tpu.memory_space<vmem>>, vector<16xi32>,
    %get3A_359 = arith.constant 880 : index
    %get3A_360 = tpu.vector_load %arg4[%get3A_359] {strides = array<i32>} : memref<16384xi32, #tpu.memory_space<vmem>>, vector<16xi32>,
    %add3A_361 = arith.constant 28600 : i32
    %add3A_362 = vector.broadcast %add3A_361 : i32 to vector<16xi32>
    %add3A_363 = arith.addi %mul3A_5, %add3A_362 : vector<16xi32>
    %add3A_364 = arith.addi %get3A_358, %add3A_363 : vector<16xi32>
    tpu.vector_store_idx %arg6[%add3A_364], %broadcast_in_dim3A_14 : memref<42112xi32, #tpu.memory_space<vmem>>[vector<16xi32>], vector<16xi32>,
    %add3A_365 = arith.constant 28600 : i32
    %add3A_366 = vector.broadcast %add3A_365 : i32 to vector<16xi32>
    %add3A_367 = arith.addi %mul3A_11, %add3A_366 : vector<16xi32>
    %add3A_368 = arith.addi %get3A_360, %add3A_367 : vector<16xi32>
    tpu.vector_store_idx %arg6[%add3A_368], %broadcast_in_dim3A_14 masked %lt3A_13 : memref<42112xi32, #tpu.memory_space<vmem>>[vector<16xi32>], vector<16xi32>, vector<16xi1>
    %get3A_369 = arith.constant 896 : index
    %get3A_370 = tpu.vector_load %arg4[%get3A_369] {strides = array<i32>} : memref<16384xi32, #tpu.memory_space<vmem>>, vector<16xi32>,
    %get3A_371 = arith.constant 912 : index
    %get3A_372 = tpu.vector_load %arg4[%get3A_371] {strides = array<i32>} : memref<16384xi32, #tpu.memory_space<vmem>>, vector<16xi32>,
    %add3A_373 = arith.constant 31200 : i32
    %add3A_374 = vector.broadcast %add3A_373 : i32 to vector<16xi32>
    %add3A_375 = arith.addi %mul3A_5, %add3A_374 : vector<16xi32>
    %add3A_376 = arith.addi %get3A_370, %add3A_375 : vector<16xi32>
    tpu.vector_store_idx %arg6[%add3A_376], %broadcast_in_dim3A_14 : memref<42112xi32, #tpu.memory_space<vmem>>[vector<16xi32>], vector<16xi32>,
    %add3A_377 = arith.constant 31200 : i32
    %add3A_378 = vector.broadcast %add3A_377 : i32 to vector<16xi32>
    %add3A_379 = arith.addi %mul3A_11, %add3A_378 : vector<16xi32>
    %add3A_380 = arith.addi %get3A_372, %add3A_379 : vector<16xi32>
    tpu.vector_store_idx %arg6[%add3A_380], %broadcast_in_dim3A_14 masked %lt3A_13 : memref<42112xi32, #tpu.memory_space<vmem>>[vector<16xi32>], vector<16xi32>, vector<16xi1>
    %get3A_381 = arith.constant 928 : index
    %get3A_382 = tpu.vector_load %arg4[%get3A_381] {strides = array<i32>} : memref<16384xi32, #tpu.memory_space<vmem>>, vector<16xi32>,
    %get3A_383 = arith.constant 944 : index
    %get3A_384 = tpu.vector_load %arg4[%get3A_383] {strides = array<i32>} : memref<16384xi32, #tpu.memory_space<vmem>>, vector<16xi32>,
    %add3A_385 = arith.constant 33800 : i32
    %add3A_386 = vector.broadcast %add3A_385 : i32 to vector<16xi32>
    %add3A_387 = arith.addi %mul3A_5, %add3A_386 : vector<16xi32>
    %add3A_388 = arith.addi %get3A_382, %add3A_387 : vector<16xi32>
    tpu.vector_store_idx %arg6[%add3A_388], %broadcast_in_dim3A_14 : memref<42112xi32, #tpu.memory_space<vmem>>[vector<16xi32>], vector<16xi32>,
    %add3A_389 = arith.constant 33800 : i32
    %add3A_390 = vector.broadcast %add3A_389 : i32 to vector<16xi32>
    %add3A_391 = arith.addi %mul3A_11, %add3A_390 : vector<16xi32>
    %add3A_392 = arith.addi %get3A_384, %add3A_391 : vector<16xi32>
    tpu.vector_store_idx %arg6[%add3A_392], %broadcast_in_dim3A_14 masked %lt3A_13 : memref<42112xi32, #tpu.memory_space<vmem>>[vector<16xi32>], vector<16xi32>, vector<16xi1>
    %get3A_393 = arith.constant 960 : index
    %get3A_394 = tpu.vector_load %arg4[%get3A_393] {strides = array<i32>} : memref<16384xi32, #tpu.memory_space<vmem>>, vector<16xi32>,
    %get3A_395 = arith.constant 976 : index
    %get3A_396 = tpu.vector_load %arg4[%get3A_395] {strides = array<i32>} : memref<16384xi32, #tpu.memory_space<vmem>>, vector<16xi32>,
    %add3A_397 = arith.constant 36400 : i32
    %add3A_398 = vector.broadcast %add3A_397 : i32 to vector<16xi32>
    %add3A_399 = arith.addi %mul3A_5, %add3A_398 : vector<16xi32>
    %add3A_400 = arith.addi %get3A_394, %add3A_399 : vector<16xi32>
    tpu.vector_store_idx %arg6[%add3A_400], %broadcast_in_dim3A_14 : memref<42112xi32, #tpu.memory_space<vmem>>[vector<16xi32>], vector<16xi32>,
    %add3A_401 = arith.constant 36400 : i32
    %add3A_402 = vector.broadcast %add3A_401 : i32 to vector<16xi32>
    %add3A_403 = arith.addi %mul3A_11, %add3A_402 : vector<16xi32>
    %add3A_404 = arith.addi %get3A_396, %add3A_403 : vector<16xi32>
    tpu.vector_store_idx %arg6[%add3A_404], %broadcast_in_dim3A_14 masked %lt3A_13 : memref<42112xi32, #tpu.memory_space<vmem>>[vector<16xi32>], vector<16xi32>, vector<16xi1>
    %get3A_405 = arith.constant 992 : index
    %get3A_406 = tpu.vector_load %arg4[%get3A_405] {strides = array<i32>} : memref<16384xi32, #tpu.memory_space<vmem>>, vector<16xi32>,
    %get3A_407 = arith.constant 1008 : index
    %get3A_408 = tpu.vector_load %arg4[%get3A_407] {strides = array<i32>} : memref<16384xi32, #tpu.memory_space<vmem>>, vector<16xi32>,
    %add3A_409 = arith.constant 39000 : i32
    %add3A_410 = vector.broadcast %add3A_409 : i32 to vector<16xi32>
    %add3A_411 = arith.addi %mul3A_5, %add3A_410 : vector<16xi32>
    %add3A_412 = arith.addi %get3A_406, %add3A_411 : vector<16xi32>
    tpu.vector_store_idx %arg6[%add3A_412], %broadcast_in_dim3A_14 : memref<42112xi32, #tpu.memory_space<vmem>>[vector<16xi32>], vector<16xi32>,
    %add3A_413 = arith.constant 39000 : i32
    %add3A_414 = vector.broadcast %add3A_413 : i32 to vector<16xi32>
    %add3A_415 = arith.addi %mul3A_11, %add3A_414 : vector<16xi32>
    %add3A_416 = arith.addi %get3A_408, %add3A_415 : vector<16xi32>
    tpu.vector_store_idx %arg6[%add3A_416], %broadcast_in_dim3A_14 masked %lt3A_13 : memref<42112xi32, #tpu.memory_space<vmem>>[vector<16xi32>], vector<16xi32>, vector<16xi1>
    %add3A_417 = arith.constant 16 : i32
    %add3A_418 = arith.addi %mul3A_2, %add3A_417 : i32
    %mul3A_419 = arith.constant 2600 : i32
    %mul3A_420 = arith.muli %add3A_418, %mul3A_419 : i32
    %dma_start3A_421 = arith.constant 0 : i32
    %dma_start3A_422 = tpu.memref_slice %arg6[%dma_start3A_421] : memref<42112xi32, #tpu.memory_space<vmem>> -> memref<41600xi32, #tpu.memory_space<vmem>>
    %dma_start3A_423 = tpu.memref_slice %arg3[%mul3A_420] : memref<42598400xi32, #tpu.memory_space<hbm>> -> memref<41600xi32, #tpu.memory_space<hbm>>
    %dma_start3A_424 = tpu.memref_slice %arg3[%mul3A_420] : memref<42598400xi32, #tpu.memory_space<hbm>> -> memref<41600xi32, #tpu.memory_space<hbm>>
    %dma_start3A_425 = arith.constant 0 : i32
    %dma_start3A_426 = tpu.memref_slice %arg6[%dma_start3A_425] : memref<42112xi32, #tpu.memory_space<vmem>> -> memref<41600xi32, #tpu.memory_space<vmem>>
    tpu.enqueue_dma source(%dma_start3A_426 : memref<41600xi32, #tpu.memory_space<vmem>>) target(%dma_start3A_424 : memref<41600xi32, #tpu.memory_space<hbm>>) target_semaphore(%arg8 : memref<!tpu.dma_semaphore, #tpu.memory_space<semaphore_mem>>)
    %scan3A_427 = arith.constant 0 : i32
    %scan3A_428 = arith.constant 1 : i32
    %scan3A_429 = arith.constant 15 : i32
    %scan3A_430 = arith.addi %scan3A_428, %scan3A_429 : i32
    %scan3A_431 = arith.constant 1 : i32
    %scan3A_432 = scf.for %scan3A_449 = %scan3A_428 to %scan3A_430 step %scan3A_431 iter_args(%scan3A_450 = %scan3A_427) -> (i32)  : i32 {
      %mul3A_451 = arith.constant 2 : i32
      %mul3A_452 = arith.muli %scan3A_449, %mul3A_451 : i32
      %add3A_453 = arith.constant 0 : i32
      %add3A_454 = arith.addi %mul3A_452, %add3A_453 : i32
      %mul3A_455 = arith.constant 2600 : i32
      %mul3A_456 = arith.muli %mul3A_2, %mul3A_455 : i32
      %dma_wait3A_457 = arith.constant 0 : i32
      %dma_wait3A_458 = tpu.memref_slice %arg5[%dma_wait3A_457] : memref<42112xi32, #tpu.memory_space<vmem>> -> memref<41600xi32, #tpu.memory_space<vmem>>
      %dma_wait3A_459 = tpu.memref_slice %arg3[%mul3A_456] : memref<42598400xi32, #tpu.memory_space<hbm>> -> memref<41600xi32, #tpu.memory_space<hbm>>
      %dma_wait3A_460 = tpu.memref_slice %arg3[%mul3A_456] : memref<42598400xi32, #tpu.memory_space<hbm>> -> memref<41600xi32, #tpu.memory_space<hbm>>
      %dma_wait3A_461 = arith.constant 0 : i32
      %dma_wait3A_462 = tpu.memref_slice %arg5[%dma_wait3A_461] : memref<42112xi32, #tpu.memory_space<vmem>> -> memref<41600xi32, #tpu.memory_space<vmem>>
      tpu.wait_dma2 semaphore(%arg7 : memref<!tpu.dma_semaphore, #tpu.memory_space<semaphore_mem>>) src(%dma_wait3A_462 : memref<41600xi32, #tpu.memory_space<vmem>>) dst(%dma_wait3A_460 : memref<41600xi32, #tpu.memory_space<hbm>>)
      %sub3A = arith.constant 2 : i32
      %sub3A_463 = arith.subi %add3A_454, %sub3A : i32
      %mul3A_464 = arith.constant 16 : i32
      %mul3A_465 = arith.muli %sub3A_463, %mul3A_464 : i32
      %add3A_466 = arith.constant 0 : i32
      %add3A_467 = arith.addi %mul3A_465, %add3A_466 : i32
      %mul3A_468 = arith.constant 32 : i32
      %mul3A_469 = arith.muli %add3A_467, %mul3A_468 : i32
      %get3A_470 = arith.index_cast %mul3A_469 : i32 to index
      %get3A_471 = tpu.vector_load %arg4[%get3A_470] {strides = array<i32>} : memref<16384xi32, #tpu.memory_space<vmem>>, vector<16xi32>,
      %add3A_472 = arith.constant 16 : i32
      %add3A_473 = arith.addi %mul3A_469, %add3A_472 : i32
      %get3A_474 = arith.index_cast %add3A_473 : i32 to index
      %get3A_475 = tpu.vector_load %arg4[%get3A_474] {strides = array<i32>} : memref<16384xi32, #tpu.memory_space<vmem>>, vector<16xi32>,
      %add3A_476 = arith.constant 0 : i32
      %add3A_477 = vector.broadcast %add3A_476 : i32 to vector<16xi32>
      %add3A_478 = arith.addi %mul3A_5, %add3A_477 : vector<16xi32>
      %add3A_479 = arith.addi %get3A_471, %add3A_478 : vector<16xi32>
      tpu.vector_store_idx %arg5[%add3A_479], %broadcast_in_dim3A_16 : memref<42112xi32, #tpu.memory_space<vmem>>[vector<16xi32>], vector<16xi32>,
      %add3A_480 = arith.constant 0 : i32
      %add3A_481 = vector.broadcast %add3A_480 : i32 to vector<16xi32>
      %add3A_482 = arith.addi %mul3A_11, %add3A_481 : vector<16xi32>
      %add3A_483 = arith.addi %get3A_475, %add3A_482 : vector<16xi32>
      tpu.vector_store_idx %arg5[%add3A_483], %broadcast_in_dim3A_16 masked %lt3A_13 : memref<42112xi32, #tpu.memory_space<vmem>>[vector<16xi32>], vector<16xi32>, vector<16xi1>
      %mul3A_484 = arith.constant 16 : i32
      %mul3A_485 = arith.muli %sub3A_463, %mul3A_484 : i32
      %add3A_486 = arith.constant 1 : i32
      %add3A_487 = arith.addi %mul3A_485, %add3A_486 : i32
      %mul3A_488 = arith.constant 32 : i32
      %mul3A_489 = arith.muli %add3A_487, %mul3A_488 : i32
      %get3A_490 = arith.index_cast %mul3A_489 : i32 to index
      %get3A_491 = tpu.vector_load %arg4[%get3A_490] {strides = array<i32>} : memref<16384xi32, #tpu.memory_space<vmem>>, vector<16xi32>,
      %add3A_492 = arith.constant 16 : i32
      %add3A_493 = arith.addi %mul3A_489, %add3A_492 : i32
      %get3A_494 = arith.index_cast %add3A_493 : i32 to index
      %get3A_495 = tpu.vector_load %arg4[%get3A_494] {strides = array<i32>} : memref<16384xi32, #tpu.memory_space<vmem>>, vector<16xi32>,
      %add3A_496 = arith.constant 2600 : i32
      %add3A_497 = vector.broadcast %add3A_496 : i32 to vector<16xi32>
      %add3A_498 = arith.addi %mul3A_5, %add3A_497 : vector<16xi32>
      %add3A_499 = arith.addi %get3A_491, %add3A_498 : vector<16xi32>
      tpu.vector_store_idx %arg5[%add3A_499], %broadcast_in_dim3A_16 : memref<42112xi32, #tpu.memory_space<vmem>>[vector<16xi32>], vector<16xi32>,
      %add3A_500 = arith.constant 2600 : i32
      %add3A_501 = vector.broadcast %add3A_500 : i32 to vector<16xi32>
      %add3A_502 = arith.addi %mul3A_11, %add3A_501 : vector<16xi32>
      %add3A_503 = arith.addi %get3A_495, %add3A_502 : vector<16xi32>
      tpu.vector_store_idx %arg5[%add3A_503], %broadcast_in_dim3A_16 masked %lt3A_13 : memref<42112xi32, #tpu.memory_space<vmem>>[vector<16xi32>], vector<16xi32>, vector<16xi1>
      %mul3A_504 = arith.constant 16 : i32
      %mul3A_505 = arith.muli %sub3A_463, %mul3A_504 : i32
      %add3A_506 = arith.constant 2 : i32
      %add3A_507 = arith.addi %mul3A_505, %add3A_506 : i32
      %mul3A_508 = arith.constant 32 : i32
      %mul3A_509 = arith.muli %add3A_507, %mul3A_508 : i32
      %get3A_510 = arith.index_cast %mul3A_509 : i32 to index
      %get3A_511 = tpu.vector_load %arg4[%get3A_510] {strides = array<i32>} : memref<16384xi32, #tpu.memory_space<vmem>>, vector<16xi32>,
      %add3A_512 = arith.constant 16 : i32
      %add3A_513 = arith.addi %mul3A_509, %add3A_512 : i32
      %get3A_514 = arith.index_cast %add3A_513 : i32 to index
      %get3A_515 = tpu.vector_load %arg4[%get3A_514] {strides = array<i32>} : memref<16384xi32, #tpu.memory_space<vmem>>, vector<16xi32>,
      %add3A_516 = arith.constant 5200 : i32
      %add3A_517 = vector.broadcast %add3A_516 : i32 to vector<16xi32>
      %add3A_518 = arith.addi %mul3A_5, %add3A_517 : vector<16xi32>
      %add3A_519 = arith.addi %get3A_511, %add3A_518 : vector<16xi32>
      tpu.vector_store_idx %arg5[%add3A_519], %broadcast_in_dim3A_16 : memref<42112xi32, #tpu.memory_space<vmem>>[vector<16xi32>], vector<16xi32>,
      %add3A_520 = arith.constant 5200 : i32
      %add3A_521 = vector.broadcast %add3A_520 : i32 to vector<16xi32>
      %add3A_522 = arith.addi %mul3A_11, %add3A_521 : vector<16xi32>
      %add3A_523 = arith.addi %get3A_515, %add3A_522 : vector<16xi32>
      tpu.vector_store_idx %arg5[%add3A_523], %broadcast_in_dim3A_16 masked %lt3A_13 : memref<42112xi32, #tpu.memory_space<vmem>>[vector<16xi32>], vector<16xi32>, vector<16xi1>
      %mul3A_524 = arith.constant 16 : i32
      %mul3A_525 = arith.muli %sub3A_463, %mul3A_524 : i32
      %add3A_526 = arith.constant 3 : i32
      %add3A_527 = arith.addi %mul3A_525, %add3A_526 : i32
      %mul3A_528 = arith.constant 32 : i32
      %mul3A_529 = arith.muli %add3A_527, %mul3A_528 : i32
      %get3A_530 = arith.index_cast %mul3A_529 : i32 to index
      %get3A_531 = tpu.vector_load %arg4[%get3A_530] {strides = array<i32>} : memref<16384xi32, #tpu.memory_space<vmem>>, vector<16xi32>,
      %add3A_532 = arith.constant 16 : i32
      %add3A_533 = arith.addi %mul3A_529, %add3A_532 : i32
      %get3A_534 = arith.index_cast %add3A_533 : i32 to index
      %get3A_535 = tpu.vector_load %arg4[%get3A_534] {strides = array<i32>} : memref<16384xi32, #tpu.memory_space<vmem>>, vector<16xi32>,
      %add3A_536 = arith.constant 7800 : i32
      %add3A_537 = vector.broadcast %add3A_536 : i32 to vector<16xi32>
      %add3A_538 = arith.addi %mul3A_5, %add3A_537 : vector<16xi32>
      %add3A_539 = arith.addi %get3A_531, %add3A_538 : vector<16xi32>
      tpu.vector_store_idx %arg5[%add3A_539], %broadcast_in_dim3A_16 : memref<42112xi32, #tpu.memory_space<vmem>>[vector<16xi32>], vector<16xi32>,
      %add3A_540 = arith.constant 7800 : i32
      %add3A_541 = vector.broadcast %add3A_540 : i32 to vector<16xi32>
      %add3A_542 = arith.addi %mul3A_11, %add3A_541 : vector<16xi32>
      %add3A_543 = arith.addi %get3A_535, %add3A_542 : vector<16xi32>
      tpu.vector_store_idx %arg5[%add3A_543], %broadcast_in_dim3A_16 masked %lt3A_13 : memref<42112xi32, #tpu.memory_space<vmem>>[vector<16xi32>], vector<16xi32>, vector<16xi1>
      %mul3A_544 = arith.constant 16 : i32
      %mul3A_545 = arith.muli %sub3A_463, %mul3A_544 : i32
      %add3A_546 = arith.constant 4 : i32
      %add3A_547 = arith.addi %mul3A_545, %add3A_546 : i32
      %mul3A_548 = arith.constant 32 : i32
      %mul3A_549 = arith.muli %add3A_547, %mul3A_548 : i32
      %get3A_550 = arith.index_cast %mul3A_549 : i32 to index
      %get3A_551 = tpu.vector_load %arg4[%get3A_550] {strides = array<i32>} : memref<16384xi32, #tpu.memory_space<vmem>>, vector<16xi32>,
      %add3A_552 = arith.constant 16 : i32
      %add3A_553 = arith.addi %mul3A_549, %add3A_552 : i32
      %get3A_554 = arith.index_cast %add3A_553 : i32 to index
      %get3A_555 = tpu.vector_load %arg4[%get3A_554] {strides = array<i32>} : memref<16384xi32, #tpu.memory_space<vmem>>, vector<16xi32>,
      %add3A_556 = arith.constant 10400 : i32
      %add3A_557 = vector.broadcast %add3A_556 : i32 to vector<16xi32>
      %add3A_558 = arith.addi %mul3A_5, %add3A_557 : vector<16xi32>
      %add3A_559 = arith.addi %get3A_551, %add3A_558 : vector<16xi32>
      tpu.vector_store_idx %arg5[%add3A_559], %broadcast_in_dim3A_16 : memref<42112xi32, #tpu.memory_space<vmem>>[vector<16xi32>], vector<16xi32>,
      %add3A_560 = arith.constant 10400 : i32
      %add3A_561 = vector.broadcast %add3A_560 : i32 to vector<16xi32>
      %add3A_562 = arith.addi %mul3A_11, %add3A_561 : vector<16xi32>
      %add3A_563 = arith.addi %get3A_555, %add3A_562 : vector<16xi32>
      tpu.vector_store_idx %arg5[%add3A_563], %broadcast_in_dim3A_16 masked %lt3A_13 : memref<42112xi32, #tpu.memory_space<vmem>>[vector<16xi32>], vector<16xi32>, vector<16xi1>
      %mul3A_564 = arith.constant 16 : i32
      %mul3A_565 = arith.muli %sub3A_463, %mul3A_564 : i32
      %add3A_566 = arith.constant 5 : i32
      %add3A_567 = arith.addi %mul3A_565, %add3A_566 : i32
      %mul3A_568 = arith.constant 32 : i32
      %mul3A_569 = arith.muli %add3A_567, %mul3A_568 : i32
      %get3A_570 = arith.index_cast %mul3A_569 : i32 to index
      %get3A_571 = tpu.vector_load %arg4[%get3A_570] {strides = array<i32>} : memref<16384xi32, #tpu.memory_space<vmem>>, vector<16xi32>,
      %add3A_572 = arith.constant 16 : i32
      %add3A_573 = arith.addi %mul3A_569, %add3A_572 : i32
      %get3A_574 = arith.index_cast %add3A_573 : i32 to index
      %get3A_575 = tpu.vector_load %arg4[%get3A_574] {strides = array<i32>} : memref<16384xi32, #tpu.memory_space<vmem>>, vector<16xi32>,
      %add3A_576 = arith.constant 13000 : i32
      %add3A_577 = vector.broadcast %add3A_576 : i32 to vector<16xi32>
      %add3A_578 = arith.addi %mul3A_5, %add3A_577 : vector<16xi32>
      %add3A_579 = arith.addi %get3A_571, %add3A_578 : vector<16xi32>
      tpu.vector_store_idx %arg5[%add3A_579], %broadcast_in_dim3A_16 : memref<42112xi32, #tpu.memory_space<vmem>>[vector<16xi32>], vector<16xi32>,
      %add3A_580 = arith.constant 13000 : i32
      %add3A_581 = vector.broadcast %add3A_580 : i32 to vector<16xi32>
      %add3A_582 = arith.addi %mul3A_11, %add3A_581 : vector<16xi32>
      %add3A_583 = arith.addi %get3A_575, %add3A_582 : vector<16xi32>
      tpu.vector_store_idx %arg5[%add3A_583], %broadcast_in_dim3A_16 masked %lt3A_13 : memref<42112xi32, #tpu.memory_space<vmem>>[vector<16xi32>], vector<16xi32>, vector<16xi1>
      %mul3A_584 = arith.constant 16 : i32
      %mul3A_585 = arith.muli %sub3A_463, %mul3A_584 : i32
      %add3A_586 = arith.constant 6 : i32
      %add3A_587 = arith.addi %mul3A_585, %add3A_586 : i32
      %mul3A_588 = arith.constant 32 : i32
      %mul3A_589 = arith.muli %add3A_587, %mul3A_588 : i32
      %get3A_590 = arith.index_cast %mul3A_589 : i32 to index
      %get3A_591 = tpu.vector_load %arg4[%get3A_590] {strides = array<i32>} : memref<16384xi32, #tpu.memory_space<vmem>>, vector<16xi32>,
      %add3A_592 = arith.constant 16 : i32
      %add3A_593 = arith.addi %mul3A_589, %add3A_592 : i32
      %get3A_594 = arith.index_cast %add3A_593 : i32 to index
      %get3A_595 = tpu.vector_load %arg4[%get3A_594] {strides = array<i32>} : memref<16384xi32, #tpu.memory_space<vmem>>, vector<16xi32>,
      %add3A_596 = arith.constant 15600 : i32
      %add3A_597 = vector.broadcast %add3A_596 : i32 to vector<16xi32>
      %add3A_598 = arith.addi %mul3A_5, %add3A_597 : vector<16xi32>
      %add3A_599 = arith.addi %get3A_591, %add3A_598 : vector<16xi32>
      tpu.vector_store_idx %arg5[%add3A_599], %broadcast_in_dim3A_16 : memref<42112xi32, #tpu.memory_space<vmem>>[vector<16xi32>], vector<16xi32>,
      %add3A_600 = arith.constant 15600 : i32
      %add3A_601 = vector.broadcast %add3A_600 : i32 to vector<16xi32>
      %add3A_602 = arith.addi %mul3A_11, %add3A_601 : vector<16xi32>
      %add3A_603 = arith.addi %get3A_595, %add3A_602 : vector<16xi32>
      tpu.vector_store_idx %arg5[%add3A_603], %broadcast_in_dim3A_16 masked %lt3A_13 : memref<42112xi32, #tpu.memory_space<vmem>>[vector<16xi32>], vector<16xi32>, vector<16xi1>
      %mul3A_604 = arith.constant 16 : i32
      %mul3A_605 = arith.muli %sub3A_463, %mul3A_604 : i32
      %add3A_606 = arith.constant 7 : i32
      %add3A_607 = arith.addi %mul3A_605, %add3A_606 : i32
      %mul3A_608 = arith.constant 32 : i32
      %mul3A_609 = arith.muli %add3A_607, %mul3A_608 : i32
      %get3A_610 = arith.index_cast %mul3A_609 : i32 to index
      %get3A_611 = tpu.vector_load %arg4[%get3A_610] {strides = array<i32>} : memref<16384xi32, #tpu.memory_space<vmem>>, vector<16xi32>,
      %add3A_612 = arith.constant 16 : i32
      %add3A_613 = arith.addi %mul3A_609, %add3A_612 : i32
      %get3A_614 = arith.index_cast %add3A_613 : i32 to index
      %get3A_615 = tpu.vector_load %arg4[%get3A_614] {strides = array<i32>} : memref<16384xi32, #tpu.memory_space<vmem>>, vector<16xi32>,
      %add3A_616 = arith.constant 18200 : i32
      %add3A_617 = vector.broadcast %add3A_616 : i32 to vector<16xi32>
      %add3A_618 = arith.addi %mul3A_5, %add3A_617 : vector<16xi32>
      %add3A_619 = arith.addi %get3A_611, %add3A_618 : vector<16xi32>
      tpu.vector_store_idx %arg5[%add3A_619], %broadcast_in_dim3A_16 : memref<42112xi32, #tpu.memory_space<vmem>>[vector<16xi32>], vector<16xi32>,
      %add3A_620 = arith.constant 18200 : i32
      %add3A_621 = vector.broadcast %add3A_620 : i32 to vector<16xi32>
      %add3A_622 = arith.addi %mul3A_11, %add3A_621 : vector<16xi32>
      %add3A_623 = arith.addi %get3A_615, %add3A_622 : vector<16xi32>
      tpu.vector_store_idx %arg5[%add3A_623], %broadcast_in_dim3A_16 masked %lt3A_13 : memref<42112xi32, #tpu.memory_space<vmem>>[vector<16xi32>], vector<16xi32>, vector<16xi1>
      %mul3A_624 = arith.constant 16 : i32
      %mul3A_625 = arith.muli %sub3A_463, %mul3A_624 : i32
      %add3A_626 = arith.constant 8 : i32
      %add3A_627 = arith.addi %mul3A_625, %add3A_626 : i32
      %mul3A_628 = arith.constant 32 : i32
      %mul3A_629 = arith.muli %add3A_627, %mul3A_628 : i32
      %get3A_630 = arith.index_cast %mul3A_629 : i32 to index
      %get3A_631 = tpu.vector_load %arg4[%get3A_630] {strides = array<i32>} : memref<16384xi32, #tpu.memory_space<vmem>>, vector<16xi32>,
      %add3A_632 = arith.constant 16 : i32
      %add3A_633 = arith.addi %mul3A_629, %add3A_632 : i32
      %get3A_634 = arith.index_cast %add3A_633 : i32 to index
      %get3A_635 = tpu.vector_load %arg4[%get3A_634] {strides = array<i32>} : memref<16384xi32, #tpu.memory_space<vmem>>, vector<16xi32>,
      %add3A_636 = arith.constant 20800 : i32
      %add3A_637 = vector.broadcast %add3A_636 : i32 to vector<16xi32>
      %add3A_638 = arith.addi %mul3A_5, %add3A_637 : vector<16xi32>
      %add3A_639 = arith.addi %get3A_631, %add3A_638 : vector<16xi32>
      tpu.vector_store_idx %arg5[%add3A_639], %broadcast_in_dim3A_16 : memref<42112xi32, #tpu.memory_space<vmem>>[vector<16xi32>], vector<16xi32>,
      %add3A_640 = arith.constant 20800 : i32
      %add3A_641 = vector.broadcast %add3A_640 : i32 to vector<16xi32>
      %add3A_642 = arith.addi %mul3A_11, %add3A_641 : vector<16xi32>
      %add3A_643 = arith.addi %get3A_635, %add3A_642 : vector<16xi32>
      tpu.vector_store_idx %arg5[%add3A_643], %broadcast_in_dim3A_16 masked %lt3A_13 : memref<42112xi32, #tpu.memory_space<vmem>>[vector<16xi32>], vector<16xi32>, vector<16xi1>
      %mul3A_644 = arith.constant 16 : i32
      %mul3A_645 = arith.muli %sub3A_463, %mul3A_644 : i32
      %add3A_646 = arith.constant 9 : i32
      %add3A_647 = arith.addi %mul3A_645, %add3A_646 : i32
      %mul3A_648 = arith.constant 32 : i32
      %mul3A_649 = arith.muli %add3A_647, %mul3A_648 : i32
      %get3A_650 = arith.index_cast %mul3A_649 : i32 to index
      %get3A_651 = tpu.vector_load %arg4[%get3A_650] {strides = array<i32>} : memref<16384xi32, #tpu.memory_space<vmem>>, vector<16xi32>,
      %add3A_652 = arith.constant 16 : i32
      %add3A_653 = arith.addi %mul3A_649, %add3A_652 : i32
      %get3A_654 = arith.index_cast %add3A_653 : i32 to index
      %get3A_655 = tpu.vector_load %arg4[%get3A_654] {strides = array<i32>} : memref<16384xi32, #tpu.memory_space<vmem>>, vector<16xi32>,
      %add3A_656 = arith.constant 23400 : i32
      %add3A_657 = vector.broadcast %add3A_656 : i32 to vector<16xi32>
      %add3A_658 = arith.addi %mul3A_5, %add3A_657 : vector<16xi32>
      %add3A_659 = arith.addi %get3A_651, %add3A_658 : vector<16xi32>
      tpu.vector_store_idx %arg5[%add3A_659], %broadcast_in_dim3A_16 : memref<42112xi32, #tpu.memory_space<vmem>>[vector<16xi32>], vector<16xi32>,
      %add3A_660 = arith.constant 23400 : i32
      %add3A_661 = vector.broadcast %add3A_660 : i32 to vector<16xi32>
      %add3A_662 = arith.addi %mul3A_11, %add3A_661 : vector<16xi32>
      %add3A_663 = arith.addi %get3A_655, %add3A_662 : vector<16xi32>
      tpu.vector_store_idx %arg5[%add3A_663], %broadcast_in_dim3A_16 masked %lt3A_13 : memref<42112xi32, #tpu.memory_space<vmem>>[vector<16xi32>], vector<16xi32>, vector<16xi1>
      %mul3A_664 = arith.constant 16 : i32
      %mul3A_665 = arith.muli %sub3A_463, %mul3A_664 : i32
      %add3A_666 = arith.constant 10 : i32
      %add3A_667 = arith.addi %mul3A_665, %add3A_666 : i32
      %mul3A_668 = arith.constant 32 : i32
      %mul3A_669 = arith.muli %add3A_667, %mul3A_668 : i32
      %get3A_670 = arith.index_cast %mul3A_669 : i32 to index
      %get3A_671 = tpu.vector_load %arg4[%get3A_670] {strides = array<i32>} : memref<16384xi32, #tpu.memory_space<vmem>>, vector<16xi32>,
      %add3A_672 = arith.constant 16 : i32
      %add3A_673 = arith.addi %mul3A_669, %add3A_672 : i32
      %get3A_674 = arith.index_cast %add3A_673 : i32 to index
      %get3A_675 = tpu.vector_load %arg4[%get3A_674] {strides = array<i32>} : memref<16384xi32, #tpu.memory_space<vmem>>, vector<16xi32>,
      %add3A_676 = arith.constant 26000 : i32
      %add3A_677 = vector.broadcast %add3A_676 : i32 to vector<16xi32>
      %add3A_678 = arith.addi %mul3A_5, %add3A_677 : vector<16xi32>
      %add3A_679 = arith.addi %get3A_671, %add3A_678 : vector<16xi32>
      tpu.vector_store_idx %arg5[%add3A_679], %broadcast_in_dim3A_16 : memref<42112xi32, #tpu.memory_space<vmem>>[vector<16xi32>], vector<16xi32>,
      %add3A_680 = arith.constant 26000 : i32
      %add3A_681 = vector.broadcast %add3A_680 : i32 to vector<16xi32>
      %add3A_682 = arith.addi %mul3A_11, %add3A_681 : vector<16xi32>
      %add3A_683 = arith.addi %get3A_675, %add3A_682 : vector<16xi32>
      tpu.vector_store_idx %arg5[%add3A_683], %broadcast_in_dim3A_16 masked %lt3A_13 : memref<42112xi32, #tpu.memory_space<vmem>>[vector<16xi32>], vector<16xi32>, vector<16xi1>
      %mul3A_684 = arith.constant 16 : i32
      %mul3A_685 = arith.muli %sub3A_463, %mul3A_684 : i32
      %add3A_686 = arith.constant 11 : i32
      %add3A_687 = arith.addi %mul3A_685, %add3A_686 : i32
      %mul3A_688 = arith.constant 32 : i32
      %mul3A_689 = arith.muli %add3A_687, %mul3A_688 : i32
      %get3A_690 = arith.index_cast %mul3A_689 : i32 to index
      %get3A_691 = tpu.vector_load %arg4[%get3A_690] {strides = array<i32>} : memref<16384xi32, #tpu.memory_space<vmem>>, vector<16xi32>,
      %add3A_692 = arith.constant 16 : i32
      %add3A_693 = arith.addi %mul3A_689, %add3A_692 : i32
      %get3A_694 = arith.index_cast %add3A_693 : i32 to index
      %get3A_695 = tpu.vector_load %arg4[%get3A_694] {strides = array<i32>} : memref<16384xi32, #tpu.memory_space<vmem>>, vector<16xi32>,
      %add3A_696 = arith.constant 28600 : i32
      %add3A_697 = vector.broadcast %add3A_696 : i32 to vector<16xi32>
      %add3A_698 = arith.addi %mul3A_5, %add3A_697 : vector<16xi32>
      %add3A_699 = arith.addi %get3A_691, %add3A_698 : vector<16xi32>
      tpu.vector_store_idx %arg5[%add3A_699], %broadcast_in_dim3A_16 : memref<42112xi32, #tpu.memory_space<vmem>>[vector<16xi32>], vector<16xi32>,
      %add3A_700 = arith.constant 28600 : i32
      %add3A_701 = vector.broadcast %add3A_700 : i32 to vector<16xi32>
      %add3A_702 = arith.addi %mul3A_11, %add3A_701 : vector<16xi32>
      %add3A_703 = arith.addi %get3A_695, %add3A_702 : vector<16xi32>
      tpu.vector_store_idx %arg5[%add3A_703], %broadcast_in_dim3A_16 masked %lt3A_13 : memref<42112xi32, #tpu.memory_space<vmem>>[vector<16xi32>], vector<16xi32>, vector<16xi1>
      %mul3A_704 = arith.constant 16 : i32
      %mul3A_705 = arith.muli %sub3A_463, %mul3A_704 : i32
      %add3A_706 = arith.constant 12 : i32
      %add3A_707 = arith.addi %mul3A_705, %add3A_706 : i32
      %mul3A_708 = arith.constant 32 : i32
      %mul3A_709 = arith.muli %add3A_707, %mul3A_708 : i32
      %get3A_710 = arith.index_cast %mul3A_709 : i32 to index
      %get3A_711 = tpu.vector_load %arg4[%get3A_710] {strides = array<i32>} : memref<16384xi32, #tpu.memory_space<vmem>>, vector<16xi32>,
      %add3A_712 = arith.constant 16 : i32
      %add3A_713 = arith.addi %mul3A_709, %add3A_712 : i32
      %get3A_714 = arith.index_cast %add3A_713 : i32 to index
      %get3A_715 = tpu.vector_load %arg4[%get3A_714] {strides = array<i32>} : memref<16384xi32, #tpu.memory_space<vmem>>, vector<16xi32>,
      %add3A_716 = arith.constant 31200 : i32
      %add3A_717 = vector.broadcast %add3A_716 : i32 to vector<16xi32>
      %add3A_718 = arith.addi %mul3A_5, %add3A_717 : vector<16xi32>
      %add3A_719 = arith.addi %get3A_711, %add3A_718 : vector<16xi32>
      tpu.vector_store_idx %arg5[%add3A_719], %broadcast_in_dim3A_16 : memref<42112xi32, #tpu.memory_space<vmem>>[vector<16xi32>], vector<16xi32>,
      %add3A_720 = arith.constant 31200 : i32
      %add3A_721 = vector.broadcast %add3A_720 : i32 to vector<16xi32>
      %add3A_722 = arith.addi %mul3A_11, %add3A_721 : vector<16xi32>
      %add3A_723 = arith.addi %get3A_715, %add3A_722 : vector<16xi32>
      tpu.vector_store_idx %arg5[%add3A_723], %broadcast_in_dim3A_16 masked %lt3A_13 : memref<42112xi32, #tpu.memory_space<vmem>>[vector<16xi32>], vector<16xi32>, vector<16xi1>
      %mul3A_724 = arith.constant 16 : i32
      %mul3A_725 = arith.muli %sub3A_463, %mul3A_724 : i32
      %add3A_726 = arith.constant 13 : i32
      %add3A_727 = arith.addi %mul3A_725, %add3A_726 : i32
      %mul3A_728 = arith.constant 32 : i32
      %mul3A_729 = arith.muli %add3A_727, %mul3A_728 : i32
      %get3A_730 = arith.index_cast %mul3A_729 : i32 to index
      %get3A_731 = tpu.vector_load %arg4[%get3A_730] {strides = array<i32>} : memref<16384xi32, #tpu.memory_space<vmem>>, vector<16xi32>,
      %add3A_732 = arith.constant 16 : i32
      %add3A_733 = arith.addi %mul3A_729, %add3A_732 : i32
      %get3A_734 = arith.index_cast %add3A_733 : i32 to index
      %get3A_735 = tpu.vector_load %arg4[%get3A_734] {strides = array<i32>} : memref<16384xi32, #tpu.memory_space<vmem>>, vector<16xi32>,
      %add3A_736 = arith.constant 33800 : i32
      %add3A_737 = vector.broadcast %add3A_736 : i32 to vector<16xi32>
      %add3A_738 = arith.addi %mul3A_5, %add3A_737 : vector<16xi32>
      %add3A_739 = arith.addi %get3A_731, %add3A_738 : vector<16xi32>
      tpu.vector_store_idx %arg5[%add3A_739], %broadcast_in_dim3A_16 : memref<42112xi32, #tpu.memory_space<vmem>>[vector<16xi32>], vector<16xi32>,
      %add3A_740 = arith.constant 33800 : i32
      %add3A_741 = vector.broadcast %add3A_740 : i32 to vector<16xi32>
      %add3A_742 = arith.addi %mul3A_11, %add3A_741 : vector<16xi32>
      %add3A_743 = arith.addi %get3A_735, %add3A_742 : vector<16xi32>
      tpu.vector_store_idx %arg5[%add3A_743], %broadcast_in_dim3A_16 masked %lt3A_13 : memref<42112xi32, #tpu.memory_space<vmem>>[vector<16xi32>], vector<16xi32>, vector<16xi1>
      %mul3A_744 = arith.constant 16 : i32
      %mul3A_745 = arith.muli %sub3A_463, %mul3A_744 : i32
      %add3A_746 = arith.constant 14 : i32
      %add3A_747 = arith.addi %mul3A_745, %add3A_746 : i32
      %mul3A_748 = arith.constant 32 : i32
      %mul3A_749 = arith.muli %add3A_747, %mul3A_748 : i32
      %get3A_750 = arith.index_cast %mul3A_749 : i32 to index
      %get3A_751 = tpu.vector_load %arg4[%get3A_750] {strides = array<i32>} : memref<16384xi32, #tpu.memory_space<vmem>>, vector<16xi32>,
      %add3A_752 = arith.constant 16 : i32
      %add3A_753 = arith.addi %mul3A_749, %add3A_752 : i32
      %get3A_754 = arith.index_cast %add3A_753 : i32 to index
      %get3A_755 = tpu.vector_load %arg4[%get3A_754] {strides = array<i32>} : memref<16384xi32, #tpu.memory_space<vmem>>, vector<16xi32>,
      %add3A_756 = arith.constant 36400 : i32
      %add3A_757 = vector.broadcast %add3A_756 : i32 to vector<16xi32>
      %add3A_758 = arith.addi %mul3A_5, %add3A_757 : vector<16xi32>
      %add3A_759 = arith.addi %get3A_751, %add3A_758 : vector<16xi32>
      tpu.vector_store_idx %arg5[%add3A_759], %broadcast_in_dim3A_16 : memref<42112xi32, #tpu.memory_space<vmem>>[vector<16xi32>], vector<16xi32>,
      %add3A_760 = arith.constant 36400 : i32
      %add3A_761 = vector.broadcast %add3A_760 : i32 to vector<16xi32>
      %add3A_762 = arith.addi %mul3A_11, %add3A_761 : vector<16xi32>
      %add3A_763 = arith.addi %get3A_755, %add3A_762 : vector<16xi32>
      tpu.vector_store_idx %arg5[%add3A_763], %broadcast_in_dim3A_16 masked %lt3A_13 : memref<42112xi32, #tpu.memory_space<vmem>>[vector<16xi32>], vector<16xi32>, vector<16xi1>
      %mul3A_764 = arith.constant 16 : i32
      %mul3A_765 = arith.muli %sub3A_463, %mul3A_764 : i32
      %add3A_766 = arith.constant 15 : i32
      %add3A_767 = arith.addi %mul3A_765, %add3A_766 : i32
      %mul3A_768 = arith.constant 32 : i32
      %mul3A_769 = arith.muli %add3A_767, %mul3A_768 : i32
      %get3A_770 = arith.index_cast %mul3A_769 : i32 to index
      %get3A_771 = tpu.vector_load %arg4[%get3A_770] {strides = array<i32>} : memref<16384xi32, #tpu.memory_space<vmem>>, vector<16xi32>,
      %add3A_772 = arith.constant 16 : i32
      %add3A_773 = arith.addi %mul3A_769, %add3A_772 : i32
      %get3A_774 = arith.index_cast %add3A_773 : i32 to index
      %get3A_775 = tpu.vector_load %arg4[%get3A_774] {strides = array<i32>} : memref<16384xi32, #tpu.memory_space<vmem>>, vector<16xi32>,
      %add3A_776 = arith.constant 39000 : i32
      %add3A_777 = vector.broadcast %add3A_776 : i32 to vector<16xi32>
      %add3A_778 = arith.addi %mul3A_5, %add3A_777 : vector<16xi32>
      %add3A_779 = arith.addi %get3A_771, %add3A_778 : vector<16xi32>
      tpu.vector_store_idx %arg5[%add3A_779], %broadcast_in_dim3A_16 : memref<42112xi32, #tpu.memory_space<vmem>>[vector<16xi32>], vector<16xi32>,
      %add3A_780 = arith.constant 39000 : i32
      %add3A_781 = vector.broadcast %add3A_780 : i32 to vector<16xi32>
      %add3A_782 = arith.addi %mul3A_11, %add3A_781 : vector<16xi32>
      %add3A_783 = arith.addi %get3A_775, %add3A_782 : vector<16xi32>
      tpu.vector_store_idx %arg5[%add3A_783], %broadcast_in_dim3A_16 masked %lt3A_13 : memref<42112xi32, #tpu.memory_space<vmem>>[vector<16xi32>], vector<16xi32>, vector<16xi1>
      %mul3A_784 = arith.constant 16 : i32
      %mul3A_785 = arith.muli %add3A_454, %mul3A_784 : i32
      %add3A_786 = arith.constant 0 : i32
      %add3A_787 = arith.addi %mul3A_785, %add3A_786 : i32
      %mul3A_788 = arith.constant 32 : i32
      %mul3A_789 = arith.muli %add3A_787, %mul3A_788 : i32
      %get3A_790 = arith.index_cast %mul3A_789 : i32 to index
      %get3A_791 = tpu.vector_load %arg4[%get3A_790] {strides = array<i32>} : memref<16384xi32, #tpu.memory_space<vmem>>, vector<16xi32>,
      %add3A_792 = arith.constant 16 : i32
      %add3A_793 = arith.addi %mul3A_789, %add3A_792 : i32
      %get3A_794 = arith.index_cast %add3A_793 : i32 to index
      %get3A_795 = tpu.vector_load %arg4[%get3A_794] {strides = array<i32>} : memref<16384xi32, #tpu.memory_space<vmem>>, vector<16xi32>,
      %add3A_796 = arith.constant 0 : i32
      %add3A_797 = vector.broadcast %add3A_796 : i32 to vector<16xi32>
      %add3A_798 = arith.addi %mul3A_5, %add3A_797 : vector<16xi32>
      %add3A_799 = arith.addi %get3A_791, %add3A_798 : vector<16xi32>
      tpu.vector_store_idx %arg5[%add3A_799], %broadcast_in_dim3A_14 : memref<42112xi32, #tpu.memory_space<vmem>>[vector<16xi32>], vector<16xi32>,
      %add3A_800 = arith.constant 0 : i32
      %add3A_801 = vector.broadcast %add3A_800 : i32 to vector<16xi32>
      %add3A_802 = arith.addi %mul3A_11, %add3A_801 : vector<16xi32>
      %add3A_803 = arith.addi %get3A_795, %add3A_802 : vector<16xi32>
      tpu.vector_store_idx %arg5[%add3A_803], %broadcast_in_dim3A_14 masked %lt3A_13 : memref<42112xi32, #tpu.memory_space<vmem>>[vector<16xi32>], vector<16xi32>, vector<16xi1>
      %mul3A_804 = arith.constant 16 : i32
      %mul3A_805 = arith.muli %add3A_454, %mul3A_804 : i32
      %add3A_806 = arith.constant 1 : i32
      %add3A_807 = arith.addi %mul3A_805, %add3A_806 : i32
      %mul3A_808 = arith.constant 32 : i32
      %mul3A_809 = arith.muli %add3A_807, %mul3A_808 : i32
      %get3A_810 = arith.index_cast %mul3A_809 : i32 to index
      %get3A_811 = tpu.vector_load %arg4[%get3A_810] {strides = array<i32>} : memref<16384xi32, #tpu.memory_space<vmem>>, vector<16xi32>,
      %add3A_812 = arith.constant 16 : i32
      %add3A_813 = arith.addi %mul3A_809, %add3A_812 : i32
      %get3A_814 = arith.index_cast %add3A_813 : i32 to index
      %get3A_815 = tpu.vector_load %arg4[%get3A_814] {strides = array<i32>} : memref<16384xi32, #tpu.memory_space<vmem>>, vector<16xi32>,
      %add3A_816 = arith.constant 2600 : i32
      %add3A_817 = vector.broadcast %add3A_816 : i32 to vector<16xi32>
      %add3A_818 = arith.addi %mul3A_5, %add3A_817 : vector<16xi32>
      %add3A_819 = arith.addi %get3A_811, %add3A_818 : vector<16xi32>
      tpu.vector_store_idx %arg5[%add3A_819], %broadcast_in_dim3A_14 : memref<42112xi32, #tpu.memory_space<vmem>>[vector<16xi32>], vector<16xi32>,
      %add3A_820 = arith.constant 2600 : i32
      %add3A_821 = vector.broadcast %add3A_820 : i32 to vector<16xi32>
      %add3A_822 = arith.addi %mul3A_11, %add3A_821 : vector<16xi32>
      %add3A_823 = arith.addi %get3A_815, %add3A_822 : vector<16xi32>
      tpu.vector_store_idx %arg5[%add3A_823], %broadcast_in_dim3A_14 masked %lt3A_13 : memref<42112xi32, #tpu.memory_space<vmem>>[vector<16xi32>], vector<16xi32>, vector<16xi1>
      %mul3A_824 = arith.constant 16 : i32
      %mul3A_825 = arith.muli %add3A_454, %mul3A_824 : i32
      %add3A_826 = arith.constant 2 : i32
      %add3A_827 = arith.addi %mul3A_825, %add3A_826 : i32
      %mul3A_828 = arith.constant 32 : i32
      %mul3A_829 = arith.muli %add3A_827, %mul3A_828 : i32
      %get3A_830 = arith.index_cast %mul3A_829 : i32 to index
      %get3A_831 = tpu.vector_load %arg4[%get3A_830] {strides = array<i32>} : memref<16384xi32, #tpu.memory_space<vmem>>, vector<16xi32>,
      %add3A_832 = arith.constant 16 : i32
      %add3A_833 = arith.addi %mul3A_829, %add3A_832 : i32
      %get3A_834 = arith.index_cast %add3A_833 : i32 to index
      %get3A_835 = tpu.vector_load %arg4[%get3A_834] {strides = array<i32>} : memref<16384xi32, #tpu.memory_space<vmem>>, vector<16xi32>,
      %add3A_836 = arith.constant 5200 : i32
      %add3A_837 = vector.broadcast %add3A_836 : i32 to vector<16xi32>
      %add3A_838 = arith.addi %mul3A_5, %add3A_837 : vector<16xi32>
      %add3A_839 = arith.addi %get3A_831, %add3A_838 : vector<16xi32>
      tpu.vector_store_idx %arg5[%add3A_839], %broadcast_in_dim3A_14 : memref<42112xi32, #tpu.memory_space<vmem>>[vector<16xi32>], vector<16xi32>,
      %add3A_840 = arith.constant 5200 : i32
      %add3A_841 = vector.broadcast %add3A_840 : i32 to vector<16xi32>
      %add3A_842 = arith.addi %mul3A_11, %add3A_841 : vector<16xi32>
      %add3A_843 = arith.addi %get3A_835, %add3A_842 : vector<16xi32>
      tpu.vector_store_idx %arg5[%add3A_843], %broadcast_in_dim3A_14 masked %lt3A_13 : memref<42112xi32, #tpu.memory_space<vmem>>[vector<16xi32>], vector<16xi32>, vector<16xi1>
      %mul3A_844 = arith.constant 16 : i32
      %mul3A_845 = arith.muli %add3A_454, %mul3A_844 : i32
      %add3A_846 = arith.constant 3 : i32
      %add3A_847 = arith.addi %mul3A_845, %add3A_846 : i32
      %mul3A_848 = arith.constant 32 : i32
      %mul3A_849 = arith.muli %add3A_847, %mul3A_848 : i32
      %get3A_850 = arith.index_cast %mul3A_849 : i32 to index
      %get3A_851 = tpu.vector_load %arg4[%get3A_850] {strides = array<i32>} : memref<16384xi32, #tpu.memory_space<vmem>>, vector<16xi32>,
      %add3A_852 = arith.constant 16 : i32
      %add3A_853 = arith.addi %mul3A_849, %add3A_852 : i32
      %get3A_854 = arith.index_cast %add3A_853 : i32 to index
      %get3A_855 = tpu.vector_load %arg4[%get3A_854] {strides = array<i32>} : memref<16384xi32, #tpu.memory_space<vmem>>, vector<16xi32>,
      %add3A_856 = arith.constant 7800 : i32
      %add3A_857 = vector.broadcast %add3A_856 : i32 to vector<16xi32>
      %add3A_858 = arith.addi %mul3A_5, %add3A_857 : vector<16xi32>
      %add3A_859 = arith.addi %get3A_851, %add3A_858 : vector<16xi32>
      tpu.vector_store_idx %arg5[%add3A_859], %broadcast_in_dim3A_14 : memref<42112xi32, #tpu.memory_space<vmem>>[vector<16xi32>], vector<16xi32>,
      %add3A_860 = arith.constant 7800 : i32
      %add3A_861 = vector.broadcast %add3A_860 : i32 to vector<16xi32>
      %add3A_862 = arith.addi %mul3A_11, %add3A_861 : vector<16xi32>
      %add3A_863 = arith.addi %get3A_855, %add3A_862 : vector<16xi32>
      tpu.vector_store_idx %arg5[%add3A_863], %broadcast_in_dim3A_14 masked %lt3A_13 : memref<42112xi32, #tpu.memory_space<vmem>>[vector<16xi32>], vector<16xi32>, vector<16xi1>
      %mul3A_864 = arith.constant 16 : i32
      %mul3A_865 = arith.muli %add3A_454, %mul3A_864 : i32
      %add3A_866 = arith.constant 4 : i32
      %add3A_867 = arith.addi %mul3A_865, %add3A_866 : i32
      %mul3A_868 = arith.constant 32 : i32
      %mul3A_869 = arith.muli %add3A_867, %mul3A_868 : i32
      %get3A_870 = arith.index_cast %mul3A_869 : i32 to index
      %get3A_871 = tpu.vector_load %arg4[%get3A_870] {strides = array<i32>} : memref<16384xi32, #tpu.memory_space<vmem>>, vector<16xi32>,
      %add3A_872 = arith.constant 16 : i32
      %add3A_873 = arith.addi %mul3A_869, %add3A_872 : i32
      %get3A_874 = arith.index_cast %add3A_873 : i32 to index
      %get3A_875 = tpu.vector_load %arg4[%get3A_874] {strides = array<i32>} : memref<16384xi32, #tpu.memory_space<vmem>>, vector<16xi32>,
      %add3A_876 = arith.constant 10400 : i32
      %add3A_877 = vector.broadcast %add3A_876 : i32 to vector<16xi32>
      %add3A_878 = arith.addi %mul3A_5, %add3A_877 : vector<16xi32>
      %add3A_879 = arith.addi %get3A_871, %add3A_878 : vector<16xi32>
      tpu.vector_store_idx %arg5[%add3A_879], %broadcast_in_dim3A_14 : memref<42112xi32, #tpu.memory_space<vmem>>[vector<16xi32>], vector<16xi32>,
      %add3A_880 = arith.constant 10400 : i32
      %add3A_881 = vector.broadcast %add3A_880 : i32 to vector<16xi32>
      %add3A_882 = arith.addi %mul3A_11, %add3A_881 : vector<16xi32>
      %add3A_883 = arith.addi %get3A_875, %add3A_882 : vector<16xi32>
      tpu.vector_store_idx %arg5[%add3A_883], %broadcast_in_dim3A_14 masked %lt3A_13 : memref<42112xi32, #tpu.memory_space<vmem>>[vector<16xi32>], vector<16xi32>, vector<16xi1>
      %mul3A_884 = arith.constant 16 : i32
      %mul3A_885 = arith.muli %add3A_454, %mul3A_884 : i32
      %add3A_886 = arith.constant 5 : i32
      %add3A_887 = arith.addi %mul3A_885, %add3A_886 : i32
      %mul3A_888 = arith.constant 32 : i32
      %mul3A_889 = arith.muli %add3A_887, %mul3A_888 : i32
      %get3A_890 = arith.index_cast %mul3A_889 : i32 to index
      %get3A_891 = tpu.vector_load %arg4[%get3A_890] {strides = array<i32>} : memref<16384xi32, #tpu.memory_space<vmem>>, vector<16xi32>,
      %add3A_892 = arith.constant 16 : i32
      %add3A_893 = arith.addi %mul3A_889, %add3A_892 : i32
      %get3A_894 = arith.index_cast %add3A_893 : i32 to index
      %get3A_895 = tpu.vector_load %arg4[%get3A_894] {strides = array<i32>} : memref<16384xi32, #tpu.memory_space<vmem>>, vector<16xi32>,
      %add3A_896 = arith.constant 13000 : i32
      %add3A_897 = vector.broadcast %add3A_896 : i32 to vector<16xi32>
      %add3A_898 = arith.addi %mul3A_5, %add3A_897 : vector<16xi32>
      %add3A_899 = arith.addi %get3A_891, %add3A_898 : vector<16xi32>
      tpu.vector_store_idx %arg5[%add3A_899], %broadcast_in_dim3A_14 : memref<42112xi32, #tpu.memory_space<vmem>>[vector<16xi32>], vector<16xi32>,
      %add3A_900 = arith.constant 13000 : i32
      %add3A_901 = vector.broadcast %add3A_900 : i32 to vector<16xi32>
      %add3A_902 = arith.addi %mul3A_11, %add3A_901 : vector<16xi32>
      %add3A_903 = arith.addi %get3A_895, %add3A_902 : vector<16xi32>
      tpu.vector_store_idx %arg5[%add3A_903], %broadcast_in_dim3A_14 masked %lt3A_13 : memref<42112xi32, #tpu.memory_space<vmem>>[vector<16xi32>], vector<16xi32>, vector<16xi1>
      %mul3A_904 = arith.constant 16 : i32
      %mul3A_905 = arith.muli %add3A_454, %mul3A_904 : i32
      %add3A_906 = arith.constant 6 : i32
      %add3A_907 = arith.addi %mul3A_905, %add3A_906 : i32
      %mul3A_908 = arith.constant 32 : i32
      %mul3A_909 = arith.muli %add3A_907, %mul3A_908 : i32
      %get3A_910 = arith.index_cast %mul3A_909 : i32 to index
      %get3A_911 = tpu.vector_load %arg4[%get3A_910] {strides = array<i32>} : memref<16384xi32, #tpu.memory_space<vmem>>, vector<16xi32>,
      %add3A_912 = arith.constant 16 : i32
      %add3A_913 = arith.addi %mul3A_909, %add3A_912 : i32
      %get3A_914 = arith.index_cast %add3A_913 : i32 to index
      %get3A_915 = tpu.vector_load %arg4[%get3A_914] {strides = array<i32>} : memref<16384xi32, #tpu.memory_space<vmem>>, vector<16xi32>,
      %add3A_916 = arith.constant 15600 : i32
      %add3A_917 = vector.broadcast %add3A_916 : i32 to vector<16xi32>
      %add3A_918 = arith.addi %mul3A_5, %add3A_917 : vector<16xi32>
      %add3A_919 = arith.addi %get3A_911, %add3A_918 : vector<16xi32>
      tpu.vector_store_idx %arg5[%add3A_919], %broadcast_in_dim3A_14 : memref<42112xi32, #tpu.memory_space<vmem>>[vector<16xi32>], vector<16xi32>,
      %add3A_920 = arith.constant 15600 : i32
      %add3A_921 = vector.broadcast %add3A_920 : i32 to vector<16xi32>
      %add3A_922 = arith.addi %mul3A_11, %add3A_921 : vector<16xi32>
      %add3A_923 = arith.addi %get3A_915, %add3A_922 : vector<16xi32>
      tpu.vector_store_idx %arg5[%add3A_923], %broadcast_in_dim3A_14 masked %lt3A_13 : memref<42112xi32, #tpu.memory_space<vmem>>[vector<16xi32>], vector<16xi32>, vector<16xi1>
      %mul3A_924 = arith.constant 16 : i32
      %mul3A_925 = arith.muli %add3A_454, %mul3A_924 : i32
      %add3A_926 = arith.constant 7 : i32
      %add3A_927 = arith.addi %mul3A_925, %add3A_926 : i32
      %mul3A_928 = arith.constant 32 : i32
      %mul3A_929 = arith.muli %add3A_927, %mul3A_928 : i32
      %get3A_930 = arith.index_cast %mul3A_929 : i32 to index
      %get3A_931 = tpu.vector_load %arg4[%get3A_930] {strides = array<i32>} : memref<16384xi32, #tpu.memory_space<vmem>>, vector<16xi32>,
      %add3A_932 = arith.constant 16 : i32
      %add3A_933 = arith.addi %mul3A_929, %add3A_932 : i32
      %get3A_934 = arith.index_cast %add3A_933 : i32 to index
      %get3A_935 = tpu.vector_load %arg4[%get3A_934] {strides = array<i32>} : memref<16384xi32, #tpu.memory_space<vmem>>, vector<16xi32>,
      %add3A_936 = arith.constant 18200 : i32
      %add3A_937 = vector.broadcast %add3A_936 : i32 to vector<16xi32>
      %add3A_938 = arith.addi %mul3A_5, %add3A_937 : vector<16xi32>
      %add3A_939 = arith.addi %get3A_931, %add3A_938 : vector<16xi32>
      tpu.vector_store_idx %arg5[%add3A_939], %broadcast_in_dim3A_14 : memref<42112xi32, #tpu.memory_space<vmem>>[vector<16xi32>], vector<16xi32>,
      %add3A_940 = arith.constant 18200 : i32
      %add3A_941 = vector.broadcast %add3A_940 : i32 to vector<16xi32>
      %add3A_942 = arith.addi %mul3A_11, %add3A_941 : vector<16xi32>
      %add3A_943 = arith.addi %get3A_935, %add3A_942 : vector<16xi32>
      tpu.vector_store_idx %arg5[%add3A_943], %broadcast_in_dim3A_14 masked %lt3A_13 : memref<42112xi32, #tpu.memory_space<vmem>>[vector<16xi32>], vector<16xi32>, vector<16xi1>
      %mul3A_944 = arith.constant 16 : i32
      %mul3A_945 = arith.muli %add3A_454, %mul3A_944 : i32
      %add3A_946 = arith.constant 8 : i32
      %add3A_947 = arith.addi %mul3A_945, %add3A_946 : i32
      %mul3A_948 = arith.constant 32 : i32
      %mul3A_949 = arith.muli %add3A_947, %mul3A_948 : i32
      %get3A_950 = arith.index_cast %mul3A_949 : i32 to index
      %get3A_951 = tpu.vector_load %arg4[%get3A_950] {strides = array<i32>} : memref<16384xi32, #tpu.memory_space<vmem>>, vector<16xi32>,
      %add3A_952 = arith.constant 16 : i32
      %add3A_953 = arith.addi %mul3A_949, %add3A_952 : i32
      %get3A_954 = arith.index_cast %add3A_953 : i32 to index
      %get3A_955 = tpu.vector_load %arg4[%get3A_954] {strides = array<i32>} : memref<16384xi32, #tpu.memory_space<vmem>>, vector<16xi32>,
      %add3A_956 = arith.constant 20800 : i32
      %add3A_957 = vector.broadcast %add3A_956 : i32 to vector<16xi32>
      %add3A_958 = arith.addi %mul3A_5, %add3A_957 : vector<16xi32>
      %add3A_959 = arith.addi %get3A_951, %add3A_958 : vector<16xi32>
      tpu.vector_store_idx %arg5[%add3A_959], %broadcast_in_dim3A_14 : memref<42112xi32, #tpu.memory_space<vmem>>[vector<16xi32>], vector<16xi32>,
      %add3A_960 = arith.constant 20800 : i32
      %add3A_961 = vector.broadcast %add3A_960 : i32 to vector<16xi32>
      %add3A_962 = arith.addi %mul3A_11, %add3A_961 : vector<16xi32>
      %add3A_963 = arith.addi %get3A_955, %add3A_962 : vector<16xi32>
      tpu.vector_store_idx %arg5[%add3A_963], %broadcast_in_dim3A_14 masked %lt3A_13 : memref<42112xi32, #tpu.memory_space<vmem>>[vector<16xi32>], vector<16xi32>, vector<16xi1>
      %mul3A_964 = arith.constant 16 : i32
      %mul3A_965 = arith.muli %add3A_454, %mul3A_964 : i32
      %add3A_966 = arith.constant 9 : i32
      %add3A_967 = arith.addi %mul3A_965, %add3A_966 : i32
      %mul3A_968 = arith.constant 32 : i32
      %mul3A_969 = arith.muli %add3A_967, %mul3A_968 : i32
      %get3A_970 = arith.index_cast %mul3A_969 : i32 to index
      %get3A_971 = tpu.vector_load %arg4[%get3A_970] {strides = array<i32>} : memref<16384xi32, #tpu.memory_space<vmem>>, vector<16xi32>,
      %add3A_972 = arith.constant 16 : i32
      %add3A_973 = arith.addi %mul3A_969, %add3A_972 : i32
      %get3A_974 = arith.index_cast %add3A_973 : i32 to index
      %get3A_975 = tpu.vector_load %arg4[%get3A_974] {strides = array<i32>} : memref<16384xi32, #tpu.memory_space<vmem>>, vector<16xi32>,
      %add3A_976 = arith.constant 23400 : i32
      %add3A_977 = vector.broadcast %add3A_976 : i32 to vector<16xi32>
      %add3A_978 = arith.addi %mul3A_5, %add3A_977 : vector<16xi32>
      %add3A_979 = arith.addi %get3A_971, %add3A_978 : vector<16xi32>
      tpu.vector_store_idx %arg5[%add3A_979], %broadcast_in_dim3A_14 : memref<42112xi32, #tpu.memory_space<vmem>>[vector<16xi32>], vector<16xi32>,
      %add3A_980 = arith.constant 23400 : i32
      %add3A_981 = vector.broadcast %add3A_980 : i32 to vector<16xi32>
      %add3A_982 = arith.addi %mul3A_11, %add3A_981 : vector<16xi32>
      %add3A_983 = arith.addi %get3A_975, %add3A_982 : vector<16xi32>
      tpu.vector_store_idx %arg5[%add3A_983], %broadcast_in_dim3A_14 masked %lt3A_13 : memref<42112xi32, #tpu.memory_space<vmem>>[vector<16xi32>], vector<16xi32>, vector<16xi1>
      %mul3A_984 = arith.constant 16 : i32
      %mul3A_985 = arith.muli %add3A_454, %mul3A_984 : i32
      %add3A_986 = arith.constant 10 : i32
      %add3A_987 = arith.addi %mul3A_985, %add3A_986 : i32
      %mul3A_988 = arith.constant 32 : i32
      %mul3A_989 = arith.muli %add3A_987, %mul3A_988 : i32
      %get3A_990 = arith.index_cast %mul3A_989 : i32 to index
      %get3A_991 = tpu.vector_load %arg4[%get3A_990] {strides = array<i32>} : memref<16384xi32, #tpu.memory_space<vmem>>, vector<16xi32>,
      %add3A_992 = arith.constant 16 : i32
      %add3A_993 = arith.addi %mul3A_989, %add3A_992 : i32
      %get3A_994 = arith.index_cast %add3A_993 : i32 to index
      %get3A_995 = tpu.vector_load %arg4[%get3A_994] {strides = array<i32>} : memref<16384xi32, #tpu.memory_space<vmem>>, vector<16xi32>,
      %add3A_996 = arith.constant 26000 : i32
      %add3A_997 = vector.broadcast %add3A_996 : i32 to vector<16xi32>
      %add3A_998 = arith.addi %mul3A_5, %add3A_997 : vector<16xi32>
      %add3A_999 = arith.addi %get3A_991, %add3A_998 : vector<16xi32>
      tpu.vector_store_idx %arg5[%add3A_999], %broadcast_in_dim3A_14 : memref<42112xi32, #tpu.memory_space<vmem>>[vector<16xi32>], vector<16xi32>,
      %add3A_1000 = arith.constant 26000 : i32
      %add3A_1001 = vector.broadcast %add3A_1000 : i32 to vector<16xi32>
      %add3A_1002 = arith.addi %mul3A_11, %add3A_1001 : vector<16xi32>
      %add3A_1003 = arith.addi %get3A_995, %add3A_1002 : vector<16xi32>
      tpu.vector_store_idx %arg5[%add3A_1003], %broadcast_in_dim3A_14 masked %lt3A_13 : memref<42112xi32, #tpu.memory_space<vmem>>[vector<16xi32>], vector<16xi32>, vector<16xi1>
      %mul3A_1004 = arith.constant 16 : i32
      %mul3A_1005 = arith.muli %add3A_454, %mul3A_1004 : i32
      %add3A_1006 = arith.constant 11 : i32
      %add3A_1007 = arith.addi %mul3A_1005, %add3A_1006 : i32
      %mul3A_1008 = arith.constant 32 : i32
      %mul3A_1009 = arith.muli %add3A_1007, %mul3A_1008 : i32
      %get3A_1010 = arith.index_cast %mul3A_1009 : i32 to index
      %get3A_1011 = tpu.vector_load %arg4[%get3A_1010] {strides = array<i32>} : memref<16384xi32, #tpu.memory_space<vmem>>, vector<16xi32>,
      %add3A_1012 = arith.constant 16 : i32
      %add3A_1013 = arith.addi %mul3A_1009, %add3A_1012 : i32
      %get3A_1014 = arith.index_cast %add3A_1013 : i32 to index
      %get3A_1015 = tpu.vector_load %arg4[%get3A_1014] {strides = array<i32>} : memref<16384xi32, #tpu.memory_space<vmem>>, vector<16xi32>,
      %add3A_1016 = arith.constant 28600 : i32
      %add3A_1017 = vector.broadcast %add3A_1016 : i32 to vector<16xi32>
      %add3A_1018 = arith.addi %mul3A_5, %add3A_1017 : vector<16xi32>
      %add3A_1019 = arith.addi %get3A_1011, %add3A_1018 : vector<16xi32>
      tpu.vector_store_idx %arg5[%add3A_1019], %broadcast_in_dim3A_14 : memref<42112xi32, #tpu.memory_space<vmem>>[vector<16xi32>], vector<16xi32>,
      %add3A_1020 = arith.constant 28600 : i32
      %add3A_1021 = vector.broadcast %add3A_1020 : i32 to vector<16xi32>
      %add3A_1022 = arith.addi %mul3A_11, %add3A_1021 : vector<16xi32>
      %add3A_1023 = arith.addi %get3A_1015, %add3A_1022 : vector<16xi32>
      tpu.vector_store_idx %arg5[%add3A_1023], %broadcast_in_dim3A_14 masked %lt3A_13 : memref<42112xi32, #tpu.memory_space<vmem>>[vector<16xi32>], vector<16xi32>, vector<16xi1>
      %mul3A_1024 = arith.constant 16 : i32
      %mul3A_1025 = arith.muli %add3A_454, %mul3A_1024 : i32
      %add3A_1026 = arith.constant 12 : i32
      %add3A_1027 = arith.addi %mul3A_1025, %add3A_1026 : i32
      %mul3A_1028 = arith.constant 32 : i32
      %mul3A_1029 = arith.muli %add3A_1027, %mul3A_1028 : i32
      %get3A_1030 = arith.index_cast %mul3A_1029 : i32 to index
      %get3A_1031 = tpu.vector_load %arg4[%get3A_1030] {strides = array<i32>} : memref<16384xi32, #tpu.memory_space<vmem>>, vector<16xi32>,
      %add3A_1032 = arith.constant 16 : i32
      %add3A_1033 = arith.addi %mul3A_1029, %add3A_1032 : i32
      %get3A_1034 = arith.index_cast %add3A_1033 : i32 to index
      %get3A_1035 = tpu.vector_load %arg4[%get3A_1034] {strides = array<i32>} : memref<16384xi32, #tpu.memory_space<vmem>>, vector<16xi32>,
      %add3A_1036 = arith.constant 31200 : i32
      %add3A_1037 = vector.broadcast %add3A_1036 : i32 to vector<16xi32>
      %add3A_1038 = arith.addi %mul3A_5, %add3A_1037 : vector<16xi32>
      %add3A_1039 = arith.addi %get3A_1031, %add3A_1038 : vector<16xi32>
      tpu.vector_store_idx %arg5[%add3A_1039], %broadcast_in_dim3A_14 : memref<42112xi32, #tpu.memory_space<vmem>>[vector<16xi32>], vector<16xi32>,
      %add3A_1040 = arith.constant 31200 : i32
      %add3A_1041 = vector.broadcast %add3A_1040 : i32 to vector<16xi32>
      %add3A_1042 = arith.addi %mul3A_11, %add3A_1041 : vector<16xi32>
      %add3A_1043 = arith.addi %get3A_1035, %add3A_1042 : vector<16xi32>
      tpu.vector_store_idx %arg5[%add3A_1043], %broadcast_in_dim3A_14 masked %lt3A_13 : memref<42112xi32, #tpu.memory_space<vmem>>[vector<16xi32>], vector<16xi32>, vector<16xi1>
      %mul3A_1044 = arith.constant 16 : i32
      %mul3A_1045 = arith.muli %add3A_454, %mul3A_1044 : i32
      %add3A_1046 = arith.constant 13 : i32
      %add3A_1047 = arith.addi %mul3A_1045, %add3A_1046 : i32
      %mul3A_1048 = arith.constant 32 : i32
      %mul3A_1049 = arith.muli %add3A_1047, %mul3A_1048 : i32
      %get3A_1050 = arith.index_cast %mul3A_1049 : i32 to index
      %get3A_1051 = tpu.vector_load %arg4[%get3A_1050] {strides = array<i32>} : memref<16384xi32, #tpu.memory_space<vmem>>, vector<16xi32>,
      %add3A_1052 = arith.constant 16 : i32
      %add3A_1053 = arith.addi %mul3A_1049, %add3A_1052 : i32
      %get3A_1054 = arith.index_cast %add3A_1053 : i32 to index
      %get3A_1055 = tpu.vector_load %arg4[%get3A_1054] {strides = array<i32>} : memref<16384xi32, #tpu.memory_space<vmem>>, vector<16xi32>,
      %add3A_1056 = arith.constant 33800 : i32
      %add3A_1057 = vector.broadcast %add3A_1056 : i32 to vector<16xi32>
      %add3A_1058 = arith.addi %mul3A_5, %add3A_1057 : vector<16xi32>
      %add3A_1059 = arith.addi %get3A_1051, %add3A_1058 : vector<16xi32>
      tpu.vector_store_idx %arg5[%add3A_1059], %broadcast_in_dim3A_14 : memref<42112xi32, #tpu.memory_space<vmem>>[vector<16xi32>], vector<16xi32>,
      %add3A_1060 = arith.constant 33800 : i32
      %add3A_1061 = vector.broadcast %add3A_1060 : i32 to vector<16xi32>
      %add3A_1062 = arith.addi %mul3A_11, %add3A_1061 : vector<16xi32>
      %add3A_1063 = arith.addi %get3A_1055, %add3A_1062 : vector<16xi32>
      tpu.vector_store_idx %arg5[%add3A_1063], %broadcast_in_dim3A_14 masked %lt3A_13 : memref<42112xi32, #tpu.memory_space<vmem>>[vector<16xi32>], vector<16xi32>, vector<16xi1>
      %mul3A_1064 = arith.constant 16 : i32
      %mul3A_1065 = arith.muli %add3A_454, %mul3A_1064 : i32
      %add3A_1066 = arith.constant 14 : i32
      %add3A_1067 = arith.addi %mul3A_1065, %add3A_1066 : i32
      %mul3A_1068 = arith.constant 32 : i32
      %mul3A_1069 = arith.muli %add3A_1067, %mul3A_1068 : i32
      %get3A_1070 = arith.index_cast %mul3A_1069 : i32 to index
      %get3A_1071 = tpu.vector_load %arg4[%get3A_1070] {strides = array<i32>} : memref<16384xi32, #tpu.memory_space<vmem>>, vector<16xi32>,
      %add3A_1072 = arith.constant 16 : i32
      %add3A_1073 = arith.addi %mul3A_1069, %add3A_1072 : i32
      %get3A_1074 = arith.index_cast %add3A_1073 : i32 to index
      %get3A_1075 = tpu.vector_load %arg4[%get3A_1074] {strides = array<i32>} : memref<16384xi32, #tpu.memory_space<vmem>>, vector<16xi32>,
      %add3A_1076 = arith.constant 36400 : i32
      %add3A_1077 = vector.broadcast %add3A_1076 : i32 to vector<16xi32>
      %add3A_1078 = arith.addi %mul3A_5, %add3A_1077 : vector<16xi32>
      %add3A_1079 = arith.addi %get3A_1071, %add3A_1078 : vector<16xi32>
      tpu.vector_store_idx %arg5[%add3A_1079], %broadcast_in_dim3A_14 : memref<42112xi32, #tpu.memory_space<vmem>>[vector<16xi32>], vector<16xi32>,
      %add3A_1080 = arith.constant 36400 : i32
      %add3A_1081 = vector.broadcast %add3A_1080 : i32 to vector<16xi32>
      %add3A_1082 = arith.addi %mul3A_11, %add3A_1081 : vector<16xi32>
      %add3A_1083 = arith.addi %get3A_1075, %add3A_1082 : vector<16xi32>
      tpu.vector_store_idx %arg5[%add3A_1083], %broadcast_in_dim3A_14 masked %lt3A_13 : memref<42112xi32, #tpu.memory_space<vmem>>[vector<16xi32>], vector<16xi32>, vector<16xi1>
      %mul3A_1084 = arith.constant 16 : i32
      %mul3A_1085 = arith.muli %add3A_454, %mul3A_1084 : i32
      %add3A_1086 = arith.constant 15 : i32
      %add3A_1087 = arith.addi %mul3A_1085, %add3A_1086 : i32
      %mul3A_1088 = arith.constant 32 : i32
      %mul3A_1089 = arith.muli %add3A_1087, %mul3A_1088 : i32
      %get3A_1090 = arith.index_cast %mul3A_1089 : i32 to index
      %get3A_1091 = tpu.vector_load %arg4[%get3A_1090] {strides = array<i32>} : memref<16384xi32, #tpu.memory_space<vmem>>, vector<16xi32>,
      %add3A_1092 = arith.constant 16 : i32
      %add3A_1093 = arith.addi %mul3A_1089, %add3A_1092 : i32
      %get3A_1094 = arith.index_cast %add3A_1093 : i32 to index
      %get3A_1095 = tpu.vector_load %arg4[%get3A_1094] {strides = array<i32>} : memref<16384xi32, #tpu.memory_space<vmem>>, vector<16xi32>,
      %add3A_1096 = arith.constant 39000 : i32
      %add3A_1097 = vector.broadcast %add3A_1096 : i32 to vector<16xi32>
      %add3A_1098 = arith.addi %mul3A_5, %add3A_1097 : vector<16xi32>
      %add3A_1099 = arith.addi %get3A_1091, %add3A_1098 : vector<16xi32>
      tpu.vector_store_idx %arg5[%add3A_1099], %broadcast_in_dim3A_14 : memref<42112xi32, #tpu.memory_space<vmem>>[vector<16xi32>], vector<16xi32>,
      %add3A_1100 = arith.constant 39000 : i32
      %add3A_1101 = vector.broadcast %add3A_1100 : i32 to vector<16xi32>
      %add3A_1102 = arith.addi %mul3A_11, %add3A_1101 : vector<16xi32>
      %add3A_1103 = arith.addi %get3A_1095, %add3A_1102 : vector<16xi32>
      tpu.vector_store_idx %arg5[%add3A_1103], %broadcast_in_dim3A_14 masked %lt3A_13 : memref<42112xi32, #tpu.memory_space<vmem>>[vector<16xi32>], vector<16xi32>, vector<16xi1>
      %mul3A_1104 = arith.constant 16 : i32
      %mul3A_1105 = arith.muli %add3A_454, %mul3A_1104 : i32
      %add3A_1106 = arith.addi %mul3A_2, %mul3A_1105 : i32
      %mul3A_1107 = arith.constant 2600 : i32
      %mul3A_1108 = arith.muli %add3A_1106, %mul3A_1107 : i32
      %dma_start3A_1109 = arith.constant 0 : i32
      %dma_start3A_1110 = tpu.memref_slice %arg5[%dma_start3A_1109] : memref<42112xi32, #tpu.memory_space<vmem>> -> memref<41600xi32, #tpu.memory_space<vmem>>
      %dma_start3A_1111 = tpu.memref_slice %arg3[%mul3A_1108] : memref<42598400xi32, #tpu.memory_space<hbm>> -> memref<41600xi32, #tpu.memory_space<hbm>>
      %dma_start3A_1112 = tpu.memref_slice %arg3[%mul3A_1108] : memref<42598400xi32, #tpu.memory_space<hbm>> -> memref<41600xi32, #tpu.memory_space<hbm>>
      %dma_start3A_1113 = arith.constant 0 : i32
      %dma_start3A_1114 = tpu.memref_slice %arg5[%dma_start3A_1113] : memref<42112xi32, #tpu.memory_space<vmem>> -> memref<41600xi32, #tpu.memory_space<vmem>>
      tpu.enqueue_dma source(%dma_start3A_1114 : memref<41600xi32, #tpu.memory_space<vmem>>) target(%dma_start3A_1112 : memref<41600xi32, #tpu.memory_space<hbm>>) target_semaphore(%arg7 : memref<!tpu.dma_semaphore, #tpu.memory_space<semaphore_mem>>)
      %mul3A_1115 = arith.constant 2 : i32
      %mul3A_1116 = arith.muli %scan3A_449, %mul3A_1115 : i32
      %add3A_1117 = arith.constant 1 : i32
      %add3A_1118 = arith.addi %mul3A_1116, %add3A_1117 : i32
      %mul3A_1119 = arith.constant 2600 : i32
      %mul3A_1120 = arith.muli %mul3A_2, %mul3A_1119 : i32
      %dma_wait3A_1121 = arith.constant 0 : i32
      %dma_wait3A_1122 = tpu.memref_slice %arg6[%dma_wait3A_1121] : memref<42112xi32, #tpu.memory_space<vmem>> -> memref<41600xi32, #tpu.memory_space<vmem>>
      %dma_wait3A_1123 = tpu.memref_slice %arg3[%mul3A_1120] : memref<42598400xi32, #tpu.memory_space<hbm>> -> memref<41600xi32, #tpu.memory_space<hbm>>
      %dma_wait3A_1124 = tpu.memref_slice %arg3[%mul3A_1120] : memref<42598400xi32, #tpu.memory_space<hbm>> -> memref<41600xi32, #tpu.memory_space<hbm>>
      %dma_wait3A_1125 = arith.constant 0 : i32
      %dma_wait3A_1126 = tpu.memref_slice %arg6[%dma_wait3A_1125] : memref<42112xi32, #tpu.memory_space<vmem>> -> memref<41600xi32, #tpu.memory_space<vmem>>
      tpu.wait_dma2 semaphore(%arg8 : memref<!tpu.dma_semaphore, #tpu.memory_space<semaphore_mem>>) src(%dma_wait3A_1126 : memref<41600xi32, #tpu.memory_space<vmem>>) dst(%dma_wait3A_1124 : memref<41600xi32, #tpu.memory_space<hbm>>)
      %sub3A_1127 = arith.constant 2 : i32
      %sub3A_1128 = arith.subi %add3A_1118, %sub3A_1127 : i32
      %mul3A_1129 = arith.constant 16 : i32
      %mul3A_1130 = arith.muli %sub3A_1128, %mul3A_1129 : i32
      %add3A_1131 = arith.constant 0 : i32
      %add3A_1132 = arith.addi %mul3A_1130, %add3A_1131 : i32
      %mul3A_1133 = arith.constant 32 : i32
      %mul3A_1134 = arith.muli %add3A_1132, %mul3A_1133 : i32
      %get3A_1135 = arith.index_cast %mul3A_1134 : i32 to index
      %get3A_1136 = tpu.vector_load %arg4[%get3A_1135] {strides = array<i32>} : memref<16384xi32, #tpu.memory_space<vmem>>, vector<16xi32>,
      %add3A_1137 = arith.constant 16 : i32
      %add3A_1138 = arith.addi %mul3A_1134, %add3A_1137 : i32
      %get3A_1139 = arith.index_cast %add3A_1138 : i32 to index
      %get3A_1140 = tpu.vector_load %arg4[%get3A_1139] {strides = array<i32>} : memref<16384xi32, #tpu.memory_space<vmem>>, vector<16xi32>,
      %add3A_1141 = arith.constant 0 : i32
      %add3A_1142 = vector.broadcast %add3A_1141 : i32 to vector<16xi32>
      %add3A_1143 = arith.addi %mul3A_5, %add3A_1142 : vector<16xi32>
      %add3A_1144 = arith.addi %get3A_1136, %add3A_1143 : vector<16xi32>
      tpu.vector_store_idx %arg6[%add3A_1144], %broadcast_in_dim3A_16 : memref<42112xi32, #tpu.memory_space<vmem>>[vector<16xi32>], vector<16xi32>,
      %add3A_1145 = arith.constant 0 : i32
      %add3A_1146 = vector.broadcast %add3A_1145 : i32 to vector<16xi32>
      %add3A_1147 = arith.addi %mul3A_11, %add3A_1146 : vector<16xi32>
      %add3A_1148 = arith.addi %get3A_1140, %add3A_1147 : vector<16xi32>
      tpu.vector_store_idx %arg6[%add3A_1148], %broadcast_in_dim3A_16 masked %lt3A_13 : memref<42112xi32, #tpu.memory_space<vmem>>[vector<16xi32>], vector<16xi32>, vector<16xi1>
      %mul3A_1149 = arith.constant 16 : i32
      %mul3A_1150 = arith.muli %sub3A_1128, %mul3A_1149 : i32
      %add3A_1151 = arith.constant 1 : i32
      %add3A_1152 = arith.addi %mul3A_1150, %add3A_1151 : i32
      %mul3A_1153 = arith.constant 32 : i32
      %mul3A_1154 = arith.muli %add3A_1152, %mul3A_1153 : i32
      %get3A_1155 = arith.index_cast %mul3A_1154 : i32 to index
      %get3A_1156 = tpu.vector_load %arg4[%get3A_1155] {strides = array<i32>} : memref<16384xi32, #tpu.memory_space<vmem>>, vector<16xi32>,
      %add3A_1157 = arith.constant 16 : i32
      %add3A_1158 = arith.addi %mul3A_1154, %add3A_1157 : i32
      %get3A_1159 = arith.index_cast %add3A_1158 : i32 to index
      %get3A_1160 = tpu.vector_load %arg4[%get3A_1159] {strides = array<i32>} : memref<16384xi32, #tpu.memory_space<vmem>>, vector<16xi32>,
      %add3A_1161 = arith.constant 2600 : i32
      %add3A_1162 = vector.broadcast %add3A_1161 : i32 to vector<16xi32>
      %add3A_1163 = arith.addi %mul3A_5, %add3A_1162 : vector<16xi32>
      %add3A_1164 = arith.addi %get3A_1156, %add3A_1163 : vector<16xi32>
      tpu.vector_store_idx %arg6[%add3A_1164], %broadcast_in_dim3A_16 : memref<42112xi32, #tpu.memory_space<vmem>>[vector<16xi32>], vector<16xi32>,
      %add3A_1165 = arith.constant 2600 : i32
      %add3A_1166 = vector.broadcast %add3A_1165 : i32 to vector<16xi32>
      %add3A_1167 = arith.addi %mul3A_11, %add3A_1166 : vector<16xi32>
      %add3A_1168 = arith.addi %get3A_1160, %add3A_1167 : vector<16xi32>
      tpu.vector_store_idx %arg6[%add3A_1168], %broadcast_in_dim3A_16 masked %lt3A_13 : memref<42112xi32, #tpu.memory_space<vmem>>[vector<16xi32>], vector<16xi32>, vector<16xi1>
      %mul3A_1169 = arith.constant 16 : i32
      %mul3A_1170 = arith.muli %sub3A_1128, %mul3A_1169 : i32
      %add3A_1171 = arith.constant 2 : i32
      %add3A_1172 = arith.addi %mul3A_1170, %add3A_1171 : i32
      %mul3A_1173 = arith.constant 32 : i32
      %mul3A_1174 = arith.muli %add3A_1172, %mul3A_1173 : i32
      %get3A_1175 = arith.index_cast %mul3A_1174 : i32 to index
      %get3A_1176 = tpu.vector_load %arg4[%get3A_1175] {strides = array<i32>} : memref<16384xi32, #tpu.memory_space<vmem>>, vector<16xi32>,
      %add3A_1177 = arith.constant 16 : i32
      %add3A_1178 = arith.addi %mul3A_1174, %add3A_1177 : i32
      %get3A_1179 = arith.index_cast %add3A_1178 : i32 to index
      %get3A_1180 = tpu.vector_load %arg4[%get3A_1179] {strides = array<i32>} : memref<16384xi32, #tpu.memory_space<vmem>>, vector<16xi32>,
      %add3A_1181 = arith.constant 5200 : i32
      %add3A_1182 = vector.broadcast %add3A_1181 : i32 to vector<16xi32>
      %add3A_1183 = arith.addi %mul3A_5, %add3A_1182 : vector<16xi32>
      %add3A_1184 = arith.addi %get3A_1176, %add3A_1183 : vector<16xi32>
      tpu.vector_store_idx %arg6[%add3A_1184], %broadcast_in_dim3A_16 : memref<42112xi32, #tpu.memory_space<vmem>>[vector<16xi32>], vector<16xi32>,
      %add3A_1185 = arith.constant 5200 : i32
      %add3A_1186 = vector.broadcast %add3A_1185 : i32 to vector<16xi32>
      %add3A_1187 = arith.addi %mul3A_11, %add3A_1186 : vector<16xi32>
      %add3A_1188 = arith.addi %get3A_1180, %add3A_1187 : vector<16xi32>
      tpu.vector_store_idx %arg6[%add3A_1188], %broadcast_in_dim3A_16 masked %lt3A_13 : memref<42112xi32, #tpu.memory_space<vmem>>[vector<16xi32>], vector<16xi32>, vector<16xi1>
      %mul3A_1189 = arith.constant 16 : i32
      %mul3A_1190 = arith.muli %sub3A_1128, %mul3A_1189 : i32
      %add3A_1191 = arith.constant 3 : i32
      %add3A_1192 = arith.addi %mul3A_1190, %add3A_1191 : i32
      %mul3A_1193 = arith.constant 32 : i32
      %mul3A_1194 = arith.muli %add3A_1192, %mul3A_1193 : i32
      %get3A_1195 = arith.index_cast %mul3A_1194 : i32 to index
      %get3A_1196 = tpu.vector_load %arg4[%get3A_1195] {strides = array<i32>} : memref<16384xi32, #tpu.memory_space<vmem>>, vector<16xi32>,
      %add3A_1197 = arith.constant 16 : i32
      %add3A_1198 = arith.addi %mul3A_1194, %add3A_1197 : i32
      %get3A_1199 = arith.index_cast %add3A_1198 : i32 to index
      %get3A_1200 = tpu.vector_load %arg4[%get3A_1199] {strides = array<i32>} : memref<16384xi32, #tpu.memory_space<vmem>>, vector<16xi32>,
      %add3A_1201 = arith.constant 7800 : i32
      %add3A_1202 = vector.broadcast %add3A_1201 : i32 to vector<16xi32>
      %add3A_1203 = arith.addi %mul3A_5, %add3A_1202 : vector<16xi32>
      %add3A_1204 = arith.addi %get3A_1196, %add3A_1203 : vector<16xi32>
      tpu.vector_store_idx %arg6[%add3A_1204], %broadcast_in_dim3A_16 : memref<42112xi32, #tpu.memory_space<vmem>>[vector<16xi32>], vector<16xi32>,
      %add3A_1205 = arith.constant 7800 : i32
      %add3A_1206 = vector.broadcast %add3A_1205 : i32 to vector<16xi32>
      %add3A_1207 = arith.addi %mul3A_11, %add3A_1206 : vector<16xi32>
      %add3A_1208 = arith.addi %get3A_1200, %add3A_1207 : vector<16xi32>
      tpu.vector_store_idx %arg6[%add3A_1208], %broadcast_in_dim3A_16 masked %lt3A_13 : memref<42112xi32, #tpu.memory_space<vmem>>[vector<16xi32>], vector<16xi32>, vector<16xi1>
      %mul3A_1209 = arith.constant 16 : i32
      %mul3A_1210 = arith.muli %sub3A_1128, %mul3A_1209 : i32
      %add3A_1211 = arith.constant 4 : i32
      %add3A_1212 = arith.addi %mul3A_1210, %add3A_1211 : i32
      %mul3A_1213 = arith.constant 32 : i32
      %mul3A_1214 = arith.muli %add3A_1212, %mul3A_1213 : i32
      %get3A_1215 = arith.index_cast %mul3A_1214 : i32 to index
      %get3A_1216 = tpu.vector_load %arg4[%get3A_1215] {strides = array<i32>} : memref<16384xi32, #tpu.memory_space<vmem>>, vector<16xi32>,
      %add3A_1217 = arith.constant 16 : i32
      %add3A_1218 = arith.addi %mul3A_1214, %add3A_1217 : i32
      %get3A_1219 = arith.index_cast %add3A_1218 : i32 to index
      %get3A_1220 = tpu.vector_load %arg4[%get3A_1219] {strides = array<i32>} : memref<16384xi32, #tpu.memory_space<vmem>>, vector<16xi32>,
      %add3A_1221 = arith.constant 10400 : i32
      %add3A_1222 = vector.broadcast %add3A_1221 : i32 to vector<16xi32>
      %add3A_1223 = arith.addi %mul3A_5, %add3A_1222 : vector<16xi32>
      %add3A_1224 = arith.addi %get3A_1216, %add3A_1223 : vector<16xi32>
      tpu.vector_store_idx %arg6[%add3A_1224], %broadcast_in_dim3A_16 : memref<42112xi32, #tpu.memory_space<vmem>>[vector<16xi32>], vector<16xi32>,
      %add3A_1225 = arith.constant 10400 : i32
      %add3A_1226 = vector.broadcast %add3A_1225 : i32 to vector<16xi32>
      %add3A_1227 = arith.addi %mul3A_11, %add3A_1226 : vector<16xi32>
      %add3A_1228 = arith.addi %get3A_1220, %add3A_1227 : vector<16xi32>
      tpu.vector_store_idx %arg6[%add3A_1228], %broadcast_in_dim3A_16 masked %lt3A_13 : memref<42112xi32, #tpu.memory_space<vmem>>[vector<16xi32>], vector<16xi32>, vector<16xi1>
      %mul3A_1229 = arith.constant 16 : i32
      %mul3A_1230 = arith.muli %sub3A_1128, %mul3A_1229 : i32
      %add3A_1231 = arith.constant 5 : i32
      %add3A_1232 = arith.addi %mul3A_1230, %add3A_1231 : i32
      %mul3A_1233 = arith.constant 32 : i32
      %mul3A_1234 = arith.muli %add3A_1232, %mul3A_1233 : i32
      %get3A_1235 = arith.index_cast %mul3A_1234 : i32 to index
      %get3A_1236 = tpu.vector_load %arg4[%get3A_1235] {strides = array<i32>} : memref<16384xi32, #tpu.memory_space<vmem>>, vector<16xi32>,
      %add3A_1237 = arith.constant 16 : i32
      %add3A_1238 = arith.addi %mul3A_1234, %add3A_1237 : i32
      %get3A_1239 = arith.index_cast %add3A_1238 : i32 to index
      %get3A_1240 = tpu.vector_load %arg4[%get3A_1239] {strides = array<i32>} : memref<16384xi32, #tpu.memory_space<vmem>>, vector<16xi32>,
      %add3A_1241 = arith.constant 13000 : i32
      %add3A_1242 = vector.broadcast %add3A_1241 : i32 to vector<16xi32>
      %add3A_1243 = arith.addi %mul3A_5, %add3A_1242 : vector<16xi32>
      %add3A_1244 = arith.addi %get3A_1236, %add3A_1243 : vector<16xi32>
      tpu.vector_store_idx %arg6[%add3A_1244], %broadcast_in_dim3A_16 : memref<42112xi32, #tpu.memory_space<vmem>>[vector<16xi32>], vector<16xi32>,
      %add3A_1245 = arith.constant 13000 : i32
      %add3A_1246 = vector.broadcast %add3A_1245 : i32 to vector<16xi32>
      %add3A_1247 = arith.addi %mul3A_11, %add3A_1246 : vector<16xi32>
      %add3A_1248 = arith.addi %get3A_1240, %add3A_1247 : vector<16xi32>
      tpu.vector_store_idx %arg6[%add3A_1248], %broadcast_in_dim3A_16 masked %lt3A_13 : memref<42112xi32, #tpu.memory_space<vmem>>[vector<16xi32>], vector<16xi32>, vector<16xi1>
      %mul3A_1249 = arith.constant 16 : i32
      %mul3A_1250 = arith.muli %sub3A_1128, %mul3A_1249 : i32
      %add3A_1251 = arith.constant 6 : i32
      %add3A_1252 = arith.addi %mul3A_1250, %add3A_1251 : i32
      %mul3A_1253 = arith.constant 32 : i32
      %mul3A_1254 = arith.muli %add3A_1252, %mul3A_1253 : i32
      %get3A_1255 = arith.index_cast %mul3A_1254 : i32 to index
      %get3A_1256 = tpu.vector_load %arg4[%get3A_1255] {strides = array<i32>} : memref<16384xi32, #tpu.memory_space<vmem>>, vector<16xi32>,
      %add3A_1257 = arith.constant 16 : i32
      %add3A_1258 = arith.addi %mul3A_1254, %add3A_1257 : i32
      %get3A_1259 = arith.index_cast %add3A_1258 : i32 to index
      %get3A_1260 = tpu.vector_load %arg4[%get3A_1259] {strides = array<i32>} : memref<16384xi32, #tpu.memory_space<vmem>>, vector<16xi32>,
      %add3A_1261 = arith.constant 15600 : i32
      %add3A_1262 = vector.broadcast %add3A_1261 : i32 to vector<16xi32>
      %add3A_1263 = arith.addi %mul3A_5, %add3A_1262 : vector<16xi32>
      %add3A_1264 = arith.addi %get3A_1256, %add3A_1263 : vector<16xi32>
      tpu.vector_store_idx %arg6[%add3A_1264], %broadcast_in_dim3A_16 : memref<42112xi32, #tpu.memory_space<vmem>>[vector<16xi32>], vector<16xi32>,
      %add3A_1265 = arith.constant 15600 : i32
      %add3A_1266 = vector.broadcast %add3A_1265 : i32 to vector<16xi32>
      %add3A_1267 = arith.addi %mul3A_11, %add3A_1266 : vector<16xi32>
      %add3A_1268 = arith.addi %get3A_1260, %add3A_1267 : vector<16xi32>
      tpu.vector_store_idx %arg6[%add3A_1268], %broadcast_in_dim3A_16 masked %lt3A_13 : memref<42112xi32, #tpu.memory_space<vmem>>[vector<16xi32>], vector<16xi32>, vector<16xi1>
      %mul3A_1269 = arith.constant 16 : i32
      %mul3A_1270 = arith.muli %sub3A_1128, %mul3A_1269 : i32
      %add3A_1271 = arith.constant 7 : i32
      %add3A_1272 = arith.addi %mul3A_1270, %add3A_1271 : i32
      %mul3A_1273 = arith.constant 32 : i32
      %mul3A_1274 = arith.muli %add3A_1272, %mul3A_1273 : i32
      %get3A_1275 = arith.index_cast %mul3A_1274 : i32 to index
      %get3A_1276 = tpu.vector_load %arg4[%get3A_1275] {strides = array<i32>} : memref<16384xi32, #tpu.memory_space<vmem>>, vector<16xi32>,
      %add3A_1277 = arith.constant 16 : i32
      %add3A_1278 = arith.addi %mul3A_1274, %add3A_1277 : i32
      %get3A_1279 = arith.index_cast %add3A_1278 : i32 to index
      %get3A_1280 = tpu.vector_load %arg4[%get3A_1279] {strides = array<i32>} : memref<16384xi32, #tpu.memory_space<vmem>>, vector<16xi32>,
      %add3A_1281 = arith.constant 18200 : i32
      %add3A_1282 = vector.broadcast %add3A_1281 : i32 to vector<16xi32>
      %add3A_1283 = arith.addi %mul3A_5, %add3A_1282 : vector<16xi32>
      %add3A_1284 = arith.addi %get3A_1276, %add3A_1283 : vector<16xi32>
      tpu.vector_store_idx %arg6[%add3A_1284], %broadcast_in_dim3A_16 : memref<42112xi32, #tpu.memory_space<vmem>>[vector<16xi32>], vector<16xi32>,
      %add3A_1285 = arith.constant 18200 : i32
      %add3A_1286 = vector.broadcast %add3A_1285 : i32 to vector<16xi32>
      %add3A_1287 = arith.addi %mul3A_11, %add3A_1286 : vector<16xi32>
      %add3A_1288 = arith.addi %get3A_1280, %add3A_1287 : vector<16xi32>
      tpu.vector_store_idx %arg6[%add3A_1288], %broadcast_in_dim3A_16 masked %lt3A_13 : memref<42112xi32, #tpu.memory_space<vmem>>[vector<16xi32>], vector<16xi32>, vector<16xi1>
      %mul3A_1289 = arith.constant 16 : i32
      %mul3A_1290 = arith.muli %sub3A_1128, %mul3A_1289 : i32
      %add3A_1291 = arith.constant 8 : i32
      %add3A_1292 = arith.addi %mul3A_1290, %add3A_1291 : i32
      %mul3A_1293 = arith.constant 32 : i32
      %mul3A_1294 = arith.muli %add3A_1292, %mul3A_1293 : i32
      %get3A_1295 = arith.index_cast %mul3A_1294 : i32 to index
      %get3A_1296 = tpu.vector_load %arg4[%get3A_1295] {strides = array<i32>} : memref<16384xi32, #tpu.memory_space<vmem>>, vector<16xi32>,
      %add3A_1297 = arith.constant 16 : i32
      %add3A_1298 = arith.addi %mul3A_1294, %add3A_1297 : i32
      %get3A_1299 = arith.index_cast %add3A_1298 : i32 to index
      %get3A_1300 = tpu.vector_load %arg4[%get3A_1299] {strides = array<i32>} : memref<16384xi32, #tpu.memory_space<vmem>>, vector<16xi32>,
      %add3A_1301 = arith.constant 20800 : i32
      %add3A_1302 = vector.broadcast %add3A_1301 : i32 to vector<16xi32>
      %add3A_1303 = arith.addi %mul3A_5, %add3A_1302 : vector<16xi32>
      %add3A_1304 = arith.addi %get3A_1296, %add3A_1303 : vector<16xi32>
      tpu.vector_store_idx %arg6[%add3A_1304], %broadcast_in_dim3A_16 : memref<42112xi32, #tpu.memory_space<vmem>>[vector<16xi32>], vector<16xi32>,
      %add3A_1305 = arith.constant 20800 : i32
      %add3A_1306 = vector.broadcast %add3A_1305 : i32 to vector<16xi32>
      %add3A_1307 = arith.addi %mul3A_11, %add3A_1306 : vector<16xi32>
      %add3A_1308 = arith.addi %get3A_1300, %add3A_1307 : vector<16xi32>
      tpu.vector_store_idx %arg6[%add3A_1308], %broadcast_in_dim3A_16 masked %lt3A_13 : memref<42112xi32, #tpu.memory_space<vmem>>[vector<16xi32>], vector<16xi32>, vector<16xi1>
      %mul3A_1309 = arith.constant 16 : i32
      %mul3A_1310 = arith.muli %sub3A_1128, %mul3A_1309 : i32
      %add3A_1311 = arith.constant 9 : i32
      %add3A_1312 = arith.addi %mul3A_1310, %add3A_1311 : i32
      %mul3A_1313 = arith.constant 32 : i32
      %mul3A_1314 = arith.muli %add3A_1312, %mul3A_1313 : i32
      %get3A_1315 = arith.index_cast %mul3A_1314 : i32 to index
      %get3A_1316 = tpu.vector_load %arg4[%get3A_1315] {strides = array<i32>} : memref<16384xi32, #tpu.memory_space<vmem>>, vector<16xi32>,
      %add3A_1317 = arith.constant 16 : i32
      %add3A_1318 = arith.addi %mul3A_1314, %add3A_1317 : i32
      %get3A_1319 = arith.index_cast %add3A_1318 : i32 to index
      %get3A_1320 = tpu.vector_load %arg4[%get3A_1319] {strides = array<i32>} : memref<16384xi32, #tpu.memory_space<vmem>>, vector<16xi32>,
      %add3A_1321 = arith.constant 23400 : i32
      %add3A_1322 = vector.broadcast %add3A_1321 : i32 to vector<16xi32>
      %add3A_1323 = arith.addi %mul3A_5, %add3A_1322 : vector<16xi32>
      %add3A_1324 = arith.addi %get3A_1316, %add3A_1323 : vector<16xi32>
      tpu.vector_store_idx %arg6[%add3A_1324], %broadcast_in_dim3A_16 : memref<42112xi32, #tpu.memory_space<vmem>>[vector<16xi32>], vector<16xi32>,
      %add3A_1325 = arith.constant 23400 : i32
      %add3A_1326 = vector.broadcast %add3A_1325 : i32 to vector<16xi32>
      %add3A_1327 = arith.addi %mul3A_11, %add3A_1326 : vector<16xi32>
      %add3A_1328 = arith.addi %get3A_1320, %add3A_1327 : vector<16xi32>
      tpu.vector_store_idx %arg6[%add3A_1328], %broadcast_in_dim3A_16 masked %lt3A_13 : memref<42112xi32, #tpu.memory_space<vmem>>[vector<16xi32>], vector<16xi32>, vector<16xi1>
      %mul3A_1329 = arith.constant 16 : i32
      %mul3A_1330 = arith.muli %sub3A_1128, %mul3A_1329 : i32
      %add3A_1331 = arith.constant 10 : i32
      %add3A_1332 = arith.addi %mul3A_1330, %add3A_1331 : i32
      %mul3A_1333 = arith.constant 32 : i32
      %mul3A_1334 = arith.muli %add3A_1332, %mul3A_1333 : i32
      %get3A_1335 = arith.index_cast %mul3A_1334 : i32 to index
      %get3A_1336 = tpu.vector_load %arg4[%get3A_1335] {strides = array<i32>} : memref<16384xi32, #tpu.memory_space<vmem>>, vector<16xi32>,
      %add3A_1337 = arith.constant 16 : i32
      %add3A_1338 = arith.addi %mul3A_1334, %add3A_1337 : i32
      %get3A_1339 = arith.index_cast %add3A_1338 : i32 to index
      %get3A_1340 = tpu.vector_load %arg4[%get3A_1339] {strides = array<i32>} : memref<16384xi32, #tpu.memory_space<vmem>>, vector<16xi32>,
      %add3A_1341 = arith.constant 26000 : i32
      %add3A_1342 = vector.broadcast %add3A_1341 : i32 to vector<16xi32>
      %add3A_1343 = arith.addi %mul3A_5, %add3A_1342 : vector<16xi32>
      %add3A_1344 = arith.addi %get3A_1336, %add3A_1343 : vector<16xi32>
      tpu.vector_store_idx %arg6[%add3A_1344], %broadcast_in_dim3A_16 : memref<42112xi32, #tpu.memory_space<vmem>>[vector<16xi32>], vector<16xi32>,
      %add3A_1345 = arith.constant 26000 : i32
      %add3A_1346 = vector.broadcast %add3A_1345 : i32 to vector<16xi32>
      %add3A_1347 = arith.addi %mul3A_11, %add3A_1346 : vector<16xi32>
      %add3A_1348 = arith.addi %get3A_1340, %add3A_1347 : vector<16xi32>
      tpu.vector_store_idx %arg6[%add3A_1348], %broadcast_in_dim3A_16 masked %lt3A_13 : memref<42112xi32, #tpu.memory_space<vmem>>[vector<16xi32>], vector<16xi32>, vector<16xi1>
      %mul3A_1349 = arith.constant 16 : i32
      %mul3A_1350 = arith.muli %sub3A_1128, %mul3A_1349 : i32
      %add3A_1351 = arith.constant 11 : i32
      %add3A_1352 = arith.addi %mul3A_1350, %add3A_1351 : i32
      %mul3A_1353 = arith.constant 32 : i32
      %mul3A_1354 = arith.muli %add3A_1352, %mul3A_1353 : i32
      %get3A_1355 = arith.index_cast %mul3A_1354 : i32 to index
      %get3A_1356 = tpu.vector_load %arg4[%get3A_1355] {strides = array<i32>} : memref<16384xi32, #tpu.memory_space<vmem>>, vector<16xi32>,
      %add3A_1357 = arith.constant 16 : i32
      %add3A_1358 = arith.addi %mul3A_1354, %add3A_1357 : i32
      %get3A_1359 = arith.index_cast %add3A_1358 : i32 to index
      %get3A_1360 = tpu.vector_load %arg4[%get3A_1359] {strides = array<i32>} : memref<16384xi32, #tpu.memory_space<vmem>>, vector<16xi32>,
      %add3A_1361 = arith.constant 28600 : i32
      %add3A_1362 = vector.broadcast %add3A_1361 : i32 to vector<16xi32>
      %add3A_1363 = arith.addi %mul3A_5, %add3A_1362 : vector<16xi32>
      %add3A_1364 = arith.addi %get3A_1356, %add3A_1363 : vector<16xi32>
      tpu.vector_store_idx %arg6[%add3A_1364], %broadcast_in_dim3A_16 : memref<42112xi32, #tpu.memory_space<vmem>>[vector<16xi32>], vector<16xi32>,
      %add3A_1365 = arith.constant 28600 : i32
      %add3A_1366 = vector.broadcast %add3A_1365 : i32 to vector<16xi32>
      %add3A_1367 = arith.addi %mul3A_11, %add3A_1366 : vector<16xi32>
      %add3A_1368 = arith.addi %get3A_1360, %add3A_1367 : vector<16xi32>
      tpu.vector_store_idx %arg6[%add3A_1368], %broadcast_in_dim3A_16 masked %lt3A_13 : memref<42112xi32, #tpu.memory_space<vmem>>[vector<16xi32>], vector<16xi32>, vector<16xi1>
      %mul3A_1369 = arith.constant 16 : i32
      %mul3A_1370 = arith.muli %sub3A_1128, %mul3A_1369 : i32
      %add3A_1371 = arith.constant 12 : i32
      %add3A_1372 = arith.addi %mul3A_1370, %add3A_1371 : i32
      %mul3A_1373 = arith.constant 32 : i32
      %mul3A_1374 = arith.muli %add3A_1372, %mul3A_1373 : i32
      %get3A_1375 = arith.index_cast %mul3A_1374 : i32 to index
      %get3A_1376 = tpu.vector_load %arg4[%get3A_1375] {strides = array<i32>} : memref<16384xi32, #tpu.memory_space<vmem>>, vector<16xi32>,
      %add3A_1377 = arith.constant 16 : i32
      %add3A_1378 = arith.addi %mul3A_1374, %add3A_1377 : i32
      %get3A_1379 = arith.index_cast %add3A_1378 : i32 to index
      %get3A_1380 = tpu.vector_load %arg4[%get3A_1379] {strides = array<i32>} : memref<16384xi32, #tpu.memory_space<vmem>>, vector<16xi32>,
      %add3A_1381 = arith.constant 31200 : i32
      %add3A_1382 = vector.broadcast %add3A_1381 : i32 to vector<16xi32>
      %add3A_1383 = arith.addi %mul3A_5, %add3A_1382 : vector<16xi32>
      %add3A_1384 = arith.addi %get3A_1376, %add3A_1383 : vector<16xi32>
      tpu.vector_store_idx %arg6[%add3A_1384], %broadcast_in_dim3A_16 : memref<42112xi32, #tpu.memory_space<vmem>>[vector<16xi32>], vector<16xi32>,
      %add3A_1385 = arith.constant 31200 : i32
      %add3A_1386 = vector.broadcast %add3A_1385 : i32 to vector<16xi32>
      %add3A_1387 = arith.addi %mul3A_11, %add3A_1386 : vector<16xi32>
      %add3A_1388 = arith.addi %get3A_1380, %add3A_1387 : vector<16xi32>
      tpu.vector_store_idx %arg6[%add3A_1388], %broadcast_in_dim3A_16 masked %lt3A_13 : memref<42112xi32, #tpu.memory_space<vmem>>[vector<16xi32>], vector<16xi32>, vector<16xi1>
      %mul3A_1389 = arith.constant 16 : i32
      %mul3A_1390 = arith.muli %sub3A_1128, %mul3A_1389 : i32
      %add3A_1391 = arith.constant 13 : i32
      %add3A_1392 = arith.addi %mul3A_1390, %add3A_1391 : i32
      %mul3A_1393 = arith.constant 32 : i32
      %mul3A_1394 = arith.muli %add3A_1392, %mul3A_1393 : i32
      %get3A_1395 = arith.index_cast %mul3A_1394 : i32 to index
      %get3A_1396 = tpu.vector_load %arg4[%get3A_1395] {strides = array<i32>} : memref<16384xi32, #tpu.memory_space<vmem>>, vector<16xi32>,
      %add3A_1397 = arith.constant 16 : i32
      %add3A_1398 = arith.addi %mul3A_1394, %add3A_1397 : i32
      %get3A_1399 = arith.index_cast %add3A_1398 : i32 to index
      %get3A_1400 = tpu.vector_load %arg4[%get3A_1399] {strides = array<i32>} : memref<16384xi32, #tpu.memory_space<vmem>>, vector<16xi32>,
      %add3A_1401 = arith.constant 33800 : i32
      %add3A_1402 = vector.broadcast %add3A_1401 : i32 to vector<16xi32>
      %add3A_1403 = arith.addi %mul3A_5, %add3A_1402 : vector<16xi32>
      %add3A_1404 = arith.addi %get3A_1396, %add3A_1403 : vector<16xi32>
      tpu.vector_store_idx %arg6[%add3A_1404], %broadcast_in_dim3A_16 : memref<42112xi32, #tpu.memory_space<vmem>>[vector<16xi32>], vector<16xi32>,
      %add3A_1405 = arith.constant 33800 : i32
      %add3A_1406 = vector.broadcast %add3A_1405 : i32 to vector<16xi32>
      %add3A_1407 = arith.addi %mul3A_11, %add3A_1406 : vector<16xi32>
      %add3A_1408 = arith.addi %get3A_1400, %add3A_1407 : vector<16xi32>
      tpu.vector_store_idx %arg6[%add3A_1408], %broadcast_in_dim3A_16 masked %lt3A_13 : memref<42112xi32, #tpu.memory_space<vmem>>[vector<16xi32>], vector<16xi32>, vector<16xi1>
      %mul3A_1409 = arith.constant 16 : i32
      %mul3A_1410 = arith.muli %sub3A_1128, %mul3A_1409 : i32
      %add3A_1411 = arith.constant 14 : i32
      %add3A_1412 = arith.addi %mul3A_1410, %add3A_1411 : i32
      %mul3A_1413 = arith.constant 32 : i32
      %mul3A_1414 = arith.muli %add3A_1412, %mul3A_1413 : i32
      %get3A_1415 = arith.index_cast %mul3A_1414 : i32 to index
      %get3A_1416 = tpu.vector_load %arg4[%get3A_1415] {strides = array<i32>} : memref<16384xi32, #tpu.memory_space<vmem>>, vector<16xi32>,
      %add3A_1417 = arith.constant 16 : i32
      %add3A_1418 = arith.addi %mul3A_1414, %add3A_1417 : i32
      %get3A_1419 = arith.index_cast %add3A_1418 : i32 to index
      %get3A_1420 = tpu.vector_load %arg4[%get3A_1419] {strides = array<i32>} : memref<16384xi32, #tpu.memory_space<vmem>>, vector<16xi32>,
      %add3A_1421 = arith.constant 36400 : i32
      %add3A_1422 = vector.broadcast %add3A_1421 : i32 to vector<16xi32>
      %add3A_1423 = arith.addi %mul3A_5, %add3A_1422 : vector<16xi32>
      %add3A_1424 = arith.addi %get3A_1416, %add3A_1423 : vector<16xi32>
      tpu.vector_store_idx %arg6[%add3A_1424], %broadcast_in_dim3A_16 : memref<42112xi32, #tpu.memory_space<vmem>>[vector<16xi32>], vector<16xi32>,
      %add3A_1425 = arith.constant 36400 : i32
      %add3A_1426 = vector.broadcast %add3A_1425 : i32 to vector<16xi32>
      %add3A_1427 = arith.addi %mul3A_11, %add3A_1426 : vector<16xi32>
      %add3A_1428 = arith.addi %get3A_1420, %add3A_1427 : vector<16xi32>
      tpu.vector_store_idx %arg6[%add3A_1428], %broadcast_in_dim3A_16 masked %lt3A_13 : memref<42112xi32, #tpu.memory_space<vmem>>[vector<16xi32>], vector<16xi32>, vector<16xi1>
      %mul3A_1429 = arith.constant 16 : i32
      %mul3A_1430 = arith.muli %sub3A_1128, %mul3A_1429 : i32
      %add3A_1431 = arith.constant 15 : i32
      %add3A_1432 = arith.addi %mul3A_1430, %add3A_1431 : i32
      %mul3A_1433 = arith.constant 32 : i32
      %mul3A_1434 = arith.muli %add3A_1432, %mul3A_1433 : i32
      %get3A_1435 = arith.index_cast %mul3A_1434 : i32 to index
      %get3A_1436 = tpu.vector_load %arg4[%get3A_1435] {strides = array<i32>} : memref<16384xi32, #tpu.memory_space<vmem>>, vector<16xi32>,
      %add3A_1437 = arith.constant 16 : i32
      %add3A_1438 = arith.addi %mul3A_1434, %add3A_1437 : i32
      %get3A_1439 = arith.index_cast %add3A_1438 : i32 to index
      %get3A_1440 = tpu.vector_load %arg4[%get3A_1439] {strides = array<i32>} : memref<16384xi32, #tpu.memory_space<vmem>>, vector<16xi32>,
      %add3A_1441 = arith.constant 39000 : i32
      %add3A_1442 = vector.broadcast %add3A_1441 : i32 to vector<16xi32>
      %add3A_1443 = arith.addi %mul3A_5, %add3A_1442 : vector<16xi32>
      %add3A_1444 = arith.addi %get3A_1436, %add3A_1443 : vector<16xi32>
      tpu.vector_store_idx %arg6[%add3A_1444], %broadcast_in_dim3A_16 : memref<42112xi32, #tpu.memory_space<vmem>>[vector<16xi32>], vector<16xi32>,
      %add3A_1445 = arith.constant 39000 : i32
      %add3A_1446 = vector.broadcast %add3A_1445 : i32 to vector<16xi32>
      %add3A_1447 = arith.addi %mul3A_11, %add3A_1446 : vector<16xi32>
      %add3A_1448 = arith.addi %get3A_1440, %add3A_1447 : vector<16xi32>
      tpu.vector_store_idx %arg6[%add3A_1448], %broadcast_in_dim3A_16 masked %lt3A_13 : memref<42112xi32, #tpu.memory_space<vmem>>[vector<16xi32>], vector<16xi32>, vector<16xi1>
      %mul3A_1449 = arith.constant 16 : i32
      %mul3A_1450 = arith.muli %add3A_1118, %mul3A_1449 : i32
      %add3A_1451 = arith.constant 0 : i32
      %add3A_1452 = arith.addi %mul3A_1450, %add3A_1451 : i32
      %mul3A_1453 = arith.constant 32 : i32
      %mul3A_1454 = arith.muli %add3A_1452, %mul3A_1453 : i32
      %get3A_1455 = arith.index_cast %mul3A_1454 : i32 to index
      %get3A_1456 = tpu.vector_load %arg4[%get3A_1455] {strides = array<i32>} : memref<16384xi32, #tpu.memory_space<vmem>>, vector<16xi32>,
      %add3A_1457 = arith.constant 16 : i32
      %add3A_1458 = arith.addi %mul3A_1454, %add3A_1457 : i32
      %get3A_1459 = arith.index_cast %add3A_1458 : i32 to index
      %get3A_1460 = tpu.vector_load %arg4[%get3A_1459] {strides = array<i32>} : memref<16384xi32, #tpu.memory_space<vmem>>, vector<16xi32>,
      %add3A_1461 = arith.constant 0 : i32
      %add3A_1462 = vector.broadcast %add3A_1461 : i32 to vector<16xi32>
      %add3A_1463 = arith.addi %mul3A_5, %add3A_1462 : vector<16xi32>
      %add3A_1464 = arith.addi %get3A_1456, %add3A_1463 : vector<16xi32>
      tpu.vector_store_idx %arg6[%add3A_1464], %broadcast_in_dim3A_14 : memref<42112xi32, #tpu.memory_space<vmem>>[vector<16xi32>], vector<16xi32>,
      %add3A_1465 = arith.constant 0 : i32
      %add3A_1466 = vector.broadcast %add3A_1465 : i32 to vector<16xi32>
      %add3A_1467 = arith.addi %mul3A_11, %add3A_1466 : vector<16xi32>
      %add3A_1468 = arith.addi %get3A_1460, %add3A_1467 : vector<16xi32>
      tpu.vector_store_idx %arg6[%add3A_1468], %broadcast_in_dim3A_14 masked %lt3A_13 : memref<42112xi32, #tpu.memory_space<vmem>>[vector<16xi32>], vector<16xi32>, vector<16xi1>
      %mul3A_1469 = arith.constant 16 : i32
      %mul3A_1470 = arith.muli %add3A_1118, %mul3A_1469 : i32
      %add3A_1471 = arith.constant 1 : i32
      %add3A_1472 = arith.addi %mul3A_1470, %add3A_1471 : i32
      %mul3A_1473 = arith.constant 32 : i32
      %mul3A_1474 = arith.muli %add3A_1472, %mul3A_1473 : i32
      %get3A_1475 = arith.index_cast %mul3A_1474 : i32 to index
      %get3A_1476 = tpu.vector_load %arg4[%get3A_1475] {strides = array<i32>} : memref<16384xi32, #tpu.memory_space<vmem>>, vector<16xi32>,
      %add3A_1477 = arith.constant 16 : i32
      %add3A_1478 = arith.addi %mul3A_1474, %add3A_1477 : i32
      %get3A_1479 = arith.index_cast %add3A_1478 : i32 to index
      %get3A_1480 = tpu.vector_load %arg4[%get3A_1479] {strides = array<i32>} : memref<16384xi32, #tpu.memory_space<vmem>>, vector<16xi32>,
      %add3A_1481 = arith.constant 2600 : i32
      %add3A_1482 = vector.broadcast %add3A_1481 : i32 to vector<16xi32>
      %add3A_1483 = arith.addi %mul3A_5, %add3A_1482 : vector<16xi32>
      %add3A_1484 = arith.addi %get3A_1476, %add3A_1483 : vector<16xi32>
      tpu.vector_store_idx %arg6[%add3A_1484], %broadcast_in_dim3A_14 : memref<42112xi32, #tpu.memory_space<vmem>>[vector<16xi32>], vector<16xi32>,
      %add3A_1485 = arith.constant 2600 : i32
      %add3A_1486 = vector.broadcast %add3A_1485 : i32 to vector<16xi32>
      %add3A_1487 = arith.addi %mul3A_11, %add3A_1486 : vector<16xi32>
      %add3A_1488 = arith.addi %get3A_1480, %add3A_1487 : vector<16xi32>
      tpu.vector_store_idx %arg6[%add3A_1488], %broadcast_in_dim3A_14 masked %lt3A_13 : memref<42112xi32, #tpu.memory_space<vmem>>[vector<16xi32>], vector<16xi32>, vector<16xi1>
      %mul3A_1489 = arith.constant 16 : i32
      %mul3A_1490 = arith.muli %add3A_1118, %mul3A_1489 : i32
      %add3A_1491 = arith.constant 2 : i32
      %add3A_1492 = arith.addi %mul3A_1490, %add3A_1491 : i32
      %mul3A_1493 = arith.constant 32 : i32
      %mul3A_1494 = arith.muli %add3A_1492, %mul3A_1493 : i32
      %get3A_1495 = arith.index_cast %mul3A_1494 : i32 to index
      %get3A_1496 = tpu.vector_load %arg4[%get3A_1495] {strides = array<i32>} : memref<16384xi32, #tpu.memory_space<vmem>>, vector<16xi32>,
      %add3A_1497 = arith.constant 16 : i32
      %add3A_1498 = arith.addi %mul3A_1494, %add3A_1497 : i32
      %get3A_1499 = arith.index_cast %add3A_1498 : i32 to index
      %get3A_1500 = tpu.vector_load %arg4[%get3A_1499] {strides = array<i32>} : memref<16384xi32, #tpu.memory_space<vmem>>, vector<16xi32>,
      %add3A_1501 = arith.constant 5200 : i32
      %add3A_1502 = vector.broadcast %add3A_1501 : i32 to vector<16xi32>
      %add3A_1503 = arith.addi %mul3A_5, %add3A_1502 : vector<16xi32>
      %add3A_1504 = arith.addi %get3A_1496, %add3A_1503 : vector<16xi32>
      tpu.vector_store_idx %arg6[%add3A_1504], %broadcast_in_dim3A_14 : memref<42112xi32, #tpu.memory_space<vmem>>[vector<16xi32>], vector<16xi32>,
      %add3A_1505 = arith.constant 5200 : i32
      %add3A_1506 = vector.broadcast %add3A_1505 : i32 to vector<16xi32>
      %add3A_1507 = arith.addi %mul3A_11, %add3A_1506 : vector<16xi32>
      %add3A_1508 = arith.addi %get3A_1500, %add3A_1507 : vector<16xi32>
      tpu.vector_store_idx %arg6[%add3A_1508], %broadcast_in_dim3A_14 masked %lt3A_13 : memref<42112xi32, #tpu.memory_space<vmem>>[vector<16xi32>], vector<16xi32>, vector<16xi1>
      %mul3A_1509 = arith.constant 16 : i32
      %mul3A_1510 = arith.muli %add3A_1118, %mul3A_1509 : i32
      %add3A_1511 = arith.constant 3 : i32
      %add3A_1512 = arith.addi %mul3A_1510, %add3A_1511 : i32
      %mul3A_1513 = arith.constant 32 : i32
      %mul3A_1514 = arith.muli %add3A_1512, %mul3A_1513 : i32
      %get3A_1515 = arith.index_cast %mul3A_1514 : i32 to index
      %get3A_1516 = tpu.vector_load %arg4[%get3A_1515] {strides = array<i32>} : memref<16384xi32, #tpu.memory_space<vmem>>, vector<16xi32>,
      %add3A_1517 = arith.constant 16 : i32
      %add3A_1518 = arith.addi %mul3A_1514, %add3A_1517 : i32
      %get3A_1519 = arith.index_cast %add3A_1518 : i32 to index
      %get3A_1520 = tpu.vector_load %arg4[%get3A_1519] {strides = array<i32>} : memref<16384xi32, #tpu.memory_space<vmem>>, vector<16xi32>,
      %add3A_1521 = arith.constant 7800 : i32
      %add3A_1522 = vector.broadcast %add3A_1521 : i32 to vector<16xi32>
      %add3A_1523 = arith.addi %mul3A_5, %add3A_1522 : vector<16xi32>
      %add3A_1524 = arith.addi %get3A_1516, %add3A_1523 : vector<16xi32>
      tpu.vector_store_idx %arg6[%add3A_1524], %broadcast_in_dim3A_14 : memref<42112xi32, #tpu.memory_space<vmem>>[vector<16xi32>], vector<16xi32>,
      %add3A_1525 = arith.constant 7800 : i32
      %add3A_1526 = vector.broadcast %add3A_1525 : i32 to vector<16xi32>
      %add3A_1527 = arith.addi %mul3A_11, %add3A_1526 : vector<16xi32>
      %add3A_1528 = arith.addi %get3A_1520, %add3A_1527 : vector<16xi32>
      tpu.vector_store_idx %arg6[%add3A_1528], %broadcast_in_dim3A_14 masked %lt3A_13 : memref<42112xi32, #tpu.memory_space<vmem>>[vector<16xi32>], vector<16xi32>, vector<16xi1>
      %mul3A_1529 = arith.constant 16 : i32
      %mul3A_1530 = arith.muli %add3A_1118, %mul3A_1529 : i32
      %add3A_1531 = arith.constant 4 : i32
      %add3A_1532 = arith.addi %mul3A_1530, %add3A_1531 : i32
      %mul3A_1533 = arith.constant 32 : i32
      %mul3A_1534 = arith.muli %add3A_1532, %mul3A_1533 : i32
      %get3A_1535 = arith.index_cast %mul3A_1534 : i32 to index
      %get3A_1536 = tpu.vector_load %arg4[%get3A_1535] {strides = array<i32>} : memref<16384xi32, #tpu.memory_space<vmem>>, vector<16xi32>,
      %add3A_1537 = arith.constant 16 : i32
      %add3A_1538 = arith.addi %mul3A_1534, %add3A_1537 : i32
      %get3A_1539 = arith.index_cast %add3A_1538 : i32 to index
      %get3A_1540 = tpu.vector_load %arg4[%get3A_1539] {strides = array<i32>} : memref<16384xi32, #tpu.memory_space<vmem>>, vector<16xi32>,
      %add3A_1541 = arith.constant 10400 : i32
      %add3A_1542 = vector.broadcast %add3A_1541 : i32 to vector<16xi32>
      %add3A_1543 = arith.addi %mul3A_5, %add3A_1542 : vector<16xi32>
      %add3A_1544 = arith.addi %get3A_1536, %add3A_1543 : vector<16xi32>
      tpu.vector_store_idx %arg6[%add3A_1544], %broadcast_in_dim3A_14 : memref<42112xi32, #tpu.memory_space<vmem>>[vector<16xi32>], vector<16xi32>,
      %add3A_1545 = arith.constant 10400 : i32
      %add3A_1546 = vector.broadcast %add3A_1545 : i32 to vector<16xi32>
      %add3A_1547 = arith.addi %mul3A_11, %add3A_1546 : vector<16xi32>
      %add3A_1548 = arith.addi %get3A_1540, %add3A_1547 : vector<16xi32>
      tpu.vector_store_idx %arg6[%add3A_1548], %broadcast_in_dim3A_14 masked %lt3A_13 : memref<42112xi32, #tpu.memory_space<vmem>>[vector<16xi32>], vector<16xi32>, vector<16xi1>
      %mul3A_1549 = arith.constant 16 : i32
      %mul3A_1550 = arith.muli %add3A_1118, %mul3A_1549 : i32
      %add3A_1551 = arith.constant 5 : i32
      %add3A_1552 = arith.addi %mul3A_1550, %add3A_1551 : i32
      %mul3A_1553 = arith.constant 32 : i32
      %mul3A_1554 = arith.muli %add3A_1552, %mul3A_1553 : i32
      %get3A_1555 = arith.index_cast %mul3A_1554 : i32 to index
      %get3A_1556 = tpu.vector_load %arg4[%get3A_1555] {strides = array<i32>} : memref<16384xi32, #tpu.memory_space<vmem>>, vector<16xi32>,
      %add3A_1557 = arith.constant 16 : i32
      %add3A_1558 = arith.addi %mul3A_1554, %add3A_1557 : i32
      %get3A_1559 = arith.index_cast %add3A_1558 : i32 to index
      %get3A_1560 = tpu.vector_load %arg4[%get3A_1559] {strides = array<i32>} : memref<16384xi32, #tpu.memory_space<vmem>>, vector<16xi32>,
      %add3A_1561 = arith.constant 13000 : i32
      %add3A_1562 = vector.broadcast %add3A_1561 : i32 to vector<16xi32>
      %add3A_1563 = arith.addi %mul3A_5, %add3A_1562 : vector<16xi32>
      %add3A_1564 = arith.addi %get3A_1556, %add3A_1563 : vector<16xi32>
      tpu.vector_store_idx %arg6[%add3A_1564], %broadcast_in_dim3A_14 : memref<42112xi32, #tpu.memory_space<vmem>>[vector<16xi32>], vector<16xi32>,
      %add3A_1565 = arith.constant 13000 : i32
      %add3A_1566 = vector.broadcast %add3A_1565 : i32 to vector<16xi32>
      %add3A_1567 = arith.addi %mul3A_11, %add3A_1566 : vector<16xi32>
      %add3A_1568 = arith.addi %get3A_1560, %add3A_1567 : vector<16xi32>
      tpu.vector_store_idx %arg6[%add3A_1568], %broadcast_in_dim3A_14 masked %lt3A_13 : memref<42112xi32, #tpu.memory_space<vmem>>[vector<16xi32>], vector<16xi32>, vector<16xi1>
      %mul3A_1569 = arith.constant 16 : i32
      %mul3A_1570 = arith.muli %add3A_1118, %mul3A_1569 : i32
      %add3A_1571 = arith.constant 6 : i32
      %add3A_1572 = arith.addi %mul3A_1570, %add3A_1571 : i32
      %mul3A_1573 = arith.constant 32 : i32
      %mul3A_1574 = arith.muli %add3A_1572, %mul3A_1573 : i32
      %get3A_1575 = arith.index_cast %mul3A_1574 : i32 to index
      %get3A_1576 = tpu.vector_load %arg4[%get3A_1575] {strides = array<i32>} : memref<16384xi32, #tpu.memory_space<vmem>>, vector<16xi32>,
      %add3A_1577 = arith.constant 16 : i32
      %add3A_1578 = arith.addi %mul3A_1574, %add3A_1577 : i32
      %get3A_1579 = arith.index_cast %add3A_1578 : i32 to index
      %get3A_1580 = tpu.vector_load %arg4[%get3A_1579] {strides = array<i32>} : memref<16384xi32, #tpu.memory_space<vmem>>, vector<16xi32>,
      %add3A_1581 = arith.constant 15600 : i32
      %add3A_1582 = vector.broadcast %add3A_1581 : i32 to vector<16xi32>
      %add3A_1583 = arith.addi %mul3A_5, %add3A_1582 : vector<16xi32>
      %add3A_1584 = arith.addi %get3A_1576, %add3A_1583 : vector<16xi32>
      tpu.vector_store_idx %arg6[%add3A_1584], %broadcast_in_dim3A_14 : memref<42112xi32, #tpu.memory_space<vmem>>[vector<16xi32>], vector<16xi32>,
      %add3A_1585 = arith.constant 15600 : i32
      %add3A_1586 = vector.broadcast %add3A_1585 : i32 to vector<16xi32>
      %add3A_1587 = arith.addi %mul3A_11, %add3A_1586 : vector<16xi32>
      %add3A_1588 = arith.addi %get3A_1580, %add3A_1587 : vector<16xi32>
      tpu.vector_store_idx %arg6[%add3A_1588], %broadcast_in_dim3A_14 masked %lt3A_13 : memref<42112xi32, #tpu.memory_space<vmem>>[vector<16xi32>], vector<16xi32>, vector<16xi1>
      %mul3A_1589 = arith.constant 16 : i32
      %mul3A_1590 = arith.muli %add3A_1118, %mul3A_1589 : i32
      %add3A_1591 = arith.constant 7 : i32
      %add3A_1592 = arith.addi %mul3A_1590, %add3A_1591 : i32
      %mul3A_1593 = arith.constant 32 : i32
      %mul3A_1594 = arith.muli %add3A_1592, %mul3A_1593 : i32
      %get3A_1595 = arith.index_cast %mul3A_1594 : i32 to index
      %get3A_1596 = tpu.vector_load %arg4[%get3A_1595] {strides = array<i32>} : memref<16384xi32, #tpu.memory_space<vmem>>, vector<16xi32>,
      %add3A_1597 = arith.constant 16 : i32
      %add3A_1598 = arith.addi %mul3A_1594, %add3A_1597 : i32
      %get3A_1599 = arith.index_cast %add3A_1598 : i32 to index
      %get3A_1600 = tpu.vector_load %arg4[%get3A_1599] {strides = array<i32>} : memref<16384xi32, #tpu.memory_space<vmem>>, vector<16xi32>,
      %add3A_1601 = arith.constant 18200 : i32
      %add3A_1602 = vector.broadcast %add3A_1601 : i32 to vector<16xi32>
      %add3A_1603 = arith.addi %mul3A_5, %add3A_1602 : vector<16xi32>
      %add3A_1604 = arith.addi %get3A_1596, %add3A_1603 : vector<16xi32>
      tpu.vector_store_idx %arg6[%add3A_1604], %broadcast_in_dim3A_14 : memref<42112xi32, #tpu.memory_space<vmem>>[vector<16xi32>], vector<16xi32>,
      %add3A_1605 = arith.constant 18200 : i32
      %add3A_1606 = vector.broadcast %add3A_1605 : i32 to vector<16xi32>
      %add3A_1607 = arith.addi %mul3A_11, %add3A_1606 : vector<16xi32>
      %add3A_1608 = arith.addi %get3A_1600, %add3A_1607 : vector<16xi32>
      tpu.vector_store_idx %arg6[%add3A_1608], %broadcast_in_dim3A_14 masked %lt3A_13 : memref<42112xi32, #tpu.memory_space<vmem>>[vector<16xi32>], vector<16xi32>, vector<16xi1>
      %mul3A_1609 = arith.constant 16 : i32
      %mul3A_1610 = arith.muli %add3A_1118, %mul3A_1609 : i32
      %add3A_1611 = arith.constant 8 : i32
      %add3A_1612 = arith.addi %mul3A_1610, %add3A_1611 : i32
      %mul3A_1613 = arith.constant 32 : i32
      %mul3A_1614 = arith.muli %add3A_1612, %mul3A_1613 : i32
      %get3A_1615 = arith.index_cast %mul3A_1614 : i32 to index
      %get3A_1616 = tpu.vector_load %arg4[%get3A_1615] {strides = array<i32>} : memref<16384xi32, #tpu.memory_space<vmem>>, vector<16xi32>,
      %add3A_1617 = arith.constant 16 : i32
      %add3A_1618 = arith.addi %mul3A_1614, %add3A_1617 : i32
      %get3A_1619 = arith.index_cast %add3A_1618 : i32 to index
      %get3A_1620 = tpu.vector_load %arg4[%get3A_1619] {strides = array<i32>} : memref<16384xi32, #tpu.memory_space<vmem>>, vector<16xi32>,
      %add3A_1621 = arith.constant 20800 : i32
      %add3A_1622 = vector.broadcast %add3A_1621 : i32 to vector<16xi32>
      %add3A_1623 = arith.addi %mul3A_5, %add3A_1622 : vector<16xi32>
      %add3A_1624 = arith.addi %get3A_1616, %add3A_1623 : vector<16xi32>
      tpu.vector_store_idx %arg6[%add3A_1624], %broadcast_in_dim3A_14 : memref<42112xi32, #tpu.memory_space<vmem>>[vector<16xi32>], vector<16xi32>,
      %add3A_1625 = arith.constant 20800 : i32
      %add3A_1626 = vector.broadcast %add3A_1625 : i32 to vector<16xi32>
      %add3A_1627 = arith.addi %mul3A_11, %add3A_1626 : vector<16xi32>
      %add3A_1628 = arith.addi %get3A_1620, %add3A_1627 : vector<16xi32>
      tpu.vector_store_idx %arg6[%add3A_1628], %broadcast_in_dim3A_14 masked %lt3A_13 : memref<42112xi32, #tpu.memory_space<vmem>>[vector<16xi32>], vector<16xi32>, vector<16xi1>
      %mul3A_1629 = arith.constant 16 : i32
      %mul3A_1630 = arith.muli %add3A_1118, %mul3A_1629 : i32
      %add3A_1631 = arith.constant 9 : i32
      %add3A_1632 = arith.addi %mul3A_1630, %add3A_1631 : i32
      %mul3A_1633 = arith.constant 32 : i32
      %mul3A_1634 = arith.muli %add3A_1632, %mul3A_1633 : i32
      %get3A_1635 = arith.index_cast %mul3A_1634 : i32 to index
      %get3A_1636 = tpu.vector_load %arg4[%get3A_1635] {strides = array<i32>} : memref<16384xi32, #tpu.memory_space<vmem>>, vector<16xi32>,
      %add3A_1637 = arith.constant 16 : i32
      %add3A_1638 = arith.addi %mul3A_1634, %add3A_1637 : i32
      %get3A_1639 = arith.index_cast %add3A_1638 : i32 to index
      %get3A_1640 = tpu.vector_load %arg4[%get3A_1639] {strides = array<i32>} : memref<16384xi32, #tpu.memory_space<vmem>>, vector<16xi32>,
      %add3A_1641 = arith.constant 23400 : i32
      %add3A_1642 = vector.broadcast %add3A_1641 : i32 to vector<16xi32>
      %add3A_1643 = arith.addi %mul3A_5, %add3A_1642 : vector<16xi32>
      %add3A_1644 = arith.addi %get3A_1636, %add3A_1643 : vector<16xi32>
      tpu.vector_store_idx %arg6[%add3A_1644], %broadcast_in_dim3A_14 : memref<42112xi32, #tpu.memory_space<vmem>>[vector<16xi32>], vector<16xi32>,
      %add3A_1645 = arith.constant 23400 : i32
      %add3A_1646 = vector.broadcast %add3A_1645 : i32 to vector<16xi32>
      %add3A_1647 = arith.addi %mul3A_11, %add3A_1646 : vector<16xi32>
      %add3A_1648 = arith.addi %get3A_1640, %add3A_1647 : vector<16xi32>
      tpu.vector_store_idx %arg6[%add3A_1648], %broadcast_in_dim3A_14 masked %lt3A_13 : memref<42112xi32, #tpu.memory_space<vmem>>[vector<16xi32>], vector<16xi32>, vector<16xi1>
      %mul3A_1649 = arith.constant 16 : i32
      %mul3A_1650 = arith.muli %add3A_1118, %mul3A_1649 : i32
      %add3A_1651 = arith.constant 10 : i32
      %add3A_1652 = arith.addi %mul3A_1650, %add3A_1651 : i32
      %mul3A_1653 = arith.constant 32 : i32
      %mul3A_1654 = arith.muli %add3A_1652, %mul3A_1653 : i32
      %get3A_1655 = arith.index_cast %mul3A_1654 : i32 to index
      %get3A_1656 = tpu.vector_load %arg4[%get3A_1655] {strides = array<i32>} : memref<16384xi32, #tpu.memory_space<vmem>>, vector<16xi32>,
      %add3A_1657 = arith.constant 16 : i32
      %add3A_1658 = arith.addi %mul3A_1654, %add3A_1657 : i32
      %get3A_1659 = arith.index_cast %add3A_1658 : i32 to index
      %get3A_1660 = tpu.vector_load %arg4[%get3A_1659] {strides = array<i32>} : memref<16384xi32, #tpu.memory_space<vmem>>, vector<16xi32>,
      %add3A_1661 = arith.constant 26000 : i32
      %add3A_1662 = vector.broadcast %add3A_1661 : i32 to vector<16xi32>
      %add3A_1663 = arith.addi %mul3A_5, %add3A_1662 : vector<16xi32>
      %add3A_1664 = arith.addi %get3A_1656, %add3A_1663 : vector<16xi32>
      tpu.vector_store_idx %arg6[%add3A_1664], %broadcast_in_dim3A_14 : memref<42112xi32, #tpu.memory_space<vmem>>[vector<16xi32>], vector<16xi32>,
      %add3A_1665 = arith.constant 26000 : i32
      %add3A_1666 = vector.broadcast %add3A_1665 : i32 to vector<16xi32>
      %add3A_1667 = arith.addi %mul3A_11, %add3A_1666 : vector<16xi32>
      %add3A_1668 = arith.addi %get3A_1660, %add3A_1667 : vector<16xi32>
      tpu.vector_store_idx %arg6[%add3A_1668], %broadcast_in_dim3A_14 masked %lt3A_13 : memref<42112xi32, #tpu.memory_space<vmem>>[vector<16xi32>], vector<16xi32>, vector<16xi1>
      %mul3A_1669 = arith.constant 16 : i32
      %mul3A_1670 = arith.muli %add3A_1118, %mul3A_1669 : i32
      %add3A_1671 = arith.constant 11 : i32
      %add3A_1672 = arith.addi %mul3A_1670, %add3A_1671 : i32
      %mul3A_1673 = arith.constant 32 : i32
      %mul3A_1674 = arith.muli %add3A_1672, %mul3A_1673 : i32
      %get3A_1675 = arith.index_cast %mul3A_1674 : i32 to index
      %get3A_1676 = tpu.vector_load %arg4[%get3A_1675] {strides = array<i32>} : memref<16384xi32, #tpu.memory_space<vmem>>, vector<16xi32>,
      %add3A_1677 = arith.constant 16 : i32
      %add3A_1678 = arith.addi %mul3A_1674, %add3A_1677 : i32
      %get3A_1679 = arith.index_cast %add3A_1678 : i32 to index
      %get3A_1680 = tpu.vector_load %arg4[%get3A_1679] {strides = array<i32>} : memref<16384xi32, #tpu.memory_space<vmem>>, vector<16xi32>,
      %add3A_1681 = arith.constant 28600 : i32
      %add3A_1682 = vector.broadcast %add3A_1681 : i32 to vector<16xi32>
      %add3A_1683 = arith.addi %mul3A_5, %add3A_1682 : vector<16xi32>
      %add3A_1684 = arith.addi %get3A_1676, %add3A_1683 : vector<16xi32>
      tpu.vector_store_idx %arg6[%add3A_1684], %broadcast_in_dim3A_14 : memref<42112xi32, #tpu.memory_space<vmem>>[vector<16xi32>], vector<16xi32>,
      %add3A_1685 = arith.constant 28600 : i32
      %add3A_1686 = vector.broadcast %add3A_1685 : i32 to vector<16xi32>
      %add3A_1687 = arith.addi %mul3A_11, %add3A_1686 : vector<16xi32>
      %add3A_1688 = arith.addi %get3A_1680, %add3A_1687 : vector<16xi32>
      tpu.vector_store_idx %arg6[%add3A_1688], %broadcast_in_dim3A_14 masked %lt3A_13 : memref<42112xi32, #tpu.memory_space<vmem>>[vector<16xi32>], vector<16xi32>, vector<16xi1>
      %mul3A_1689 = arith.constant 16 : i32
      %mul3A_1690 = arith.muli %add3A_1118, %mul3A_1689 : i32
      %add3A_1691 = arith.constant 12 : i32
      %add3A_1692 = arith.addi %mul3A_1690, %add3A_1691 : i32
      %mul3A_1693 = arith.constant 32 : i32
      %mul3A_1694 = arith.muli %add3A_1692, %mul3A_1693 : i32
      %get3A_1695 = arith.index_cast %mul3A_1694 : i32 to index
      %get3A_1696 = tpu.vector_load %arg4[%get3A_1695] {strides = array<i32>} : memref<16384xi32, #tpu.memory_space<vmem>>, vector<16xi32>,
      %add3A_1697 = arith.constant 16 : i32
      %add3A_1698 = arith.addi %mul3A_1694, %add3A_1697 : i32
      %get3A_1699 = arith.index_cast %add3A_1698 : i32 to index
      %get3A_1700 = tpu.vector_load %arg4[%get3A_1699] {strides = array<i32>} : memref<16384xi32, #tpu.memory_space<vmem>>, vector<16xi32>,
      %add3A_1701 = arith.constant 31200 : i32
      %add3A_1702 = vector.broadcast %add3A_1701 : i32 to vector<16xi32>
      %add3A_1703 = arith.addi %mul3A_5, %add3A_1702 : vector<16xi32>
      %add3A_1704 = arith.addi %get3A_1696, %add3A_1703 : vector<16xi32>
      tpu.vector_store_idx %arg6[%add3A_1704], %broadcast_in_dim3A_14 : memref<42112xi32, #tpu.memory_space<vmem>>[vector<16xi32>], vector<16xi32>,
      %add3A_1705 = arith.constant 31200 : i32
      %add3A_1706 = vector.broadcast %add3A_1705 : i32 to vector<16xi32>
      %add3A_1707 = arith.addi %mul3A_11, %add3A_1706 : vector<16xi32>
      %add3A_1708 = arith.addi %get3A_1700, %add3A_1707 : vector<16xi32>
      tpu.vector_store_idx %arg6[%add3A_1708], %broadcast_in_dim3A_14 masked %lt3A_13 : memref<42112xi32, #tpu.memory_space<vmem>>[vector<16xi32>], vector<16xi32>, vector<16xi1>
      %mul3A_1709 = arith.constant 16 : i32
      %mul3A_1710 = arith.muli %add3A_1118, %mul3A_1709 : i32
      %add3A_1711 = arith.constant 13 : i32
      %add3A_1712 = arith.addi %mul3A_1710, %add3A_1711 : i32
      %mul3A_1713 = arith.constant 32 : i32
      %mul3A_1714 = arith.muli %add3A_1712, %mul3A_1713 : i32
      %get3A_1715 = arith.index_cast %mul3A_1714 : i32 to index
      %get3A_1716 = tpu.vector_load %arg4[%get3A_1715] {strides = array<i32>} : memref<16384xi32, #tpu.memory_space<vmem>>, vector<16xi32>,
      %add3A_1717 = arith.constant 16 : i32
      %add3A_1718 = arith.addi %mul3A_1714, %add3A_1717 : i32
      %get3A_1719 = arith.index_cast %add3A_1718 : i32 to index
      %get3A_1720 = tpu.vector_load %arg4[%get3A_1719] {strides = array<i32>} : memref<16384xi32, #tpu.memory_space<vmem>>, vector<16xi32>,
      %add3A_1721 = arith.constant 33800 : i32
      %add3A_1722 = vector.broadcast %add3A_1721 : i32 to vector<16xi32>
      %add3A_1723 = arith.addi %mul3A_5, %add3A_1722 : vector<16xi32>
      %add3A_1724 = arith.addi %get3A_1716, %add3A_1723 : vector<16xi32>
      tpu.vector_store_idx %arg6[%add3A_1724], %broadcast_in_dim3A_14 : memref<42112xi32, #tpu.memory_space<vmem>>[vector<16xi32>], vector<16xi32>,
      %add3A_1725 = arith.constant 33800 : i32
      %add3A_1726 = vector.broadcast %add3A_1725 : i32 to vector<16xi32>
      %add3A_1727 = arith.addi %mul3A_11, %add3A_1726 : vector<16xi32>
      %add3A_1728 = arith.addi %get3A_1720, %add3A_1727 : vector<16xi32>
      tpu.vector_store_idx %arg6[%add3A_1728], %broadcast_in_dim3A_14 masked %lt3A_13 : memref<42112xi32, #tpu.memory_space<vmem>>[vector<16xi32>], vector<16xi32>, vector<16xi1>
      %mul3A_1729 = arith.constant 16 : i32
      %mul3A_1730 = arith.muli %add3A_1118, %mul3A_1729 : i32
      %add3A_1731 = arith.constant 14 : i32
      %add3A_1732 = arith.addi %mul3A_1730, %add3A_1731 : i32
      %mul3A_1733 = arith.constant 32 : i32
      %mul3A_1734 = arith.muli %add3A_1732, %mul3A_1733 : i32
      %get3A_1735 = arith.index_cast %mul3A_1734 : i32 to index
      %get3A_1736 = tpu.vector_load %arg4[%get3A_1735] {strides = array<i32>} : memref<16384xi32, #tpu.memory_space<vmem>>, vector<16xi32>,
      %add3A_1737 = arith.constant 16 : i32
      %add3A_1738 = arith.addi %mul3A_1734, %add3A_1737 : i32
      %get3A_1739 = arith.index_cast %add3A_1738 : i32 to index
      %get3A_1740 = tpu.vector_load %arg4[%get3A_1739] {strides = array<i32>} : memref<16384xi32, #tpu.memory_space<vmem>>, vector<16xi32>,
      %add3A_1741 = arith.constant 36400 : i32
      %add3A_1742 = vector.broadcast %add3A_1741 : i32 to vector<16xi32>
      %add3A_1743 = arith.addi %mul3A_5, %add3A_1742 : vector<16xi32>
      %add3A_1744 = arith.addi %get3A_1736, %add3A_1743 : vector<16xi32>
      tpu.vector_store_idx %arg6[%add3A_1744], %broadcast_in_dim3A_14 : memref<42112xi32, #tpu.memory_space<vmem>>[vector<16xi32>], vector<16xi32>,
      %add3A_1745 = arith.constant 36400 : i32
      %add3A_1746 = vector.broadcast %add3A_1745 : i32 to vector<16xi32>
      %add3A_1747 = arith.addi %mul3A_11, %add3A_1746 : vector<16xi32>
      %add3A_1748 = arith.addi %get3A_1740, %add3A_1747 : vector<16xi32>
      tpu.vector_store_idx %arg6[%add3A_1748], %broadcast_in_dim3A_14 masked %lt3A_13 : memref<42112xi32, #tpu.memory_space<vmem>>[vector<16xi32>], vector<16xi32>, vector<16xi1>
      %mul3A_1749 = arith.constant 16 : i32
      %mul3A_1750 = arith.muli %add3A_1118, %mul3A_1749 : i32
      %add3A_1751 = arith.constant 15 : i32
      %add3A_1752 = arith.addi %mul3A_1750, %add3A_1751 : i32
      %mul3A_1753 = arith.constant 32 : i32
      %mul3A_1754 = arith.muli %add3A_1752, %mul3A_1753 : i32
      %get3A_1755 = arith.index_cast %mul3A_1754 : i32 to index
      %get3A_1756 = tpu.vector_load %arg4[%get3A_1755] {strides = array<i32>} : memref<16384xi32, #tpu.memory_space<vmem>>, vector<16xi32>,
      %add3A_1757 = arith.constant 16 : i32
      %add3A_1758 = arith.addi %mul3A_1754, %add3A_1757 : i32
      %get3A_1759 = arith.index_cast %add3A_1758 : i32 to index
      %get3A_1760 = tpu.vector_load %arg4[%get3A_1759] {strides = array<i32>} : memref<16384xi32, #tpu.memory_space<vmem>>, vector<16xi32>,
      %add3A_1761 = arith.constant 39000 : i32
      %add3A_1762 = vector.broadcast %add3A_1761 : i32 to vector<16xi32>
      %add3A_1763 = arith.addi %mul3A_5, %add3A_1762 : vector<16xi32>
      %add3A_1764 = arith.addi %get3A_1756, %add3A_1763 : vector<16xi32>
      tpu.vector_store_idx %arg6[%add3A_1764], %broadcast_in_dim3A_14 : memref<42112xi32, #tpu.memory_space<vmem>>[vector<16xi32>], vector<16xi32>,
      %add3A_1765 = arith.constant 39000 : i32
      %add3A_1766 = vector.broadcast %add3A_1765 : i32 to vector<16xi32>
      %add3A_1767 = arith.addi %mul3A_11, %add3A_1766 : vector<16xi32>
      %add3A_1768 = arith.addi %get3A_1760, %add3A_1767 : vector<16xi32>
      tpu.vector_store_idx %arg6[%add3A_1768], %broadcast_in_dim3A_14 masked %lt3A_13 : memref<42112xi32, #tpu.memory_space<vmem>>[vector<16xi32>], vector<16xi32>, vector<16xi1>
      %mul3A_1769 = arith.constant 16 : i32
      %mul3A_1770 = arith.muli %add3A_1118, %mul3A_1769 : i32
      %add3A_1771 = arith.addi %mul3A_2, %mul3A_1770 : i32
      %mul3A_1772 = arith.constant 2600 : i32
      %mul3A_1773 = arith.muli %add3A_1771, %mul3A_1772 : i32
      %dma_start3A_1774 = arith.constant 0 : i32
      %dma_start3A_1775 = tpu.memref_slice %arg6[%dma_start3A_1774] : memref<42112xi32, #tpu.memory_space<vmem>> -> memref<41600xi32, #tpu.memory_space<vmem>>
      %dma_start3A_1776 = tpu.memref_slice %arg3[%mul3A_1773] : memref<42598400xi32, #tpu.memory_space<hbm>> -> memref<41600xi32, #tpu.memory_space<hbm>>
      %dma_start3A_1777 = tpu.memref_slice %arg3[%mul3A_1773] : memref<42598400xi32, #tpu.memory_space<hbm>> -> memref<41600xi32, #tpu.memory_space<hbm>>
      %dma_start3A_1778 = arith.constant 0 : i32
      %dma_start3A_1779 = tpu.memref_slice %arg6[%dma_start3A_1778] : memref<42112xi32, #tpu.memory_space<vmem>> -> memref<41600xi32, #tpu.memory_space<vmem>>
      tpu.enqueue_dma source(%dma_start3A_1779 : memref<41600xi32, #tpu.memory_space<vmem>>) target(%dma_start3A_1777 : memref<41600xi32, #tpu.memory_space<hbm>>) target_semaphore(%arg8 : memref<!tpu.dma_semaphore, #tpu.memory_space<semaphore_mem>>)
      %scan3A_1780 = arith.constant 0 : i32
      scf.yield %scan3A_1780 : i32
    }
    %scan3A_433 = arith.constant 15 : i32
    %mul3A_434 = arith.constant 2600 : i32
    %mul3A_435 = arith.muli %mul3A_2, %mul3A_434 : i32
    %dma_wait3A = arith.constant 0 : i32
    %dma_wait3A_436 = tpu.memref_slice %arg5[%dma_wait3A] : memref<42112xi32, #tpu.memory_space<vmem>> -> memref<41600xi32, #tpu.memory_space<vmem>>
    %dma_wait3A_437 = tpu.memref_slice %arg3[%mul3A_435] : memref<42598400xi32, #tpu.memory_space<hbm>> -> memref<41600xi32, #tpu.memory_space<hbm>>
    %dma_wait3A_438 = tpu.memref_slice %arg3[%mul3A_435] : memref<42598400xi32, #tpu.memory_space<hbm>> -> memref<41600xi32, #tpu.memory_space<hbm>>
    %dma_wait3A_439 = arith.constant 0 : i32
    %dma_wait3A_440 = tpu.memref_slice %arg5[%dma_wait3A_439] : memref<42112xi32, #tpu.memory_space<vmem>> -> memref<41600xi32, #tpu.memory_space<vmem>>
    tpu.wait_dma2 semaphore(%arg7 : memref<!tpu.dma_semaphore, #tpu.memory_space<semaphore_mem>>) src(%dma_wait3A_440 : memref<41600xi32, #tpu.memory_space<vmem>>) dst(%dma_wait3A_438 : memref<41600xi32, #tpu.memory_space<hbm>>)
    %mul3A_441 = arith.constant 2600 : i32
    %mul3A_442 = arith.muli %mul3A_2, %mul3A_441 : i32
    %dma_wait3A_443 = arith.constant 0 : i32
    %dma_wait3A_444 = tpu.memref_slice %arg6[%dma_wait3A_443] : memref<42112xi32, #tpu.memory_space<vmem>> -> memref<41600xi32, #tpu.memory_space<vmem>>
    %dma_wait3A_445 = tpu.memref_slice %arg3[%mul3A_442] : memref<42598400xi32, #tpu.memory_space<hbm>> -> memref<41600xi32, #tpu.memory_space<hbm>>
    %dma_wait3A_446 = tpu.memref_slice %arg3[%mul3A_442] : memref<42598400xi32, #tpu.memory_space<hbm>> -> memref<41600xi32, #tpu.memory_space<hbm>>
    %dma_wait3A_447 = arith.constant 0 : i32
    %dma_wait3A_448 = tpu.memref_slice %arg6[%dma_wait3A_447] : memref<42112xi32, #tpu.memory_space<vmem>> -> memref<41600xi32, #tpu.memory_space<vmem>>
    tpu.wait_dma2 semaphore(%arg8 : memref<!tpu.dma_semaphore, #tpu.memory_space<semaphore_mem>>) src(%dma_wait3A_448 : memref<41600xi32, #tpu.memory_space<vmem>>) dst(%dma_wait3A_446 : memref<41600xi32, #tpu.memory_space<hbm>>)
    return
  }
}

</mosaic_0001>

<sc_bundles>
// kernel: kernel.3.cloned.1.call-start
scs
__scs_entry_jumppad:
0x0: {  	(pc) =	sbr.rel $0x88, $3  }
0x1: {  	(tag) =	ssettag $0x0;
	lr =	simm.s32 $0x1  }
0x2: {  	[smem:$0x3FA0] =	sst lr;
	_ =	strace $0xD0000000  }
0x3: {  	_ = 	snop  }
0x4: {  	_ = 	snop  }
0x5: {  	_ = 	snop  }
0x6: {  	_ = 	snop  }
0x7: {  	_ = 	snop  }
__scs_overlays_trampoline_lowered:
0x8: {  	[smem:$0x3FAF] =	sst s0  }
0x9: {  	[smem:$0x3FB0] =	sst s1  }
0xa: {  	[smem:$0x3FB1] =	sst s2  }
0xb: {  	[smem:$0x3FB2] =	sst s3  }
0xc: {  	[smem:$0x3FB3] =	sst s4  }
0xd: {  	[smem:$0x3FB4] =	sst s5  }
0xe: {  	[smem:$0x3FB5] =	sst s6  }
0xf: {  	[smem:$0x3FB6] =	sst s7  }
0x10: {  	[smem:$0x3FB7] =	sst s8  }
0x11: {  	[smem:$0x3FB8] =	sst s9;
	s0 =	simm.s32 @!p0 $0x0  }
0x12: {  	s1 =	sld [smem:$0x3F9E];
	s0 =	simm.s32 @p0 $0x1  }
0x13: {  	[smem:$0x3FB9] =	sst s0;
	s0 =	simm.s32 @!p1 $0x0  }
0x14: {  	s2 =	sld [smem:$0x3F9D];
	s0 =	simm.s32 @p1 $0x1  }
0x15: {  	[smem:$0x3FBA] =	sst s0;
	s0 =	simm.s32 @!p2 $0x0  }
0x16: {  	s3 =	sld [smem:$0x3FDB];
	s0 =	simm.s32 @p2 $0x1  }
0x17: {  	s4 =	simm.s32 $0x1BF5;
	[smem:$0x3FBC] =	sst s0  }
0x18: {  	s0 =	sld [smem:$0x3F9F];
	_ =	swait.ge [sflag:s4], $0x0  }
0x19: {  	s7 =	sld [smem:$0x3FA0]  }
0x1a: {  	s8 =	sadd.s32 $0xFFFFE003, lr  }
0x1b: {  	s9 =	sadd.s32 $0xFFFFFEF7, lr;
	s5 =	simm.s32 $0xFFFFFFFF;
	p2 =	slt.u32 s8, $0xFFFFF086  }
0x1c: {  	p1 =	slt.u32 s9, $0xF7A;
	s5 =	simm.s32 @!p2 $0x0  }
0x1d: {  	s5 =	simm.s32 @p1 $0x1;
	p0 =	seq.s32 s7, s2  }
0x1e: {  	s7 =	smul.u32 @!p0 $0xF7A, s2;
	p2 =	seq.s32 @!p0 s5, $0x0  }
0x1f: {  	s9 =	smul.u32 $0xF7A, s1;
	s8 =	simm.s32 @!p0 $0x1BF5;
	p2 =	por !p2, p0  }
0x20: {  	[sflag:s8] =	ssyncset.s32 @!p0 $0xFFFFF086;
	s6 =	sadd.s32 @!p0 s3, s7;
	s7 =	simm.s32 @!p0 $0x108  }
0x21: {  	s3 =	sadd.s32 s3, s9;
	s6 =	sadd.s32 @!p0 $0x88, s6;
	s7 =	simm.s32 @p2 $0x1082  }
0x22: {  	[simem:s7], [sflag:s8] =	dma.local @!p0 [hbm:s6], $0xF7A  }
0x23: {  	s9 =	sor.u32 $0xD0000000, s2;
	s6 =	simm.s32 $0x108;
	_ =	swait.ge @!p0 [sflag:s8], $0x0  }
0x24: {  	s3 =	sadd.s32 $0x88, s3;
	s6 =	simm.s32 @!p1 $0x1082;
	[sflag:s4] =	ssyncset.s32 $0xFFFFF086  }
0x25: {  	[simem:s6], [sflag:s4] =	dma.local [hbm:s3], $0xF7A  }
0x26: {  	[smem:$0x3FA0] =	sst s1;
	(tag) =	ssettag s2;
	_ =	strace s9  }
0x27: {  	s1 =	sld [smem:$0x3FB0]  }
0x28: {  	s2 =	sld [smem:$0x3FB1]  }
0x29: {  	s4 =	sld [smem:$0x3FB3]  }
0x2a: {  	p0 =	seq.s32 s5, $0x0;
	s5 =	sld [smem:$0x3FB4]  }
0x2b: {  	s6 =	sld [smem:$0x3FB5]  }
0x2c: {  	s7 =	sld [smem:$0x3FB6]  }
0x2d: {  	s3 =	simm.s32 $0x108;
	s8 =	sld [smem:$0x3FB7]  }
0x2e: {  	s3 =	simm.s32 @!p0 $0x1082;
	s9 =	sld [smem:$0x3FB8]  }
0x2f: {  	lr =	sadd.s32 s0, s3;
	s0 =	sld [smem:$0x3FAF]  }
0x30: {  	s3 =	sld [smem:$0x3FB2]  }
0x31: {  	[smem:$0x3FBB] =	sst s10  }
0x32: {  	s10 =	sld [smem:$0x3FB9];
	_ =	sdelay $0x3  }
0x33: {  	p0 =	seq.s32 s10, $0x1;
	s10 =	sld [smem:$0x3FBB];
	_ =	sdelay $0x3  }
0x34: {  	[smem:$0x3FBB] =	sst s10  }
0x35: {  	s10 =	sld [smem:$0x3FBA];
	_ =	sdelay $0x3  }
0x36: {  	p1 =	seq.s32 s10, $0x1;
	s10 =	sld [smem:$0x3FBB];
	_ =	sdelay $0x3  }
0x37: {  	[smem:$0x3FBB] =	sst s10  }
0x38: {  	s10 =	sld [smem:$0x3FBC]  }
0x39: {  	_ = 	snop;
	(pc) =	sbr.ind lr, $3  }
0x3a: {  	_ = 	snop  }
0x3b: {  	_ = 	snop  }
0x3c: {  	p2 =	seq.s32 s10, $0x1;
	s10 =	sld [smem:$0x3FBB]  }
0x3d: {  	_ =	shalt  }
0x3e: {  	_ =	shalt  }
0x3f: {  	_ =	shalt  }
0x40: {  	_ =	shalt  }
0x41: {  	_ =	shalt  }
0x42: {  	_ =	shalt  }
0x43: {  	_ =	shalt  }
0x44: {  	_ =	shalt  }
0x45: {  	_ =	shalt  }
0x46: {  	_ =	shalt  }
0x47: {  	_ =	shalt  }
0x48: {  	_ =	shalt  }
0x49: {  	_ =	shalt  }
0x4a: {  	_ =	shalt  }
0x4b: {  	_ =	shalt  }
0x4c: {  	_ =	shalt  }
0x4d: {  	_ =	shalt  }
0x4e: {  	_ =	shalt  }
0x4f: {  	_ =	shalt  }
0x50: {  	_ =	shalt  }
0x51: {  	_ =	shalt  }
0x52: {  	_ =	shalt  }
0x53: {  	_ =	shalt  }
0x54: {  	_ =	shalt  }
0x55: {  	_ =	shalt  }
0x56: {  	_ =	shalt  }
0x57: {  	_ =	shalt  }
0x58: {  	_ =	shalt  }
0x59: {  	_ =	shalt  }
0x5a: {  	_ =	shalt  }
0x5b: {  	_ =	shalt  }
0x5c: {  	_ =	shalt  }
0x5d: {  	_ =	shalt  }
0x5e: {  	_ =	shalt  }
0x5f: {  	_ =	shalt  }
0x60: {  	_ =	shalt  }
0x61: {  	_ =	shalt  }
0x62: {  	_ =	shalt  }
0x63: {  	_ =	shalt  }
0x64: {  	_ =	shalt  }
0x65: {  	_ =	shalt  }
0x66: {  	_ =	shalt  }
0x67: {  	_ =	shalt  }
0x68: {  	_ =	shalt  }
0x69: {  	_ =	shalt  }
0x6a: {  	_ =	shalt  }
0x6b: {  	_ =	shalt  }
0x6c: {  	_ =	shalt  }
0x6d: {  	_ =	shalt  }
0x6e: {  	_ =	shalt  }
0x6f: {  	_ =	shalt  }
0x70: {  	_ =	shalt  }
0x71: {  	_ =	shalt  }
0x72: {  	_ =	shalt  }
0x73: {  	_ =	shalt  }
0x74: {  	_ =	shalt  }
0x75: {  	_ =	shalt  }
0x76: {  	_ =	shalt  }
0x77: {  	_ =	shalt  }
0x78: {  	_ =	shalt  }
0x79: {  	_ =	shalt  }
0x7a: {  	_ =	shalt  }
0x7b: {  	_ =	shalt  }
0x7c: {  	_ =	shalt  }
0x7d: {  	_ =	shalt  }
0x7e: {  	_ =	shalt  }
0x7f: {  	_ =	shalt  }
0x80: {  	_ =	shalt  }
0x81: {  	_ =	shalt  }
0x82: {  	_ =	shalt  }
0x83: {  	_ =	shalt  }
0x84: {  	_ =	shalt  }
0x85: {  	_ =	shalt  }
0x86: {  	_ =	shalt  }
0x87: {  	_ =	shalt  }
.Lfunc_end0:
.L_simem_size_0:
called_computation.1_lowered:
.L_overlay_start_0:
0x88: {  	s2 =	sld [smem:$0x3FD9]  }
0x89: {  	s3 =	sld [smem:$0x3FFE];
	_ =	sdelay $0x1  }
0x8a: {  	s1 =	srdreg.scid  }
0x8b: {  	s0 =	sand.u32 $0x1, s1  }
0x8c: {  	s17 =	sshll.u32 s0, $0xA;
	s2 =	sadd.s32 s3, s2  }
0x8d: {  	s2 =	sadd.s32 s2, s17  }
0x8e: {  	[smem:$0x3FC7] =	sst s2  }
0x8f: {  	_ = 	snop  }
0x90: {  	s2 =	sld [smem:$0x3FD0];
	(tm) =	ssettm $0x1  }
0x91: {  	s18 =	sld [smem:$0x3FFB];
	_ =	sdelay $0x3  }
0x92: {  	_ =	strace s18  }
0x93: {  	s3 =	sld [smem:$0x3FFC];
	_ =	sdelay $0x3  }
0x94: {  	_ =	strace s3  }
0x95: {  	s3 =	sld [smem:$0x3FFD];
	_ =	sdelay $0x3  }
0x96: {  	_ =	strace s3  }
0x97: {  	_ =	strace $0x8FFFFFFF  }
0x98: {  	s19 =	sld [smem:$0x3FDB];
	_ =	sdelay $0x1  }
0x99: {  	s4 =	simm.s32 $_scs_section_size  }
0x9a: {  	s5 =	simm.s32 $_size__tile_overlayer_lowered;
	s6 =	simm.s32 $_tile_overlayer_lowered  }
0x9b: {  	s22 =	simm.s32 $0x1BFF;
	s21 =	sshll.u32 s6, $0x1;
	s3 =	sadd.s32 s4, s19  }
0x9c: {  	s7 =	simm.s32 $0x0;
	s20 =	sshll.u32 s5, $0x1;
	s5 =	sadd.s32 s21, s3  }
0x9d: {  	[timem:s7], [sflag:s22] =	dma.local [hbm:s5], s20  }
0x9e: {  	_ =	swait.ge [sflag:s22], s20  }
0x9f: {  	s4 =	ssub.s32 $0x0, s20;
	[sflag:s22] =	ssyncset.done $0x0  }
0xa0: {  	[sflag:s22] =	ssyncadd.s32 s4;
	_ =	sdelay $0x1  }
0xa1: {  	s23 =	simm.s32 $0x1B8B  }
0xa2: {  	_ =	swait.ge [sflag:s23], $0x1  }
0xa3: {  	[sflag:s23] =	ssyncset.done $0x0  }
0xa4: {  	s25 =	simm.s32 $0x1B8E;
	s24 =	sld [smem:$0x3FFE];
	[sflag:s23] =	ssyncadd.s32 $0xFFFFFFFF  }
0xa5: {  	s26 =	simm.s32 $execute0_lowered;
	[smem:$0x3FD2] =	sst s25  }
0xa6: {  	s5 =	sshll.u32 s26, $0x1;
	_ =	strace $0x80000046;
	[dreg:$0x1] =	wrdreg $0xFFFFFFFF  }
0xa7: {  	s28 =	simm.s32 $_size_execute0_lowered;
	s3 =	sadd.s32 s3, s5;
	[dreg:$0x0] =	wrdreg $0x0  }
0xa8: {  	s5 =	sshll.u32 s28, $0x1;
	[dreg:$0x2] =	wrdreg s3  }
0xa9: {  	[dreg:$0x3] =	wrdreg s5  }
0xaa: {  	[dreg:$0x4] =	wrdreg $0xC0  }
0xab: {  	_ =	task [dreg:s7], $0x5FFFF  }
0xac: {  	[dreg:$0x1] =	wrdreg $0xFFFFFFFF  }
0xad: {  	[dreg:$0x0] =	wrdreg $0x60  }
0xae: {  	[dreg:$0x2] =	wrdreg s24  }
0xaf: {  	[dreg:$0x3] =	wrdreg s2  }
0xb0: {  	[dreg:$0x4] =	wrdreg $0x9  }
0xb1: {  	_ =	task.clear_ibuf [dreg:s7], $0x5FFFF;
	_ =	strace $0x90000046  }
0xb2: {  	s29 =	simm.s32 $0x9;
	_ =	strace $0x80000048  }
0xb3: {  	_ =	swait.ge [sflag:s29], $0x1  }
0xb4: {  	[sflag:s29] =	ssyncadd.s32 $0xFFFFFFFF  }
0xb5: {  	_ =	strace $0x90000048  }
0xb6: {  	_ =	sfence  }
0xb7: {  	s30 =	sld [smem:$0x0];
	_ =	sdelay $0x2  }
0xb8: {  	s31 =	sshll.u32 s1, $0xD;
	s1 =	sshrl.u32 s1, $0x2  }
0xb9: {  	s3 =	sand.u32 $0x4000, s31;
	s1 =	sadd.s32 s1, s30  }
0xba: {  	s0 =	sor.u32 s3, s0;
	s1 =	sshll.u32 s1, $0x11  }
0xbb: {  	s0 =	sor.u32 s1, s0  }
0xbc: {  	s0 =	sadd.s32 $0x8F2B, s0  }
0xbd: {  	[sflag:s0] =	ssyncadd.remote.s32 $0x1  }
0xbe: {  	_ =	sfence.sel $0xFFFF  }
0xbf: {  	[dreg:$0x0] =	wrdreg $0xFFFFFFFF;
	(pc) =	sbr.abs _section_cstart, $3  }
0xc0: {  	[dreg:$0x1] =	wrdreg $0xFFFFFFFF  }
0xc1: {  	_ =	task.clear_ibuf [dreg:s7], $0x2FFFF;
	_ =	strace $0x9FFFFFFF  }
0xc2: {  	(tm) =	ssettm $0x7FFFFFFF  }
0xc3: {  	_ =	shalt  }
tec
execute0_lowered:
.L_overlay_start_1:
0x0: {  	(tag) =	ssettag $0x1  }
0x1: {  	v0 =	vlaneseq.u32  }
0x2: {  	s3 =	rddreg [dreg:$0x0];
	v0 =	vmul.u32 $0x64, v0  }
0x3: {  	s5 =	rddreg [dreg:$0x1]  }
0x4: {  	s0 =	rddreg [dreg:$0x2];
	s4 =	srdreg.scid;
	v1 =	vimm.s32 $0x0;
	v2 =	vimm.s32 $0x1;
	v3 =	vadd.s32 $0x640, v0  }
0x5: {  	s1 =	stileid.u32;
	s2 =	simm.s32 $0x0;
	s11 =	simm.s32 $0x1;
	v4 =	vadd.s32 $0xA28, v0;
	v5 =	vadd.s32 $0x1068, v0;
	v6 =	vadd.s32 $0x1450, v0  }
0x6: {  	s12 =	simm.s32 $0x2;
	s13 =	simm.s32 $0x0;
	s4 =	sand.u32 $0x1, s4;
	v7 =	vadd.s32 $0x1A90, v0;
	v8 =	vadd.s32 $0x1E78, v0;
	v9 =	vadd.s32 $0x24B8, v0  }
0x7: {  	s6 =	sshll.u32 s1, $0x1;
	[smem:$0x7FF] =	sst s2;
	s29 =	smul.u32 $0x51400, s1;
	v10 =	vadd.s32 $0x28A0, v0;
	v11 =	vadd.s32 $0x2EE0, v0;
	v12 =	vadd.s32 $0x32C8, v0  }
0x8: {  	s6 =	sor.u32 s4, s6;
	_ =	strace $0x80000047;
	s30 =	smul.u32 $0x28A00, s4;
	v13 =	vadd.s32 $0x3908, v0;
	v14 =	vadd.s32 $0x3CF0, v0;
	v15 =	vadd.s32 $0x4330, v0  }
0x9: {  	s7 =	ssub.s32 $0x2, s4;
	s8 =	smul.u32 $0x28A00, s6;
	s9 =	sshll.u32 s6, $0xB;
	v16 =	vadd.s32 $0x4718, v0;
	v17 =	vadd.s32 $0x4D58, v0;
	v18 =	vadd.s32 $0x5140, v0  }
0xa: {  	s10 =	sshrl.u32 s7, $0x1;
	s6 =	smul.u32 $0x145000, s6;
	v19 =	vadd.s32 $0x5780, v0;
	v20 =	vadd.s32 $0x5B68, v0;
	v21 =	vadd.s32 $0x61A8, v0;
	s31 =	sadd.s32 s29, s5  }
0xb: {  	v22 =	vadd.s32 $0x6590, v0;
	v23 =	vadd.s32 $0x6BD0, v0;
	v24 =	vadd.s32 $0x6FB8, v0;
	s3 =	sadd.s32 s9, s3;
	s7 =	ssub.s32 s7, s10;
	s9 =	simm.s32 $0x4000  }
0xc: {  	v25 =	vadd.s32 $0x75F8, v0;
	v26 =	vadd.s32 $0x79E0, v0;
	v27 =	vadd.s32 $0x8020, v0;
	s10 =	simm.s32 $0xE480;
	s3 =	sadd.s32 $0x800, s3;
	s6 =	sshrl.u32 s6, $0x3  }
0xd: {  	v28 =	vadd.s32 $0x8408, v0;
	v29 =	vadd.s32 $0x8A48, v0;
	v30 =	vadd.s32 $0x8E30, v0;
	s4 =	sadd.s32 s5, s8;
	s8 =	simm.s32 $0x3;
	s6 =	sadd.s32 s5, s6  }
0xe: {  	v31 =	vadd.s32 $0x9470, v0;
	v32 =	vadd.s32 $0x9858, v0;
	v33 =	vadd.s32 $0x9E98, v0;
	s5 =	sadd.s32 $0x1450, s6;
	s6 =	smax.u32 s7, $0x1;
	s7 =	sadd.s32 s30, s31  }
.LBB2_1:
0xf: {  	[tilespmem:s2], [sflag:$0x3] =	stream.linear.gather [hbm4b:s3+s2], $0x4000, $0x38;
	[tilespmem:$0x18900] =	vst v63  }
0x10: {  	_ =	swait.ge [sflag:s8], $0x4000  }
0x11: {  	[sflag:s8] =	ssyncset.done $0x0  }
0x12: {  	s14 =	simm.s32 $0x0;
	s15 =	simm.s32 $0x100;
	[sflag:s8] =	ssyncadd.s32 $0xFFFFC000  }
.LBB2_2:
0x13: {  	p0 =	sne.s32 s15, $0x28900;
	[tilespmem:s14+$0xE4B0] =	vst v1  }
0x14: {  	[tilespmem:s14+$0x4000] =	vst v1  }
0x15: {  	[tilespmem:s14+$0xE480] =	vst v1  }
.Ltmp0:
0x16: {  	[tilespmem:s14+$0x4010] =	vst v1;
	(pc) =	sbr.rel @p0 .LBB2_2-.Ltmp0, $4  }
0x17: {  	[tilespmem:s14+$0xE490] =	vst v1  }
0x18: {  	[tilespmem:s14+$0x4020] =	vst v1  }
0x19: {  	[tilespmem:s14+$0xE4A0] =	vst v1  }
0x1a: {  	[tilespmem:s14+$0x4030] =	vst v1;
	s14 =	sshra.s32 s15, $0x2;
	s15 =	sadd.s32 $0x100, s15  }
0x1b: {  	[tilespmem:s14+$0xE4B0] =	vst v1  }
0x1c: {  	[tilespmem:s14+$0x4000] =	vst v1  }
0x1d: {  	[tilespmem:s14+$0xE480] =	vst v1  }
0x1e: {  	[tilespmem:s14+$0x4010] =	vst v1  }
0x1f: {  	[tilespmem:s14+$0xE490] =	vst v1  }
0x20: {  	[tilespmem:s14+$0x4020] =	vst v1  }
0x21: {  	[tilespmem:s14+$0xE4A0] =	vst v1  }
0x22: {  	[tilespmem:s14+$0x4030] =	vst v1  }
0x23: {  	v34 =	vld [tilespmem:$0x0]  }
0x24: {  	v35 =	vld [tilespmem:$0x10];
	_ =	sdelay $0x3  }
0x25: {  	v34 =	vadd.s32 v0, v34  }
0x26: {  	v35 =	vadd.s32 v3, v35;
	_ =	sdelay $0x3  }
0x27: {  	[tilespmem:v34+s9+$0x0] =	vst.idx.msk $0xffff, v2  }
0x28: {  	[tilespmem:v35+s9+$0x0] =	vst.idx.msk $0x3ff, v2  }
0x29: {  	v34 =	vld [tilespmem:$0x20]  }
0x2a: {  	v35 =	vld [tilespmem:$0x30];
	_ =	sdelay $0x3  }
0x2b: {  	v34 =	vadd.s32 v4, v34  }
0x2c: {  	v35 =	vadd.s32 v5, v35;
	_ =	sdelay $0x3  }
0x2d: {  	[tilespmem:v34+s9+$0x0] =	vst.idx.msk $0xffff, v2  }
0x2e: {  	[tilespmem:v35+s9+$0x0] =	vst.idx.msk $0x3ff, v2  }
0x2f: {  	v34 =	vld [tilespmem:$0x40]  }
0x30: {  	v35 =	vld [tilespmem:$0x50];
	_ =	sdelay $0x3  }
0x31: {  	v34 =	vadd.s32 v6, v34  }
0x32: {  	v35 =	vadd.s32 v7, v35;
	_ =	sdelay $0x3  }
0x33: {  	[tilespmem:v34+s9+$0x0] =	vst.idx.msk $0xffff, v2  }
0x34: {  	[tilespmem:v35+s9+$0x0] =	vst.idx.msk $0x3ff, v2  }
0x35: {  	v34 =	vld [tilespmem:$0x60]  }
0x36: {  	v35 =	vld [tilespmem:$0x70];
	_ =	sdelay $0x3  }
0x37: {  	v34 =	vadd.s32 v8, v34  }
0x38: {  	v35 =	vadd.s32 v9, v35;
	_ =	sdelay $0x3  }
0x39: {  	[tilespmem:v34+s9+$0x0] =	vst.idx.msk $0xffff, v2  }
0x3a: {  	[tilespmem:v35+s9+$0x0] =	vst.idx.msk $0x3ff, v2  }
0x3b: {  	v34 =	vld [tilespmem:$0x80]  }
0x3c: {  	v35 =	vld [tilespmem:$0x90];
	_ =	sdelay $0x3  }
0x3d: {  	v34 =	vadd.s32 v10, v34  }
0x3e: {  	v35 =	vadd.s32 v11, v35;
	_ =	sdelay $0x3  }
0x3f: {  	[tilespmem:v34+s9+$0x0] =	vst.idx.msk $0xffff, v2  }
0x40: {  	[tilespmem:v35+s9+$0x0] =	vst.idx.msk $0x3ff, v2  }
0x41: {  	v34 =	vld [tilespmem:$0xA0]  }
0x42: {  	v35 =	vld [tilespmem:$0xB0];
	_ =	sdelay $0x3  }
0x43: {  	v34 =	vadd.s32 v12, v34  }
0x44: {  	v35 =	vadd.s32 v13, v35;
	_ =	sdelay $0x3  }
0x45: {  	[tilespmem:v34+s9+$0x0] =	vst.idx.msk $0xffff, v2  }
0x46: {  	[tilespmem:v35+s9+$0x0] =	vst.idx.msk $0x3ff, v2  }
0x47: {  	v34 =	vld [tilespmem:$0xC0]  }
0x48: {  	v35 =	vld [tilespmem:$0xD0];
	_ =	sdelay $0x3  }
0x49: {  	v34 =	vadd.s32 v14, v34  }
0x4a: {  	v35 =	vadd.s32 v15, v35;
	_ =	sdelay $0x3  }
0x4b: {  	[tilespmem:v34+s9+$0x0] =	vst.idx.msk $0xffff, v2  }
0x4c: {  	[tilespmem:v35+s9+$0x0] =	vst.idx.msk $0x3ff, v2  }
0x4d: {  	v34 =	vld [tilespmem:$0xE0]  }
0x4e: {  	v35 =	vld [tilespmem:$0xF0];
	_ =	sdelay $0x3  }
0x4f: {  	v34 =	vadd.s32 v16, v34  }
0x50: {  	v35 =	vadd.s32 v17, v35;
	_ =	sdelay $0x3  }
0x51: {  	[tilespmem:v34+s9+$0x0] =	vst.idx.msk $0xffff, v2  }
0x52: {  	[tilespmem:v35+s9+$0x0] =	vst.idx.msk $0x3ff, v2  }
0x53: {  	v34 =	vld [tilespmem:$0x100]  }
0x54: {  	v35 =	vld [tilespmem:$0x110];
	_ =	sdelay $0x3  }
0x55: {  	v34 =	vadd.s32 v18, v34  }
0x56: {  	v35 =	vadd.s32 v19, v35;
	_ =	sdelay $0x3  }
0x57: {  	[tilespmem:v34+s9+$0x0] =	vst.idx.msk $0xffff, v2  }
0x58: {  	[tilespmem:v35+s9+$0x0] =	vst.idx.msk $0x3ff, v2  }
0x59: {  	v34 =	vld [tilespmem:$0x120]  }
0x5a: {  	v35 =	vld [tilespmem:$0x130];
	_ =	sdelay $0x3  }
0x5b: {  	v34 =	vadd.s32 v20, v34  }
0x5c: {  	v35 =	vadd.s32 v21, v35;
	_ =	sdelay $0x3  }
0x5d: {  	[tilespmem:v34+s9+$0x0] =	vst.idx.msk $0xffff, v2  }
0x5e: {  	[tilespmem:v35+s9+$0x0] =	vst.idx.msk $0x3ff, v2  }
0x5f: {  	v34 =	vld [tilespmem:$0x140]  }
0x60: {  	v35 =	vld [tilespmem:$0x150];
	_ =	sdelay $0x3  }
0x61: {  	v34 =	vadd.s32 v22, v34  }
0x62: {  	v35 =	vadd.s32 v23, v35;
	_ =	sdelay $0x3  }
0x63: {  	[tilespmem:v34+s9+$0x0] =	vst.idx.msk $0xffff, v2  }
0x64: {  	[tilespmem:v35+s9+$0x0] =	vst.idx.msk $0x3ff, v2  }
0x65: {  	v34 =	vld [tilespmem:$0x160]  }
0x66: {  	v35 =	vld [tilespmem:$0x170];
	_ =	sdelay $0x3  }
0x67: {  	v34 =	vadd.s32 v24, v34  }
0x68: {  	v35 =	vadd.s32 v25, v35;
	_ =	sdelay $0x3  }
0x69: {  	[tilespmem:v34+s9+$0x0] =	vst.idx.msk $0xffff, v2  }
0x6a: {  	[tilespmem:v35+s9+$0x0] =	vst.idx.msk $0x3ff, v2  }
0x6b: {  	v34 =	vld [tilespmem:$0x180]  }
0x6c: {  	v35 =	vld [tilespmem:$0x190];
	_ =	sdelay $0x3  }
0x6d: {  	v34 =	vadd.s32 v26, v34  }
0x6e: {  	v35 =	vadd.s32 v27, v35;
	_ =	sdelay $0x3  }
0x6f: {  	[tilespmem:v34+s9+$0x0] =	vst.idx.msk $0xffff, v2  }
0x70: {  	[tilespmem:v35+s9+$0x0] =	vst.idx.msk $0x3ff, v2  }
0x71: {  	v34 =	vld [tilespmem:$0x1A0]  }
0x72: {  	v35 =	vld [tilespmem:$0x1B0];
	_ =	sdelay $0x3  }
0x73: {  	v34 =	vadd.s32 v28, v34  }
0x74: {  	v35 =	vadd.s32 v29, v35;
	_ =	sdelay $0x3  }
0x75: {  	[tilespmem:v34+s9+$0x0] =	vst.idx.msk $0xffff, v2  }
0x76: {  	[tilespmem:v35+s9+$0x0] =	vst.idx.msk $0x3ff, v2  }
0x77: {  	v34 =	vld [tilespmem:$0x1C0]  }
0x78: {  	v35 =	vld [tilespmem:$0x1D0];
	_ =	sdelay $0x3  }
0x79: {  	v34 =	vadd.s32 v30, v34  }
0x7a: {  	v35 =	vadd.s32 v31, v35;
	_ =	sdelay $0x3  }
0x7b: {  	[tilespmem:v34+s9+$0x0] =	vst.idx.msk $0xffff, v2  }
0x7c: {  	[tilespmem:v35+s9+$0x0] =	vst.idx.msk $0x3ff, v2  }
0x7d: {  	v34 =	vld [tilespmem:$0x1E0]  }
0x7e: {  	v35 =	vld [tilespmem:$0x1F0];
	_ =	sdelay $0x3  }
0x7f: {  	v34 =	vadd.s32 v32, v34  }
0x80: {  	v35 =	vadd.s32 v33, v35;
	_ =	sdelay $0x3  }
0x81: {  	[tilespmem:v34+s9+$0x0] =	vst.idx.msk $0xffff, v2  }
0x82: {  	[tilespmem:v35+s9+$0x0] =	vst.idx.msk $0x3ff, v2  }
0x83: {  	[hbm4b:s4+s2] =	stream.linear.scatter [tilespmem:s9], [sflag:$0x1], $0xA280, $0x38;
	[tilespmem:$0x18900] =	vst v63  }
0x84: {  	v34 =	vld [tilespmem:$0x200]  }
0x85: {  	v35 =	vld [tilespmem:$0x210];
	_ =	sdelay $0x3  }
0x86: {  	v34 =	vadd.s32 v0, v34  }
0x87: {  	v35 =	vadd.s32 v3, v35;
	_ =	sdelay $0x3  }
0x88: {  	[tilespmem:v34+s10+$0x0] =	vst.idx.msk $0xffff, v2  }
0x89: {  	[tilespmem:v35+s10+$0x0] =	vst.idx.msk $0x3ff, v2  }
0x8a: {  	v34 =	vld [tilespmem:$0x220]  }
0x8b: {  	v35 =	vld [tilespmem:$0x230];
	_ =	sdelay $0x3  }
0x8c: {  	v34 =	vadd.s32 v4, v34  }
0x8d: {  	v35 =	vadd.s32 v5, v35;
	_ =	sdelay $0x3  }
0x8e: {  	[tilespmem:v34+s10+$0x0] =	vst.idx.msk $0xffff, v2  }
0x8f: {  	[tilespmem:v35+s10+$0x0] =	vst.idx.msk $0x3ff, v2  }
0x90: {  	v34 =	vld [tilespmem:$0x240]  }
0x91: {  	v35 =	vld [tilespmem:$0x250];
	_ =	sdelay $0x3  }
0x92: {  	v34 =	vadd.s32 v6, v34  }
0x93: {  	v35 =	vadd.s32 v7, v35;
	_ =	sdelay $0x3  }
0x94: {  	[tilespmem:v34+s10+$0x0] =	vst.idx.msk $0xffff, v2  }
0x95: {  	[tilespmem:v35+s10+$0x0] =	vst.idx.msk $0x3ff, v2  }
0x96: {  	v34 =	vld [tilespmem:$0x260]  }
0x97: {  	v35 =	vld [tilespmem:$0x270];
	_ =	sdelay $0x3  }
0x98: {  	v34 =	vadd.s32 v8, v34  }
0x99: {  	v35 =	vadd.s32 v9, v35;
	_ =	sdelay $0x3  }
0x9a: {  	[tilespmem:v34+s10+$0x0] =	vst.idx.msk $0xffff, v2  }
0x9b: {  	[tilespmem:v35+s10+$0x0] =	vst.idx.msk $0x3ff, v2  }
0x9c: {  	v34 =	vld [tilespmem:$0x280]  }
0x9d: {  	v35 =	vld [tilespmem:$0x290];
	_ =	sdelay $0x3  }
0x9e: {  	v34 =	vadd.s32 v10, v34  }
0x9f: {  	v35 =	vadd.s32 v11, v35;
	_ =	sdelay $0x3  }
0xa0: {  	[tilespmem:v34+s10+$0x0] =	vst.idx.msk $0xffff, v2  }
0xa1: {  	[tilespmem:v35+s10+$0x0] =	vst.idx.msk $0x3ff, v2  }
0xa2: {  	v34 =	vld [tilespmem:$0x2A0]  }
0xa3: {  	v35 =	vld [tilespmem:$0x2B0];
	_ =	sdelay $0x3  }
0xa4: {  	v34 =	vadd.s32 v12, v34  }
0xa5: {  	v35 =	vadd.s32 v13, v35;
	_ =	sdelay $0x3  }
0xa6: {  	[tilespmem:v34+s10+$0x0] =	vst.idx.msk $0xffff, v2  }
0xa7: {  	[tilespmem:v35+s10+$0x0] =	vst.idx.msk $0x3ff, v2  }
0xa8: {  	v34 =	vld [tilespmem:$0x2C0]  }
0xa9: {  	v35 =	vld [tilespmem:$0x2D0];
	_ =	sdelay $0x3  }
0xaa: {  	v34 =	vadd.s32 v14, v34  }
0xab: {  	v35 =	vadd.s32 v15, v35;
	_ =	sdelay $0x3  }
0xac: {  	[tilespmem:v34+s10+$0x0] =	vst.idx.msk $0xffff, v2  }
0xad: {  	[tilespmem:v35+s10+$0x0] =	vst.idx.msk $0x3ff, v2  }
0xae: {  	v34 =	vld [tilespmem:$0x2E0]  }
0xaf: {  	v35 =	vld [tilespmem:$0x2F0];
	_ =	sdelay $0x3  }
0xb0: {  	v34 =	vadd.s32 v16, v34  }
0xb1: {  	v35 =	vadd.s32 v17, v35;
	_ =	sdelay $0x3  }
0xb2: {  	[tilespmem:v34+s10+$0x0] =	vst.idx.msk $0xffff, v2  }
0xb3: {  	[tilespmem:v35+s10+$0x0] =	vst.idx.msk $0x3ff, v2  }
0xb4: {  	v34 =	vld [tilespmem:$0x300]  }
0xb5: {  	v35 =	vld [tilespmem:$0x310];
	_ =	sdelay $0x3  }
0xb6: {  	v34 =	vadd.s32 v18, v34  }
0xb7: {  	v35 =	vadd.s32 v19, v35;
	_ =	sdelay $0x3  }
0xb8: {  	[tilespmem:v34+s10+$0x0] =	vst.idx.msk $0xffff, v2  }
0xb9: {  	[tilespmem:v35+s10+$0x0] =	vst.idx.msk $0x3ff, v2  }
0xba: {  	v34 =	vld [tilespmem:$0x320]  }
0xbb: {  	v35 =	vld [tilespmem:$0x330];
	_ =	sdelay $0x3  }
0xbc: {  	v34 =	vadd.s32 v20, v34  }
0xbd: {  	v35 =	vadd.s32 v21, v35;
	_ =	sdelay $0x3  }
0xbe: {  	[tilespmem:v34+s10+$0x0] =	vst.idx.msk $0xffff, v2  }
0xbf: {  	[tilespmem:v35+s10+$0x0] =	vst.idx.msk $0x3ff, v2  }
0xc0: {  	v34 =	vld [tilespmem:$0x340]  }
0xc1: {  	v35 =	vld [tilespmem:$0x350];
	_ =	sdelay $0x3  }
0xc2: {  	v34 =	vadd.s32 v22, v34  }
0xc3: {  	v35 =	vadd.s32 v23, v35;
	_ =	sdelay $0x3  }
0xc4: {  	[tilespmem:v34+s10+$0x0] =	vst.idx.msk $0xffff, v2  }
0xc5: {  	[tilespmem:v35+s10+$0x0] =	vst.idx.msk $0x3ff, v2  }
0xc6: {  	v34 =	vld [tilespmem:$0x360]  }
0xc7: {  	v35 =	vld [tilespmem:$0x370];
	_ =	sdelay $0x3  }
0xc8: {  	v34 =	vadd.s32 v24, v34  }
0xc9: {  	v35 =	vadd.s32 v25, v35;
	_ =	sdelay $0x3  }
0xca: {  	[tilespmem:v34+s10+$0x0] =	vst.idx.msk $0xffff, v2  }
0xcb: {  	[tilespmem:v35+s10+$0x0] =	vst.idx.msk $0x3ff, v2  }
0xcc: {  	v34 =	vld [tilespmem:$0x380]  }
0xcd: {  	v35 =	vld [tilespmem:$0x390];
	_ =	sdelay $0x3  }
0xce: {  	v34 =	vadd.s32 v26, v34  }
0xcf: {  	v35 =	vadd.s32 v27, v35;
	_ =	sdelay $0x3  }
0xd0: {  	[tilespmem:v34+s10+$0x0] =	vst.idx.msk $0xffff, v2  }
0xd1: {  	[tilespmem:v35+s10+$0x0] =	vst.idx.msk $0x3ff, v2  }
0xd2: {  	v34 =	vld [tilespmem:$0x3A0]  }
0xd3: {  	v35 =	vld [tilespmem:$0x3B0];
	_ =	sdelay $0x3  }
0xd4: {  	v34 =	vadd.s32 v28, v34  }
0xd5: {  	v35 =	vadd.s32 v29, v35;
	_ =	sdelay $0x3  }
0xd6: {  	[tilespmem:v34+s10+$0x0] =	vst.idx.msk $0xffff, v2  }
0xd7: {  	[tilespmem:v35+s10+$0x0] =	vst.idx.msk $0x3ff, v2  }
0xd8: {  	v34 =	vld [tilespmem:$0x3C0]  }
0xd9: {  	v35 =	vld [tilespmem:$0x3D0];
	_ =	sdelay $0x3  }
0xda: {  	v34 =	vadd.s32 v30, v34  }
0xdb: {  	v35 =	vadd.s32 v31, v35;
	_ =	sdelay $0x3  }
0xdc: {  	[tilespmem:v34+s10+$0x0] =	vst.idx.msk $0xffff, v2  }
0xdd: {  	[tilespmem:v35+s10+$0x0] =	vst.idx.msk $0x3ff, v2  }
0xde: {  	v34 =	vld [tilespmem:$0x3E0]  }
0xdf: {  	v35 =	vld [tilespmem:$0x3F0];
	_ =	sdelay $0x3  }
0xe0: {  	v34 =	vadd.s32 v32, v34  }
0xe1: {  	v35 =	vadd.s32 v33, v35;
	_ =	sdelay $0x3  }
0xe2: {  	[tilespmem:v34+s10+$0x0] =	vst.idx.msk $0xffff, v2  }
0xe3: {  	s14 =	simm.s32 $0xFFFD9EA0;
	s15 =	simm.s32 $0x400;
	[tilespmem:v35+s10+$0x0] =	vst.idx.msk $0x3ff, v2  }
0xe4: {  	[hbm4b:s5+s2] =	stream.linear.scatter [tilespmem:s10], [sflag:$0x2], $0xA280, $0x38;
	[tilespmem:$0x18900] =	vst v63  }
.LBB2_4:
0xe5: {  	_ =	swait.ge [sflag:s11], $0xA280  }
0xe6: {  	[sflag:s11] =	ssyncset.done $0x0  }
0xe7: {  	[sflag:s11] =	ssyncadd.s32 $0xFFFF5D80  }
0xe8: {  	v34 =	vld [tilespmem:s15+$0xFFFFFC00]  }
0xe9: {  	v35 =	vld [tilespmem:s15+$0xFFFFFC10];
	_ =	sdelay $0x3  }
0xea: {  	v34 =	vadd.s32 v0, v34  }
0xeb: {  	v35 =	vadd.s32 v3, v35;
	_ =	sdelay $0x3  }
0xec: {  	[tilespmem:v34+s9+$0x0] =	vst.idx.msk $0xffff, v1  }
0xed: {  	[tilespmem:v35+s9+$0x0] =	vst.idx.msk $0x3ff, v1  }
0xee: {  	v34 =	vld [tilespmem:s15+$0xFFFFFC20]  }
0xef: {  	v35 =	vld [tilespmem:s15+$0xFFFFFC30];
	_ =	sdelay $0x3  }
0xf0: {  	v34 =	vadd.s32 v4, v34  }
0xf1: {  	v35 =	vadd.s32 v5, v35;
	_ =	sdelay $0x3  }
0xf2: {  	[tilespmem:v34+s9+$0x0] =	vst.idx.msk $0xffff, v1  }
0xf3: {  	[tilespmem:v35+s9+$0x0] =	vst.idx.msk $0x3ff, v1  }
0xf4: {  	v34 =	vld [tilespmem:s15+$0xFFFFFC40]  }
0xf5: {  	v35 =	vld [tilespmem:s15+$0xFFFFFC50];
	_ =	sdelay $0x3  }
0xf6: {  	v34 =	vadd.s32 v6, v34  }
0xf7: {  	v35 =	vadd.s32 v7, v35;
	_ =	sdelay $0x3  }
0xf8: {  	[tilespmem:v34+s9+$0x0] =	vst.idx.msk $0xffff, v1  }
0xf9: {  	[tilespmem:v35+s9+$0x0] =	vst.idx.msk $0x3ff, v1  }
0xfa: {  	v34 =	vld [tilespmem:s15+$0xFFFFFC60]  }
0xfb: {  	v35 =	vld [tilespmem:s15+$0xFFFFFC70];
	_ =	sdelay $0x3  }
0xfc: {  	v34 =	vadd.s32 v8, v34  }
0xfd: {  	v35 =	vadd.s32 v9, v35;
	_ =	sdelay $0x3  }
0xfe: {  	[tilespmem:v34+s9+$0x0] =	vst.idx.msk $0xffff, v1  }
0xff: {  	[tilespmem:v35+s9+$0x0] =	vst.idx.msk $0x3ff, v1  }
0x100: {  	v34 =	vld [tilespmem:s15+$0xFFFFFC80]  }
0x101: {  	v35 =	vld [tilespmem:s15+$0xFFFFFC90];
	_ =	sdelay $0x3  }
0x102: {  	v34 =	vadd.s32 v10, v34  }
0x103: {  	v35 =	vadd.s32 v11, v35;
	_ =	sdelay $0x3  }
0x104: {  	[tilespmem:v34+s9+$0x0] =	vst.idx.msk $0xffff, v1  }
0x105: {  	[tilespmem:v35+s9+$0x0] =	vst.idx.msk $0x3ff, v1  }
0x106: {  	v34 =	vld [tilespmem:s15+$0xFFFFFCA0]  }
0x107: {  	v35 =	vld [tilespmem:s15+$0xFFFFFCB0];
	_ =	sdelay $0x3  }
0x108: {  	v34 =	vadd.s32 v12, v34  }
0x109: {  	v35 =	vadd.s32 v13, v35;
	_ =	sdelay $0x3  }
0x10a: {  	[tilespmem:v34+s9+$0x0] =	vst.idx.msk $0xffff, v1  }
0x10b: {  	[tilespmem:v35+s9+$0x0] =	vst.idx.msk $0x3ff, v1  }
0x10c: {  	v34 =	vld [tilespmem:s15+$0xFFFFFCC0]  }
0x10d: {  	v35 =	vld [tilespmem:s15+$0xFFFFFCD0];
	_ =	sdelay $0x3  }
0x10e: {  	v34 =	vadd.s32 v14, v34  }
0x10f: {  	v35 =	vadd.s32 v15, v35;
	_ =	sdelay $0x3  }
0x110: {  	[tilespmem:v34+s9+$0x0] =	vst.idx.msk $0xffff, v1  }
0x111: {  	[tilespmem:v35+s9+$0x0] =	vst.idx.msk $0x3ff, v1  }
0x112: {  	v34 =	vld [tilespmem:s15+$0xFFFFFCE0]  }
0x113: {  	v35 =	vld [tilespmem:s15+$0xFFFFFCF0];
	_ =	sdelay $0x3  }
0x114: {  	v34 =	vadd.s32 v16, v34  }
0x115: {  	v35 =	vadd.s32 v17, v35;
	_ =	sdelay $0x3  }
0x116: {  	[tilespmem:v34+s9+$0x0] =	vst.idx.msk $0xffff, v1  }
0x117: {  	[tilespmem:v35+s9+$0x0] =	vst.idx.msk $0x3ff, v1  }
0x118: {  	v34 =	vld [tilespmem:s15+$0xFFFFFD00]  }
0x119: {  	v35 =	vld [tilespmem:s15+$0xFFFFFD10];
	_ =	sdelay $0x3  }
0x11a: {  	v34 =	vadd.s32 v18, v34  }
0x11b: {  	v35 =	vadd.s32 v19, v35;
	_ =	sdelay $0x3  }
0x11c: {  	[tilespmem:v34+s9+$0x0] =	vst.idx.msk $0xffff, v1  }
0x11d: {  	[tilespmem:v35+s9+$0x0] =	vst.idx.msk $0x3ff, v1  }
0x11e: {  	v34 =	vld [tilespmem:s15+$0xFFFFFD20]  }
0x11f: {  	v35 =	vld [tilespmem:s15+$0xFFFFFD30];
	_ =	sdelay $0x3  }
0x120: {  	v34 =	vadd.s32 v20, v34  }
0x121: {  	v35 =	vadd.s32 v21, v35;
	_ =	sdelay $0x3  }
0x122: {  	[tilespmem:v34+s9+$0x0] =	vst.idx.msk $0xffff, v1  }
0x123: {  	[tilespmem:v35+s9+$0x0] =	vst.idx.msk $0x3ff, v1  }
0x124: {  	v34 =	vld [tilespmem:s15+$0xFFFFFD40]  }
0x125: {  	v35 =	vld [tilespmem:s15+$0xFFFFFD50];
	_ =	sdelay $0x3  }
0x126: {  	v34 =	vadd.s32 v22, v34  }
0x127: {  	v35 =	vadd.s32 v23, v35;
	_ =	sdelay $0x3  }
0x128: {  	[tilespmem:v34+s9+$0x0] =	vst.idx.msk $0xffff, v1  }
0x129: {  	[tilespmem:v35+s9+$0x0] =	vst.idx.msk $0x3ff, v1  }
0x12a: {  	v34 =	vld [tilespmem:s15+$0xFFFFFD60]  }
0x12b: {  	v35 =	vld [tilespmem:s15+$0xFFFFFD70];
	_ =	sdelay $0x3  }
0x12c: {  	v34 =	vadd.s32 v24, v34  }
0x12d: {  	v35 =	vadd.s32 v25, v35;
	_ =	sdelay $0x3  }
0x12e: {  	[tilespmem:v34+s9+$0x0] =	vst.idx.msk $0xffff, v1  }
0x12f: {  	[tilespmem:v35+s9+$0x0] =	vst.idx.msk $0x3ff, v1  }
0x130: {  	v34 =	vld [tilespmem:s15+$0xFFFFFD80]  }
0x131: {  	v35 =	vld [tilespmem:s15+$0xFFFFFD90];
	_ =	sdelay $0x3  }
0x132: {  	v34 =	vadd.s32 v26, v34  }
0x133: {  	v35 =	vadd.s32 v27, v35;
	_ =	sdelay $0x3  }
0x134: {  	[tilespmem:v34+s9+$0x0] =	vst.idx.msk $0xffff, v1  }
0x135: {  	[tilespmem:v35+s9+$0x0] =	vst.idx.msk $0x3ff, v1  }
0x136: {  	v34 =	vld [tilespmem:s15+$0xFFFFFDA0]  }
0x137: {  	v35 =	vld [tilespmem:s15+$0xFFFFFDB0];
	_ =	sdelay $0x3  }
0x138: {  	v34 =	vadd.s32 v28, v34  }
0x139: {  	v35 =	vadd.s32 v29, v35;
	_ =	sdelay $0x3  }
0x13a: {  	[tilespmem:v34+s9+$0x0] =	vst.idx.msk $0xffff, v1  }
0x13b: {  	[tilespmem:v35+s9+$0x0] =	vst.idx.msk $0x3ff, v1  }
0x13c: {  	v34 =	vld [tilespmem:s15+$0xFFFFFDC0]  }
0x13d: {  	v35 =	vld [tilespmem:s15+$0xFFFFFDD0];
	_ =	sdelay $0x3  }
0x13e: {  	v34 =	vadd.s32 v30, v34  }
0x13f: {  	v35 =	vadd.s32 v31, v35;
	_ =	sdelay $0x3  }
0x140: {  	[tilespmem:v34+s9+$0x0] =	vst.idx.msk $0xffff, v1  }
0x141: {  	[tilespmem:v35+s9+$0x0] =	vst.idx.msk $0x3ff, v1  }
0x142: {  	v34 =	vld [tilespmem:s15+$0xFFFFFDE0]  }
0x143: {  	v35 =	vld [tilespmem:s15+$0xFFFFFDF0];
	_ =	sdelay $0x3  }
0x144: {  	v34 =	vadd.s32 v32, v34  }
0x145: {  	v35 =	vadd.s32 v33, v35;
	_ =	sdelay $0x3  }
0x146: {  	[tilespmem:v34+s9+$0x0] =	vst.idx.msk $0xffff, v1  }
0x147: {  	[tilespmem:v35+s9+$0x0] =	vst.idx.msk $0x3ff, v1  }
0x148: {  	v34 =	vld [tilespmem:s15+$0x0]  }
0x149: {  	v35 =	vld [tilespmem:s15+$0x10];
	_ =	sdelay $0x3  }
0x14a: {  	v34 =	vadd.s32 v0, v34  }
0x14b: {  	v35 =	vadd.s32 v3, v35;
	_ =	sdelay $0x3  }
0x14c: {  	[tilespmem:v34+s9+$0x0] =	vst.idx.msk $0xffff, v2  }
0x14d: {  	[tilespmem:v35+s9+$0x0] =	vst.idx.msk $0x3ff, v2  }
0x14e: {  	v34 =	vld [tilespmem:s15+$0x20]  }
0x14f: {  	v35 =	vld [tilespmem:s15+$0x30];
	_ =	sdelay $0x3  }
0x150: {  	v34 =	vadd.s32 v4, v34  }
0x151: {  	v35 =	vadd.s32 v5, v35;
	_ =	sdelay $0x3  }
0x152: {  	[tilespmem:v34+s9+$0x0] =	vst.idx.msk $0xffff, v2  }
0x153: {  	[tilespmem:v35+s9+$0x0] =	vst.idx.msk $0x3ff, v2  }
0x154: {  	v34 =	vld [tilespmem:s15+$0x40]  }
0x155: {  	v35 =	vld [tilespmem:s15+$0x50];
	_ =	sdelay $0x3  }
0x156: {  	v34 =	vadd.s32 v6, v34  }
0x157: {  	v35 =	vadd.s32 v7, v35;
	_ =	sdelay $0x3  }
0x158: {  	[tilespmem:v34+s9+$0x0] =	vst.idx.msk $0xffff, v2  }
0x159: {  	[tilespmem:v35+s9+$0x0] =	vst.idx.msk $0x3ff, v2  }
0x15a: {  	v34 =	vld [tilespmem:s15+$0x60]  }
0x15b: {  	v35 =	vld [tilespmem:s15+$0x70];
	_ =	sdelay $0x3  }
0x15c: {  	v34 =	vadd.s32 v8, v34  }
0x15d: {  	v35 =	vadd.s32 v9, v35;
	_ =	sdelay $0x3  }
0x15e: {  	[tilespmem:v34+s9+$0x0] =	vst.idx.msk $0xffff, v2  }
0x15f: {  	[tilespmem:v35+s9+$0x0] =	vst.idx.msk $0x3ff, v2  }
0x160: {  	v34 =	vld [tilespmem:s15+$0x80]  }
0x161: {  	v35 =	vld [tilespmem:s15+$0x90];
	_ =	sdelay $0x3  }
0x162: {  	v34 =	vadd.s32 v10, v34  }
0x163: {  	v35 =	vadd.s32 v11, v35;
	_ =	sdelay $0x3  }
0x164: {  	[tilespmem:v34+s9+$0x0] =	vst.idx.msk $0xffff, v2  }
0x165: {  	[tilespmem:v35+s9+$0x0] =	vst.idx.msk $0x3ff, v2  }
0x166: {  	v34 =	vld [tilespmem:s15+$0xA0]  }
0x167: {  	v35 =	vld [tilespmem:s15+$0xB0];
	_ =	sdelay $0x3  }
0x168: {  	v34 =	vadd.s32 v12, v34  }
0x169: {  	v35 =	vadd.s32 v13, v35;
	_ =	sdelay $0x3  }
0x16a: {  	[tilespmem:v34+s9+$0x0] =	vst.idx.msk $0xffff, v2  }
0x16b: {  	[tilespmem:v35+s9+$0x0] =	vst.idx.msk $0x3ff, v2  }
0x16c: {  	v34 =	vld [tilespmem:s15+$0xC0]  }
0x16d: {  	v35 =	vld [tilespmem:s15+$0xD0];
	_ =	sdelay $0x3  }
0x16e: {  	v34 =	vadd.s32 v14, v34  }
0x16f: {  	v35 =	vadd.s32 v15, v35;
	_ =	sdelay $0x3  }
0x170: {  	[tilespmem:v34+s9+$0x0] =	vst.idx.msk $0xffff, v2  }
0x171: {  	[tilespmem:v35+s9+$0x0] =	vst.idx.msk $0x3ff, v2  }
0x172: {  	v34 =	vld [tilespmem:s15+$0xE0]  }
0x173: {  	v35 =	vld [tilespmem:s15+$0xF0];
	_ =	sdelay $0x3  }
0x174: {  	v34 =	vadd.s32 v16, v34  }
0x175: {  	v35 =	vadd.s32 v17, v35;
	_ =	sdelay $0x3  }
0x176: {  	[tilespmem:v34+s9+$0x0] =	vst.idx.msk $0xffff, v2  }
0x177: {  	[tilespmem:v35+s9+$0x0] =	vst.idx.msk $0x3ff, v2  }
0x178: {  	v34 =	vld [tilespmem:s15+$0x100]  }
0x179: {  	v35 =	vld [tilespmem:s15+$0x110];
	_ =	sdelay $0x3  }
0x17a: {  	v34 =	vadd.s32 v18, v34  }
0x17b: {  	v35 =	vadd.s32 v19, v35;
	_ =	sdelay $0x3  }
0x17c: {  	[tilespmem:v34+s9+$0x0] =	vst.idx.msk $0xffff, v2  }
0x17d: {  	[tilespmem:v35+s9+$0x0] =	vst.idx.msk $0x3ff, v2  }
0x17e: {  	v34 =	vld [tilespmem:s15+$0x120]  }
0x17f: {  	v35 =	vld [tilespmem:s15+$0x130];
	_ =	sdelay $0x3  }
0x180: {  	v34 =	vadd.s32 v20, v34  }
0x181: {  	v35 =	vadd.s32 v21, v35;
	_ =	sdelay $0x3  }
0x182: {  	[tilespmem:v34+s9+$0x0] =	vst.idx.msk $0xffff, v2  }
0x183: {  	[tilespmem:v35+s9+$0x0] =	vst.idx.msk $0x3ff, v2  }
0x184: {  	v34 =	vld [tilespmem:s15+$0x140]  }
0x185: {  	v35 =	vld [tilespmem:s15+$0x150];
	_ =	sdelay $0x3  }
0x186: {  	v34 =	vadd.s32 v22, v34  }
0x187: {  	v35 =	vadd.s32 v23, v35;
	_ =	sdelay $0x3  }
0x188: {  	[tilespmem:v34+s9+$0x0] =	vst.idx.msk $0xffff, v2  }
0x189: {  	[tilespmem:v35+s9+$0x0] =	vst.idx.msk $0x3ff, v2  }
0x18a: {  	v34 =	vld [tilespmem:s15+$0x160]  }
0x18b: {  	v35 =	vld [tilespmem:s15+$0x170];
	_ =	sdelay $0x3  }
0x18c: {  	v34 =	vadd.s32 v24, v34  }
0x18d: {  	v35 =	vadd.s32 v25, v35;
	_ =	sdelay $0x3  }
0x18e: {  	[tilespmem:v34+s9+$0x0] =	vst.idx.msk $0xffff, v2  }
0x18f: {  	[tilespmem:v35+s9+$0x0] =	vst.idx.msk $0x3ff, v2  }
0x190: {  	v34 =	vld [tilespmem:s15+$0x180]  }
0x191: {  	v35 =	vld [tilespmem:s15+$0x190];
	_ =	sdelay $0x3  }
0x192: {  	v34 =	vadd.s32 v26, v34  }
0x193: {  	v35 =	vadd.s32 v27, v35;
	_ =	sdelay $0x3  }
0x194: {  	[tilespmem:v34+s9+$0x0] =	vst.idx.msk $0xffff, v2  }
0x195: {  	[tilespmem:v35+s9+$0x0] =	vst.idx.msk $0x3ff, v2  }
0x196: {  	v34 =	vld [tilespmem:s15+$0x1A0]  }
0x197: {  	v35 =	vld [tilespmem:s15+$0x1B0];
	_ =	sdelay $0x3  }
0x198: {  	v34 =	vadd.s32 v28, v34  }
0x199: {  	v35 =	vadd.s32 v29, v35;
	_ =	sdelay $0x3  }
0x19a: {  	[tilespmem:v34+s9+$0x0] =	vst.idx.msk $0xffff, v2  }
0x19b: {  	[tilespmem:v35+s9+$0x0] =	vst.idx.msk $0x3ff, v2  }
0x19c: {  	v34 =	vld [tilespmem:s15+$0x1C0]  }
0x19d: {  	v35 =	vld [tilespmem:s15+$0x1D0];
	_ =	sdelay $0x3  }
0x19e: {  	v34 =	vadd.s32 v30, v34  }
0x19f: {  	v35 =	vadd.s32 v31, v35;
	_ =	sdelay $0x3  }
0x1a0: {  	[tilespmem:v34+s9+$0x0] =	vst.idx.msk $0xffff, v2  }
0x1a1: {  	[tilespmem:v35+s9+$0x0] =	vst.idx.msk $0x3ff, v2  }
0x1a2: {  	v34 =	vld [tilespmem:s15+$0x1E0]  }
0x1a3: {  	v35 =	vld [tilespmem:s15+$0x1F0];
	_ =	sdelay $0x3  }
0x1a4: {  	v34 =	vadd.s32 v32, v34  }
0x1a5: {  	v35 =	vadd.s32 v33, v35;
	_ =	sdelay $0x3  }
0x1a6: {  	s16 =	sadd.s32 s14, s7;
	[tilespmem:v34+s9+$0x0] =	vst.idx.msk $0xffff, v2  }
0x1a7: {  	s17 =	sadd.s32 $0x28A00, s16;
	[tilespmem:v35+s9+$0x0] =	vst.idx.msk $0x3ff, v2  }
0x1a8: {  	[hbm4b:s17+s2] =	stream.linear.scatter [tilespmem:s9], [sflag:$0x1], $0xA280, $0x38;
	[tilespmem:$0x18900] =	vst v63  }
0x1a9: {  	_ =	swait.ge [sflag:s12], $0xA280  }
0x1aa: {  	[sflag:s12] =	ssyncset.done $0x0  }
0x1ab: {  	[sflag:s12] =	ssyncadd.s32 $0xFFFF5D80  }
0x1ac: {  	v62 =	vld [tilespmem:s15+$0xFFFFFE00]  }
0x1ad: {  	v63 =	vld [tilespmem:s15+$0xFFFFFE10];
	_ =	sdelay $0x3  }
0x1ae: {  	v34 =	vadd.s32 v0, v62  }
0x1af: {  	v35 =	vadd.s32 v3, v63;
	_ =	sdelay $0x3  }
0x1b0: {  	[tilespmem:v34+s10+$0x0] =	vst.idx.msk $0xffff, v1  }
0x1b1: {  	[tilespmem:v35+s10+$0x0] =	vst.idx.msk $0x3ff, v1  }
0x1b2: {  	v34 =	vld [tilespmem:s15+$0xFFFFFE20]  }
0x1b3: {  	v35 =	vld [tilespmem:s15+$0xFFFFFE30];
	_ =	sdelay $0x3  }
0x1b4: {  	v34 =	vadd.s32 v4, v34  }
0x1b5: {  	v35 =	vadd.s32 v5, v35;
	_ =	sdelay $0x3  }
0x1b6: {  	[tilespmem:v34+s10+$0x0] =	vst.idx.msk $0xffff, v1  }
0x1b7: {  	[tilespmem:v35+s10+$0x0] =	vst.idx.msk $0x3ff, v1  }
0x1b8: {  	v34 =	vld [tilespmem:s15+$0xFFFFFE40]  }
0x1b9: {  	v35 =	vld [tilespmem:s15+$0xFFFFFE50];
	_ =	sdelay $0x3  }
0x1ba: {  	v34 =	vadd.s32 v6, v34  }
0x1bb: {  	v35 =	vadd.s32 v7, v35;
	_ =	sdelay $0x3  }
0x1bc: {  	[tilespmem:v34+s10+$0x0] =	vst.idx.msk $0xffff, v1  }
0x1bd: {  	[tilespmem:v35+s10+$0x0] =	vst.idx.msk $0x3ff, v1  }
0x1be: {  	v34 =	vld [tilespmem:s15+$0xFFFFFE60]  }
0x1bf: {  	v35 =	vld [tilespmem:s15+$0xFFFFFE70];
	_ =	sdelay $0x3  }
0x1c0: {  	v34 =	vadd.s32 v8, v34  }
0x1c1: {  	v35 =	vadd.s32 v9, v35;
	_ =	sdelay $0x3  }
0x1c2: {  	[tilespmem:v34+s10+$0x0] =	vst.idx.msk $0xffff, v1  }
0x1c3: {  	[tilespmem:v35+s10+$0x0] =	vst.idx.msk $0x3ff, v1  }
0x1c4: {  	v34 =	vld [tilespmem:s15+$0xFFFFFE80]  }
0x1c5: {  	v35 =	vld [tilespmem:s15+$0xFFFFFE90];
	_ =	sdelay $0x3  }
0x1c6: {  	v34 =	vadd.s32 v10, v34  }
0x1c7: {  	v35 =	vadd.s32 v11, v35;
	_ =	sdelay $0x3  }
0x1c8: {  	[tilespmem:v34+s10+$0x0] =	vst.idx.msk $0xffff, v1  }
0x1c9: {  	[tilespmem:v35+s10+$0x0] =	vst.idx.msk $0x3ff, v1  }
0x1ca: {  	v34 =	vld [tilespmem:s15+$0xFFFFFEA0]  }
0x1cb: {  	v35 =	vld [tilespmem:s15+$0xFFFFFEB0];
	_ =	sdelay $0x3  }
0x1cc: {  	v34 =	vadd.s32 v12, v34  }
0x1cd: {  	v35 =	vadd.s32 v13, v35;
	_ =	sdelay $0x3  }
0x1ce: {  	[tilespmem:v34+s10+$0x0] =	vst.idx.msk $0xffff, v1  }
0x1cf: {  	[tilespmem:v35+s10+$0x0] =	vst.idx.msk $0x3ff, v1  }
0x1d0: {  	v34 =	vld [tilespmem:s15+$0xFFFFFEC0]  }
0x1d1: {  	v35 =	vld [tilespmem:s15+$0xFFFFFED0];
	_ =	sdelay $0x3  }
0x1d2: {  	v34 =	vadd.s32 v14, v34  }
0x1d3: {  	v35 =	vadd.s32 v15, v35;
	_ =	sdelay $0x3  }
0x1d4: {  	[tilespmem:v34+s10+$0x0] =	vst.idx.msk $0xffff, v1  }
0x1d5: {  	[tilespmem:v35+s10+$0x0] =	vst.idx.msk $0x3ff, v1  }
0x1d6: {  	v34 =	vld [tilespmem:s15+$0xFFFFFEE0]  }
0x1d7: {  	v35 =	vld [tilespmem:s15+$0xFFFFFEF0];
	_ =	sdelay $0x3  }
0x1d8: {  	v34 =	vadd.s32 v16, v34  }
0x1d9: {  	v35 =	vadd.s32 v17, v35;
	_ =	sdelay $0x3  }
0x1da: {  	[tilespmem:v34+s10+$0x0] =	vst.idx.msk $0xffff, v1  }
0x1db: {  	[tilespmem:v35+s10+$0x0] =	vst.idx.msk $0x3ff, v1  }
0x1dc: {  	v34 =	vld [tilespmem:s15+$0xFFFFFF00]  }
0x1dd: {  	v35 =	vld [tilespmem:s15+$0xFFFFFF10];
	_ =	sdelay $0x3  }
0x1de: {  	v34 =	vadd.s32 v18, v34  }
0x1df: {  	v35 =	vadd.s32 v19, v35;
	_ =	sdelay $0x3  }
0x1e0: {  	[tilespmem:v34+s10+$0x0] =	vst.idx.msk $0xffff, v1  }
0x1e1: {  	[tilespmem:v35+s10+$0x0] =	vst.idx.msk $0x3ff, v1  }
0x1e2: {  	v34 =	vld [tilespmem:s15+$0xFFFFFF20]  }
0x1e3: {  	v35 =	vld [tilespmem:s15+$0xFFFFFF30];
	_ =	sdelay $0x3  }
0x1e4: {  	v34 =	vadd.s32 v20, v34  }
0x1e5: {  	v35 =	vadd.s32 v21, v35;
	_ =	sdelay $0x3  }
0x1e6: {  	[tilespmem:v34+s10+$0x0] =	vst.idx.msk $0xffff, v1  }
0x1e7: {  	[tilespmem:v35+s10+$0x0] =	vst.idx.msk $0x3ff, v1  }
0x1e8: {  	v34 =	vld [tilespmem:s15+$0xFFFFFF40]  }
0x1e9: {  	v35 =	vld [tilespmem:s15+$0xFFFFFF50];
	_ =	sdelay $0x3  }
0x1ea: {  	v34 =	vadd.s32 v22, v34  }
0x1eb: {  	v35 =	vadd.s32 v23, v35;
	_ =	sdelay $0x3  }
0x1ec: {  	[tilespmem:v34+s10+$0x0] =	vst.idx.msk $0xffff, v1  }
0x1ed: {  	[tilespmem:v35+s10+$0x0] =	vst.idx.msk $0x3ff, v1  }
0x1ee: {  	v34 =	vld [tilespmem:s15+$0xFFFFFF60]  }
0x1ef: {  	v35 =	vld [tilespmem:s15+$0xFFFFFF70];
	_ =	sdelay $0x3  }
0x1f0: {  	v34 =	vadd.s32 v24, v34  }
0x1f1: {  	v35 =	vadd.s32 v25, v35;
	_ =	sdelay $0x3  }
0x1f2: {  	[tilespmem:v34+s10+$0x0] =	vst.idx.msk $0xffff, v1  }
0x1f3: {  	[tilespmem:v35+s10+$0x0] =	vst.idx.msk $0x3ff, v1  }
0x1f4: {  	v34 =	vld [tilespmem:s15+$0xFFFFFF80]  }
0x1f5: {  	v35 =	vld [tilespmem:s15+$0xFFFFFF90];
	_ =	sdelay $0x3  }
0x1f6: {  	v34 =	vadd.s32 v26, v34  }
0x1f7: {  	v35 =	vadd.s32 v27, v35;
	_ =	sdelay $0x3  }
0x1f8: {  	[tilespmem:v34+s10+$0x0] =	vst.idx.msk $0xffff, v1  }
0x1f9: {  	[tilespmem:v35+s10+$0x0] =	vst.idx.msk $0x3ff, v1  }
0x1fa: {  	v34 =	vld [tilespmem:s15+$0xFFFFFFA0]  }
0x1fb: {  	v35 =	vld [tilespmem:s15+$0xFFFFFFB0];
	_ =	sdelay $0x3  }
0x1fc: {  	v34 =	vadd.s32 v28, v34  }
0x1fd: {  	v35 =	vadd.s32 v29, v35;
	_ =	sdelay $0x3  }
0x1fe: {  	[tilespmem:v34+s10+$0x0] =	vst.idx.msk $0xffff, v1  }
0x1ff: {  	[tilespmem:v35+s10+$0x0] =	vst.idx.msk $0x3ff, v1  }
0x200: {  	v34 =	vld [tilespmem:s15+$0xFFFFFFC0]  }
0x201: {  	v35 =	vld [tilespmem:s15+$0xFFFFFFD0];
	_ =	sdelay $0x3  }
0x202: {  	v34 =	vadd.s32 v30, v34  }
0x203: {  	v35 =	vadd.s32 v31, v35;
	_ =	sdelay $0x3  }
0x204: {  	[tilespmem:v34+s10+$0x0] =	vst.idx.msk $0xffff, v1  }
0x205: {  	[tilespmem:v35+s10+$0x0] =	vst.idx.msk $0x3ff, v1  }
0x206: {  	v34 =	vld [tilespmem:s15+$0xFFFFFFE0]  }
0x207: {  	v35 =	vld [tilespmem:s15+$0xFFFFFFF0];
	_ =	sdelay $0x3  }
0x208: {  	v34 =	vadd.s32 v32, v34  }
0x209: {  	v35 =	vadd.s32 v33, v35;
	_ =	sdelay $0x3  }
0x20a: {  	[tilespmem:v34+s10+$0x0] =	vst.idx.msk $0xffff, v1  }
0x20b: {  	[tilespmem:v35+s10+$0x0] =	vst.idx.msk $0x3ff, v1  }
0x20c: {  	v34 =	vld [tilespmem:s15+$0x200]  }
0x20d: {  	v35 =	vld [tilespmem:s15+$0x210];
	_ =	sdelay $0x3  }
0x20e: {  	v34 =	vadd.s32 v0, v34  }
0x20f: {  	v35 =	vadd.s32 v3, v35;
	_ =	sdelay $0x3  }
0x210: {  	[tilespmem:v34+s10+$0x0] =	vst.idx.msk $0xffff, v2  }
0x211: {  	[tilespmem:v35+s10+$0x0] =	vst.idx.msk $0x3ff, v2  }
0x212: {  	v34 =	vld [tilespmem:s15+$0x220]  }
0x213: {  	v35 =	vld [tilespmem:s15+$0x230];
	_ =	sdelay $0x3  }
0x214: {  	v34 =	vadd.s32 v4, v34  }
0x215: {  	v35 =	vadd.s32 v5, v35;
	_ =	sdelay $0x3  }
0x216: {  	[tilespmem:v34+s10+$0x0] =	vst.idx.msk $0xffff, v2  }
0x217: {  	[tilespmem:v35+s10+$0x0] =	vst.idx.msk $0x3ff, v2  }
0x218: {  	v34 =	vld [tilespmem:s15+$0x240]  }
0x219: {  	v35 =	vld [tilespmem:s15+$0x250];
	_ =	sdelay $0x3  }
0x21a: {  	v34 =	vadd.s32 v6, v34  }
0x21b: {  	v35 =	vadd.s32 v7, v35;
	_ =	sdelay $0x3  }
0x21c: {  	[tilespmem:v34+s10+$0x0] =	vst.idx.msk $0xffff, v2  }
0x21d: {  	[tilespmem:v35+s10+$0x0] =	vst.idx.msk $0x3ff, v2  }
0x21e: {  	v34 =	vld [tilespmem:s15+$0x260]  }
0x21f: {  	v35 =	vld [tilespmem:s15+$0x270];
	_ =	sdelay $0x3  }
0x220: {  	v34 =	vadd.s32 v8, v34  }
0x221: {  	v35 =	vadd.s32 v9, v35;
	_ =	sdelay $0x3  }
0x222: {  	[tilespmem:v34+s10+$0x0] =	vst.idx.msk $0xffff, v2  }
0x223: {  	[tilespmem:v35+s10+$0x0] =	vst.idx.msk $0x3ff, v2  }
0x224: {  	v34 =	vld [tilespmem:s15+$0x280]  }
0x225: {  	v35 =	vld [tilespmem:s15+$0x290];
	_ =	sdelay $0x3  }
0x226: {  	v34 =	vadd.s32 v10, v34  }
0x227: {  	v35 =	vadd.s32 v11, v35;
	_ =	sdelay $0x3  }
0x228: {  	[tilespmem:v34+s10+$0x0] =	vst.idx.msk $0xffff, v2  }
0x229: {  	[tilespmem:v35+s10+$0x0] =	vst.idx.msk $0x3ff, v2  }
0x22a: {  	v34 =	vld [tilespmem:s15+$0x2A0]  }
0x22b: {  	v35 =	vld [tilespmem:s15+$0x2B0];
	_ =	sdelay $0x3  }
0x22c: {  	v34 =	vadd.s32 v12, v34  }
0x22d: {  	v35 =	vadd.s32 v13, v35;
	_ =	sdelay $0x3  }
0x22e: {  	[tilespmem:v34+s10+$0x0] =	vst.idx.msk $0xffff, v2  }
0x22f: {  	[tilespmem:v35+s10+$0x0] =	vst.idx.msk $0x3ff, v2  }
0x230: {  	v34 =	vld [tilespmem:s15+$0x2C0]  }
0x231: {  	v35 =	vld [tilespmem:s15+$0x2D0];
	_ =	sdelay $0x3  }
0x232: {  	v34 =	vadd.s32 v14, v34  }
0x233: {  	v35 =	vadd.s32 v15, v35;
	_ =	sdelay $0x3  }
0x234: {  	[tilespmem:v34+s10+$0x0] =	vst.idx.msk $0xffff, v2  }
0x235: {  	[tilespmem:v35+s10+$0x0] =	vst.idx.msk $0x3ff, v2  }
0x236: {  	v34 =	vld [tilespmem:s15+$0x2E0]  }
0x237: {  	v35 =	vld [tilespmem:s15+$0x2F0];
	_ =	sdelay $0x3  }
0x238: {  	v34 =	vadd.s32 v16, v34  }
0x239: {  	v35 =	vadd.s32 v17, v35;
	_ =	sdelay $0x3  }
0x23a: {  	[tilespmem:v34+s10+$0x0] =	vst.idx.msk $0xffff, v2  }
0x23b: {  	[tilespmem:v35+s10+$0x0] =	vst.idx.msk $0x3ff, v2  }
0x23c: {  	v34 =	vld [tilespmem:s15+$0x300]  }
0x23d: {  	v35 =	vld [tilespmem:s15+$0x310];
	_ =	sdelay $0x3  }
0x23e: {  	v34 =	vadd.s32 v18, v34  }
0x23f: {  	v35 =	vadd.s32 v19, v35;
	_ =	sdelay $0x3  }
0x240: {  	[tilespmem:v34+s10+$0x0] =	vst.idx.msk $0xffff, v2  }
0x241: {  	[tilespmem:v35+s10+$0x0] =	vst.idx.msk $0x3ff, v2  }
0x242: {  	v34 =	vld [tilespmem:s15+$0x320]  }
0x243: {  	v35 =	vld [tilespmem:s15+$0x330];
	_ =	sdelay $0x3  }
0x244: {  	v34 =	vadd.s32 v20, v34  }
0x245: {  	v35 =	vadd.s32 v21, v35;
	_ =	sdelay $0x3  }
0x246: {  	[tilespmem:v34+s10+$0x0] =	vst.idx.msk $0xffff, v2  }
0x247: {  	[tilespmem:v35+s10+$0x0] =	vst.idx.msk $0x3ff, v2  }
0x248: {  	v34 =	vld [tilespmem:s15+$0x340]  }
0x249: {  	v35 =	vld [tilespmem:s15+$0x350];
	_ =	sdelay $0x3  }
0x24a: {  	v34 =	vadd.s32 v22, v34  }
0x24b: {  	v35 =	vadd.s32 v23, v35;
	_ =	sdelay $0x3  }
0x24c: {  	[tilespmem:v34+s10+$0x0] =	vst.idx.msk $0xffff, v2  }
0x24d: {  	[tilespmem:v35+s10+$0x0] =	vst.idx.msk $0x3ff, v2  }
0x24e: {  	v34 =	vld [tilespmem:s15+$0x360]  }
0x24f: {  	v35 =	vld [tilespmem:s15+$0x370];
	_ =	sdelay $0x3  }
0x250: {  	v34 =	vadd.s32 v24, v34  }
0x251: {  	v35 =	vadd.s32 v25, v35;
	_ =	sdelay $0x3  }
0x252: {  	[tilespmem:v34+s10+$0x0] =	vst.idx.msk $0xffff, v2  }
0x253: {  	[tilespmem:v35+s10+$0x0] =	vst.idx.msk $0x3ff, v2  }
0x254: {  	v34 =	vld [tilespmem:s15+$0x380]  }
0x255: {  	v35 =	vld [tilespmem:s15+$0x390];
	_ =	sdelay $0x3  }
0x256: {  	v34 =	vadd.s32 v26, v34  }
0x257: {  	v35 =	vadd.s32 v27, v35;
	_ =	sdelay $0x3  }
0x258: {  	[tilespmem:v34+s10+$0x0] =	vst.idx.msk $0xffff, v2  }
0x259: {  	[tilespmem:v35+s10+$0x0] =	vst.idx.msk $0x3ff, v2  }
0x25a: {  	v34 =	vld [tilespmem:s15+$0x3A0]  }
0x25b: {  	v35 =	vld [tilespmem:s15+$0x3B0];
	_ =	sdelay $0x3  }
0x25c: {  	v34 =	vadd.s32 v28, v34  }
0x25d: {  	v35 =	vadd.s32 v29, v35;
	_ =	sdelay $0x3  }
0x25e: {  	[tilespmem:v34+s10+$0x0] =	vst.idx.msk $0xffff, v2  }
0x25f: {  	[tilespmem:v35+s10+$0x0] =	vst.idx.msk $0x3ff, v2  }
0x260: {  	v34 =	vld [tilespmem:s15+$0x3C0]  }
0x261: {  	v35 =	vld [tilespmem:s15+$0x3D0];
	_ =	sdelay $0x3  }
0x262: {  	v34 =	vadd.s32 v30, v34  }
0x263: {  	v35 =	vadd.s32 v31, v35;
	_ =	sdelay $0x3  }
0x264: {  	[tilespmem:v34+s10+$0x0] =	vst.idx.msk $0xffff, v2  }
0x265: {  	[tilespmem:v35+s10+$0x0] =	vst.idx.msk $0x3ff, v2  }
0x266: {  	v34 =	vld [tilespmem:s15+$0x3E0]  }
0x267: {  	v35 =	vld [tilespmem:s15+$0x3F0];
	_ =	sdelay $0x3  }
0x268: {  	v34 =	vadd.s32 v32, v34  }
0x269: {  	v35 =	vadd.s32 v33, v35  }
0x26a: {  	p0 =	sne.s32 s14, $0xFFFFD760  }
.Ltmp1:
0x26b: {  	_ = 	snop;
	(pc) =	sbr.rel @p0 .LBB2_4-.Ltmp1, $4  }
0x26c: {  	_ = 	snop  }
0x26d: {  	[tilespmem:v34+s10+$0x0] =	vst.idx.msk $0xffff, v2  }
0x26e: {  	s14 =	sadd.s32 $0x28A0, s14;
	s16 =	sadd.s32 $0x29E50, s16;
	s15 =	sadd.s32 $0x400, s15;
	[tilespmem:v35+s10+$0x0] =	vst.idx.msk $0x3ff, v2  }
0x26f: {  	[hbm4b:s16+s2] =	stream.linear.scatter [tilespmem:s10], [sflag:$0x2], $0xA280, $0x38;
	[tilespmem:$0x18900] =	vst v63  }
0x270: {  	s13 =	sadd.s32 $0x1, s13  }
0x271: {  	_ =	swait.ge [sflag:s11], $0xA280;
	p0 =	sne.s32 s13, s6  }
.Ltmp2:
0x272: {  	[sflag:s11] =	ssyncset.done $0x0;
	(pc) =	sbr.rel @p0 .LBB2_1-.Ltmp2, $4  }
0x273: {  	[sflag:s11] =	ssyncadd.s32 $0xFFFF5D80  }
0x274: {  	_ =	swait.ge [sflag:s12], $0xA280  }
0x275: {  	[sflag:s12] =	ssyncset.done $0x0  }
0x276: {  	[sflag:s12] =	ssyncadd.s32 $0xFFFF5D80  }
0x277: {  	_ =	sfence.sel $0x180000  }
0x278: {  	[bflag:$0x0] =	sbarrier.arrive $0xFFFF  }
0x279: {  	p0 =	sne.s32 s1, $0x0;
	_ =	strace $0x90000047  }
0x27a: {  	s0 =	sadd.s32 @!p0 $0x100000, s0;
	[bflag:$0x2] =	sbarrier.arrive $0xFFFF  }
0x27b: {  	[sflag:s0] =	ssyncadd.tile.s32 @!p0 $0x1;
	_ =	shalt  }
.Lfunc_end2:
_tile_overlayer_lowered:
.L_overlay_start_2:
0x27c: {  	(tag) =	ssettag $0x2  }
0x27d: {  	s0 =	rddreg [dreg:$0x0];
	s2 =	stileid.u32  }
0x27e: {  	s1 =	rddreg [dreg:$0x1];
	p0 =	sne.s32 s2, $0x0  }
0x27f: {  	s3 =	rddreg [dreg:$0x2];
	[bflag:$0x3] =	sbarrier.arrive $0xFFFF;
	s2 =	simm.s32 @!p0 $0x1C03  }
0x280: {  	[timem:s3], [sflag:s2] =	dma.local @!p0 [hbm:s0], s1  }
0x281: {  	s0 =	simm.s32 @!p0 $0x3  }
0x282: {  	_ =	swait.ge @!p0 [sflag:s0], s1  }
0x283: {  	s1 =	ssub.s32 @!p0 $0x0, s1;
	[sflag:s0] =	ssyncset.done @!p0 $0x0  }
0x284: {  	[sflag:s0] =	ssyncadd.s32 @!p0 s1  }
0x285: {  	[bflag:$0x3] =	sbarrier.arrive $0xFFFF  }
0x286: {  	_ =	shalt  }

// kernel: sparse-core-data-format-call.cloned.1.call-start
scs
called_computation_lowered:
.L_overlay_start_0:
0x0: {  	s2 =	sld [smem:$0x3FD9]  }
0x1: {  	s3 =	sld [smem:$0x3FFE];
	_ =	sdelay $0x1  }
0x2: {  	s1 =	srdreg.scid  }
0x3: {  	s0 =	sand.u32 $0x1, s1  }
0x4: {  	s18 =	sshll.u32 s0, $0xA;
	s2 =	sadd.s32 s3, s2  }
0x5: {  	s2 =	sadd.s32 s2, s18  }
0x6: {  	[smem:$0x3FC7] =	sst s2  }
0x7: {  	_ = 	snop  }
0x8: {  	s2 =	sld [smem:$0x3FD0];
	(tm) =	ssettm $0x1  }
0x9: {  	s19 =	sld [smem:$0x3FFB];
	_ =	sdelay $0x3  }
0xa: {  	_ =	strace s19  }
0xb: {  	s3 =	sld [smem:$0x3FFC];
	_ =	sdelay $0x3  }
0xc: {  	_ =	strace s3  }
0xd: {  	s3 =	sld [smem:$0x3FFD];
	_ =	sdelay $0x3  }
0xe: {  	_ =	strace s3  }
0xf: {  	_ =	strace $0x8FFFFFFF  }
0x10: {  	s20 =	sld [smem:$0x3FDB];
	_ =	sdelay $0x1  }
0x11: {  	s4 =	simm.s32 $_scs_section_size  }
0x12: {  	s5 =	simm.s32 $_size__tile_overlayer_lowered;
	s6 =	simm.s32 $_tile_overlayer_lowered  }
0x13: {  	s23 =	simm.s32 $0x1BFF;
	s22 =	sshll.u32 s6, $0x1;
	s3 =	sadd.s32 s4, s20  }
0x14: {  	s7 =	simm.s32 $0x0;
	s21 =	sshll.u32 s5, $0x1;
	s5 =	sadd.s32 s22, s3  }
0x15: {  	[timem:s7], [sflag:s23] =	dma.local [hbm:s5], s21  }
0x16: {  	_ =	swait.ge [sflag:s23], s21  }
0x17: {  	s4 =	ssub.s32 $0x0, s21;
	[sflag:s23] =	ssyncset.done $0x0  }
0x18: {  	[sflag:s23] =	ssyncadd.s32 s4;
	_ =	sdelay $0x1  }
0x19: {  	s24 =	simm.s32 $0x1B8B  }
0x1a: {  	_ =	swait.ge [sflag:s24], $0x1  }
0x1b: {  	[sflag:s24] =	ssyncset.done $0x0  }
0x1c: {  	s26 =	simm.s32 $0x1B8E;
	s25 =	sld [smem:$0x3FFE];
	[sflag:s24] =	ssyncadd.s32 $0xFFFFFFFF  }
0x1d: {  	s27 =	simm.s32 $execute0_lowered;
	[smem:$0x3FD2] =	sst s26  }
0x1e: {  	s5 =	sshll.u32 s27, $0x1;
	_ =	strace $0x80000049;
	[dreg:$0x1] =	wrdreg $0xFFFFFFFF  }
0x1f: {  	s28 =	simm.s32 $_size_execute0_lowered;
	s3 =	sadd.s32 s3, s5;
	[dreg:$0x0] =	wrdreg $0x0  }
0x20: {  	s5 =	sshll.u32 s28, $0x1;
	[dreg:$0x2] =	wrdreg s3  }
0x21: {  	[dreg:$0x3] =	wrdreg s5  }
0x22: {  	[dreg:$0x4] =	wrdreg $0xC0  }
0x23: {  	_ =	task [dreg:s7], $0x5FFFF  }
0x24: {  	[dreg:$0x1] =	wrdreg $0xFFFFFFFF  }
0x25: {  	[dreg:$0x0] =	wrdreg $0x60  }
0x26: {  	[dreg:$0x2] =	wrdreg s25  }
0x27: {  	[dreg:$0x3] =	wrdreg s2  }
0x28: {  	[dreg:$0x4] =	wrdreg $0x9  }
0x29: {  	_ =	task.clear_ibuf [dreg:s7], $0x5FFFF;
	_ =	strace $0x90000049  }
0x2a: {  	s29 =	simm.s32 $0x9;
	_ =	strace $0x8000004B  }
0x2b: {  	_ =	swait.ge [sflag:s29], $0x1  }
0x2c: {  	[sflag:s29] =	ssyncadd.s32 $0xFFFFFFFF  }
0x2d: {  	_ =	strace $0x9000004B  }
0x2e: {  	_ =	sfence  }
0x2f: {  	s30 =	sld [smem:$0x0];
	_ =	sdelay $0x2  }
0x30: {  	s31 =	sshll.u32 s1, $0xD;
	s1 =	sshrl.u32 s1, $0x2  }
0x31: {  	s3 =	sand.u32 $0x4000, s31;
	s1 =	sadd.s32 s1, s30  }
0x32: {  	s0 =	sor.u32 s3, s0;
	s1 =	sshll.u32 s1, $0x11  }
0x33: {  	s0 =	sor.u32 s1, s0  }
0x34: {  	s0 =	sadd.s32 $0x8F2B, s0  }
0x35: {  	[sflag:s0] =	ssyncadd.remote.s32 $0x1  }
0x36: {  	_ =	sfence.sel $0xFFFF  }
0x37: {  	[dreg:$0x0] =	wrdreg $0xFFFFFFFF;
	(pc) =	sbr.abs _section_cstart, $3  }
0x38: {  	[dreg:$0x1] =	wrdreg $0xFFFFFFFF  }
0x39: {  	_ =	task.clear_ibuf [dreg:s7], $0x2FFFF;
	_ =	strace $0x9FFFFFFF  }
0x3a: {  	(tm) =	ssettm $0x7FFFFFFF  }
0x3b: {  	_ =	shalt  }
tec
execute0_lowered:
.L_overlay_start_1:
0x0: {  	(tag) =	ssettag $0x1  }
0x1: {  	s0 =	srdreg.scid  }
0x2: {  	s1 =	sshll.u32 s0, $0x4  }
0x3: {  	s6 =	rddreg [dreg:$0x0];
	s0 =	stileid.u32;
	s1 =	sand.u32 $0x10, s1  }
0x4: {  	s3 =	rddreg [dreg:$0x1];
	s1 =	sor.u32 s0, s1  }
0x5: {  	s5 =	simm.s32 $0x1;
	s31 =	simm.s32 $0x2;
	s2 =	sshll.u32 s1, $0x7  }
0x6: {  	s15 =	simm.s32 $0x0;
	s8 =	simm.s32 $0x20000;
	s4 =	ssub.s32 $0x4000, s2  }
0x7: {  	s14 =	simm.s32 $0x0;
	s9 =	simm.s32 $0x0;
	s30 =	sand.u32 $0xF80, s4  }
0x8: {  	s10 =	simm.s32 $0x0;
	s11 =	simm.s32 $0x0;
	p0 =	sne.s32 s30, $0x0  }
.Ltmp0:
0x9: {  	s7 =	sshrl.u32 s4, $0xC;
	s5 =	simm.s32 @!p0 $0x0;
	(pc) =	sbr.rel .LBB1_1-.Ltmp0, $4  }
0xa: {  	s13 =	simm.s32 $0x0;
	s1 =	rddreg [dreg:$0x2];
	s5 =	sadd.s32 s5, s7  }
0xb: {  	_ =	strace $0x8000004A;
	s4 =	simm.s32 $0x1;
	s5 =	smul.u32 $0x15, s5  }
0xc: {  	s6 =	sadd.s32 $0x800, s6;
	s12 =	smov.u32 s2;
	[sflag:s4] =	ssyncpa.u1 $0x0  }
0xd: {  	[sflag:s31] =	ssyncpa.u1 $0x0;
	p0 =	por $0x0, $0x0;
	s7 =	sadd.s32 $0x1, s5  }
.LBB1_4:
0xe: {  	s20 =	sshra.s32 s20, $0x2  }
0xf: {  	s28 =	sand.u32 $0x78, s10;
	s21 =	sshll.u32 s9, $0xE;
	s22 =	sshll.u32 s10, $0x3  }
0x10: {  	s24 =	sshll.u32 s9, $0x7;
	p1 =	sgt.s32 s9, $0x9A8;
	s30 =	sshra.s32 s9, $0x1F  }
0x11: {  	s26 =	sshra.s32 s10, $0x1F;
	s19 =	sadd.s32 s20, s19;
	s21 =	sand.u32 $0xFFFE0000, s21  }
0x12: {  	v5 =	vld [tilespmem:s17+$0xFFFFFFD0];
	[tilespmem:s18+$0x2040 ss:$0x81] =	vst.msk $0xffff, v4;
	s23 =	sand.u32 $0xFFFFFC00, s22;
	s29 =	sand.u32 $0x380, s24;
	s22 =	sand.u32 $0x3C00, s22  }
0x13: {  	v58 =	vld [tilespmem:s17+$0xFFFFFFE0];
	[tilespmem:s18+$0x2850 ss:$0x81] =	vst.msk $0xffff, v3;
	s21 =	sadd.s32 s23, s21;
	s20 =	sor.u32 s28, s22;
	s22 =	smov.u32 s9  }
0x14: {  	v59 =	vld [tilespmem:s17+$0xFFFFFFF0];
	[tilespmem:s18+$0x3060 ss:$0x81] =	vst.msk $0xffff, v2;
	s24 =	sand.u32 s30, s9;
	s21 =	sshrl.u32 s21, $0xE;
	s22 =	simm.s32 @!p1 $0x9A8  }
0x15: {  	v60 =	vld [tilespmem:s17+$0x0];
	[tilespmem:s18+$0x0 ss:$0x81] =	vst.msk $0xffff, v1;
	p1 =	sgt.s32 s10, $0x3F80;
	s31 =	ssub.s32 s22, s24;
	s22 =	smov.u32 s10  }
0x16: {  	v61 =	vld [tilespmem:s17+$0x10];
	[tilespmem:s19+$0x3870 ss:$0x81] =	vst.msk $0xffff, v0;
	s25 =	smulhi.u32 $0x1934C7, s21;
	s24 =	sand.u32 s26, s10;
	s22 =	simm.s32 @!p1 $0x3F80  }
0x17: {  	v62 =	vld [tilespmem:s17+$0x20];
	s20 =	sor.u32 s29, s20;
	[tilespmem:s19+$0x810 ss:$0x81] =	vst.msk $0xffff, v5;
	s27 =	sadd.s32 $0xFFFFF658, s31;
	s22 =	ssub.s32 s22, s24  }
0x18: {  	v63 =	vld [tilespmem:s17+$0xFFFFFFC0];
	[tilespmem:s19+$0x1020 ss:$0x81] =	vst.msk $0xffff, v58;
	s18 =	ssub.s32 $0xA28, s31;
	s28 =	smul.u32 $0xA28, s25;
	s29 =	sadd.s32 $0xFFFFC080, s22  }
0x19: {  	[tilespmem:s19+$0x1830 ss:$0x81] =	vst.msk $0xffff, v59;
	p1 =	sgt.s32 s27, $0x7F;
	s22 =	ssub.s32 $0x4000, s22;
	p2 =	sgt.s32 s29, $0x7F  }
0x1a: {  	s30 =	sand.u32 $0x7, s10;
	[tilespmem:s19+$0x2040 ss:$0x81] =	vst.msk $0xffff, v60;
	s18 =	simm.s32 @p1 $0x0;
	s22 =	simm.s32 @p2 $0x0  }
0x1b: {  	s20 =	sshrl.u32 s20, $0x3;
	[tilespmem:s19+$0x2850 ss:$0x81] =	vst.msk $0xffff, v61;
	s17 =	ssub.s32 s21, s28;
	s18 =	smul.u32 s22, s18  }
0x1c: {  	[tilespmem:s19+$0x3060 ss:$0x81] =	vst.msk $0xffff, v62;
	s20 =	sadd.s32 s3, s20;
	s21 =	sshll.u32 s30, $0x12;
	s17 =	sshll.u32 s17, $0xB  }
0x1d: {  	[tilespmem:s19+$0x0 ss:$0x81] =	vst.msk $0xffff, v63;
	s31 =	sor.u32 $0x400, s21;
	s17 =	sadd.s32 s17, s20;
	s18 =	sand.u32 $0x3FFFFFFF, s18  }
0x1e: {  	[hbm4b:s17+s31] =	stream.strided.scatter [tilespmem:s16], [sflag:$0x2], s18, s8, s31, $0x20;
	[tilespmem:$0x10100] =	vst v63  }
.LBB1_5:
0x1f: {  	p1 =	slt.u32 s13, $0x2  }
0x20: {  	s17 =	smov.u32 s15;
	p2 =	sgt.s32 @!p1 s15, $0x9A8;
	s16 =	sshra.s32 @!p1 s15, $0x1F  }
0x21: {  	p3 =	sgt.s32 @!p1 s14, $0x3F80;
	s18 =	sshra.s32 @!p1 s14, $0x1F;
	p2 =	por !p2, p1  }
0x22: {  	s15 =	sand.u32 @!p1 s16, s15;
	p3 =	por !p3, p1;
	s16 =	smov.u32 s14  }
0x23: {  	s14 =	sand.u32 @!p1 s18, s14;
	s17 =	simm.s32 @p2 $0x9A8;
	s16 =	simm.s32 @p3 $0x3F80  }
0x24: {  	s15 =	ssub.s32 @!p1 s17, s15;
	s14 =	ssub.s32 @!p1 s16, s14  }
0x25: {  	s18 =	smov.u32 s12;
	s16 =	sadd.s32 @!p1 $0xFFFFF658, s15;
	s17 =	sadd.s32 @!p1 $0xFFFFC080, s14  }
0x26: {  	s15 =	ssub.s32 @!p1 $0xA28, s15;
	p2 =	sgt.s32 @!p1 s16, $0x7F;
	p3 =	sgt.s32 @!p1 s17, $0x7F  }
0x27: {  	s14 =	ssub.s32 @!p1 $0x4000, s14;
	p2 =	por !p2, p1;
	p3 =	por !p3, p1  }
0x28: {  	s16 =	sadd.s32 $0x80, s11;
	s15 =	simm.s32 @!p2 $0x0;
	s14 =	simm.s32 @!p3 $0x0  }
0x29: {  	p2 =	sgt.s32 s16, $0xA27;
	s14 =	smul.u32 @!p1 s14, s15;
	s15 =	sadd.s32 $0x1000, s12  }
0x2a: {  	s18 =	smov.u32 @p2 s15  }
0x2b: {  	s16 =	simm.s32 @p2 $0x0;
	p2 =	sgt.s32 s18, $0x3FFF  }
0x2c: {  	s18 =	smov.u32 @p2 s2;
	p2 =	sne.s32 s13, s7  }
.Ltmp1:
0x2d: {  	p0 =	por !p0, !p0;
	s17 =	simm.s32 @!p1 $0x2;
	(pc) =	sbr.rel @!p2 .LBB1_6-.Ltmp1, $4  }
0x2e: {  	s15 =	smov.u32 s9;
	s9 =	smov.u32 s11;
	s14 =	sand.u32 @!p1 $0x3FFFFFFF, s14  }
0x2f: {  	s11 =	smov.u32 s16;
	_ =	swait.ge @!p1 [sflag:s17], s14;
	s19 =	ssub.s32 @!p1 $0x0, s14  }
0x30: {  	s14 =	smov.u32 s10;
	s13 =	sadd.s32 $0x1, s13;
	[sflag:s17] =	ssyncset.done @!p1 $0x0  }
0x31: {  	s10 =	smov.u32 s12;
	s12 =	smov.u32 s18;
	[sflag:s17] =	ssyncadd.s32 @!p1 s19  }
.LBB1_1:
0x32: {  	p1 =	sge.u32 s13, s5  }
0x33: {  	s16 =	sshrl.u32 @!p1 s12, $0x3  }
0x34: {  	s17 =	sshll.u32 @!p1 s11, $0x3;
	s16 =	smul.u32 @!p1 $0x5400, s16  }
0x35: {  	s18 =	sshll.u32 @!p1 s12, $0x7;
	s17 =	sand.u32 @!p1 $0xFFFFFC00, s17  }
0x36: {  	s16 =	sadd.s32 @!p1 s16, s17;
	s17 =	sand.u32 @!p1 $0x380, s18  }
0x37: {  	s16 =	sor.u32 @!p1 s17, s16  }
0x38: {  	s17 =	sshrl.u32 @!p1 s16, $0x7  }
0x39: {  	s17 =	smulhi.u32 @!p1 $0xC30C30D, s17;
	_ =	sdelay $0x1  }
0x3a: {  	s18 =	sand.u32 @!p1 $0x7F, s11;
	s19 =	smul.u32 @!p1 $0xA80, s17  }
0x3b: {  	s31 =	sadd.s32 $0xFFFFFFFF, s13;
	s16 =	sor.u32 @!p1 s18, s16;
	s18 =	sxor.u32 @!p1 $0xFFFFFFFF, s13  }
0x3c: {  	s18 =	sshll.u32 @!p1 s18, $0xE;
	s17 =	sand.u32 @!p1 $0x3FFF, s17;
	s16 =	ssub.s32 @!p1 s16, s19  }
0x3d: {  	s17 =	smul.u32 @!p1 $0x150, s17;
	s19 =	sshrl.u32 @!p1 s16, $0x3;
	s16 =	sand.u32 @!p1 $0x7, s16  }
0x3e: {  	s18 =	sand.u32 @!p1 $0x4000, s18;
	s19 =	sadd.s32 @!p1 s6, s19;
	s16 =	sshll.u32 @!p1 s16, $0x12  }
0x3f: {  	s17 =	sadd.s32 @!p1 s17, s19;
	s16 =	sor.u32 @!p1 $0x400, s16;
	s19 =	simm.s32 @!p1 $0x5400  }
0x40: {  	[tilespmem:s18], [sflag:$0x1] =	stream.strided.gather @!p1 [hbm4b:s17+s16], $0x4000, s19, s16, $0x38;
	[tilespmem:$0x10100] =	vst v63  }
0x41: {  	p1 =	sge.u32 s31, s5  }
.Ltmp2:
0x42: {  	_ = 	snop;
	(pc) =	sbr.rel @p1 .LBB1_5-.Ltmp2, $1  }
0x43: {  	_ =	sdelay $0x3  }
0x44: {  	s16 =	simm.s32 $0x1  }
0x45: {  	_ =	swait.ge [sflag:s4], $0x4000;
	s16 =	simm.s32 @!p0 $0x0  }
0x46: {  	[sflag:s4] =	ssyncset.done $0x0;
	s17 =	sshll.u32 s16, $0xE  }
0x47: {  	[sflag:s4] =	ssyncadd.s32 $0xFFFFC000;
	s17 =	sor.u32 $0x40, s17  }
0x48: {  	s16 =	smul.u32 $0x10200, s16;
	v0 =	vld [tilespmem:s17+$0x30]  }
0x49: {  	v1 =	vld [tilespmem:s17+$0xFFFFFFD0]  }
0x4a: {  	s16 =	sshrl.u32 s16, $0x2;
	v5 =	vld [tilespmem:s17+$0xFFFFFFE0]  }
0x4b: {  	v6 =	vld [tilespmem:s17+$0xFFFFFFF0];
	s19 =	sor.u32 $0x8000, s16  }
0x4c: {  	s31 =	sand.u32 $0x1, s13;
	v4 =	vld [tilespmem:s17+$0x0];
	s18 =	sadd.s32 $0x0, s19  }
0x4d: {  	v3 =	vld [tilespmem:s17+$0x10];
	s16 =	smul.u32 $0x10200, s31;
	[tilespmem:s18+$0x3870 ss:$0x81] =	vst.msk $0xffff, v0  }
0x4e: {  	v2 =	vld [tilespmem:s17+$0x20];
	[tilespmem:s18+$0x810 ss:$0x81] =	vst.msk $0xffff, v1  }
0x4f: {  	s16 =	sshrl.u32 s16, $0x2;
	v1 =	vld [tilespmem:s17+$0xFFFFFFC0];
	[tilespmem:s18+$0x1020 ss:$0x81] =	vst.msk $0xffff, v5;
	s17 =	sadd.s32 $0x80, s17  }
0x50: {  	s20 =	simm.s32 $0x4;
	s21 =	simm.s32 $0x8;
	s16 =	sor.u32 $0x8000, s16;
	[tilespmem:s18+$0x1830 ss:$0x81] =	vst.msk $0xffff, v6;
	v0 =	vld [tilespmem:s17+$0x30]  }
.LBB1_3:
0x51: {  	p1 =	sne.s32 s21, $0x1FC;
	v5 =	vld [tilespmem:s17+$0xFFFFFFD0];
	[tilespmem:s18+$0x2040 ss:$0x81] =	vst.msk $0xffff, v4  }
0x52: {  	v6 =	vld [tilespmem:s17+$0xFFFFFFE0];
	[tilespmem:s18+$0x2850 ss:$0x81] =	vst.msk $0xffff, v3  }
0x53: {  	s22 =	sshra.s32 s20, $0x2;
	s20 =	smov.u32 s21;
	v7 =	vld [tilespmem:s17+$0xFFFFFFF0];
	[tilespmem:s18+$0x3060 ss:$0x81] =	vst.msk $0xffff, v2  }
.Ltmp3:
0x54: {  	v4 =	vld [tilespmem:s17+$0x0];
	[tilespmem:s18+$0x0 ss:$0x81] =	vst.msk $0xffff, v1;
	s18 =	sadd.s32 s22, s19;
	(pc) =	sbr.rel @p1 .LBB1_3-.Ltmp3, $4  }
0x55: {  	v3 =	vld [tilespmem:s17+$0x10];
	[tilespmem:s18+$0x3870 ss:$0x81] =	vst.msk $0xffff, v0  }
0x56: {  	[tilespmem:s18+$0x810 ss:$0x81] =	vst.msk $0xffff, v5;
	v2 =	vld [tilespmem:s17+$0x20]  }
0x57: {  	v1 =	vld [tilespmem:s17+$0xFFFFFFC0];
	[tilespmem:s18+$0x1020 ss:$0x81] =	vst.msk $0xffff, v6;
	s17 =	sadd.s32 $0x80, s17  }
0x58: {  	s21 =	sadd.s32 $0x4, s21;
	v0 =	vld [tilespmem:s17+$0x30];
	[tilespmem:s18+$0x1830 ss:$0x81] =	vst.msk $0xffff, v7  }
.Ltmp4:
0x59: {  	_ = 	snop;
	(pc) =	sbr.rel .LBB1_4-.Ltmp4, $1  }
0x5a: {  	_ =	sdelay $0x3  }
.LBB1_6:
0x5b: {  	_ =	sfence.sel $0x180000  }
0x5c: {  	s2 =	simm.s32 $0x1;
	[bflag:$0x0] =	sbarrier.arrive $0xFFFF  }
0x5d: {  	s31 =	simm.s32 $0x2;
	[sflag:s2] =	ssyncpa.u1 $0x1  }
0x5e: {  	[sflag:s31] =	ssyncpa.u1 $0x1  }
0x5f: {  	p0 =	sne.s32 s0, $0x0;
	_ =	strace $0x9000004A  }
0x60: {  	s0 =	sadd.s32 @!p0 $0x100000, s1;
	[bflag:$0x2] =	sbarrier.arrive $0xFFFF  }
0x61: {  	[sflag:s0] =	ssyncadd.tile.s32 @!p0 $0x1;
	_ =	shalt  }
.Lfunc_end1:
_tile_overlayer_lowered:
.L_overlay_start_2:
0x62: {  	(tag) =	ssettag $0x2  }
0x63: {  	s0 =	rddreg [dreg:$0x0];
	s2 =	stileid.u32  }
0x64: {  	s1 =	rddreg [dreg:$0x1];
	p0 =	sne.s32 s2, $0x0  }
0x65: {  	s3 =	rddreg [dreg:$0x2];
	[bflag:$0x3] =	sbarrier.arrive $0xFFFF;
	s2 =	simm.s32 @!p0 $0x1C01  }
0x66: {  	[timem:s3], [sflag:s2] =	dma.local @!p0 [hbm:s0], s1  }
0x67: {  	s0 =	simm.s32 @!p0 $0x1  }
0x68: {  	_ =	swait.ge @!p0 [sflag:s0], s1  }
0x69: {  	s1 =	ssub.s32 @!p0 $0x0, s1;
	[sflag:s0] =	ssyncset.done @!p0 $0x0  }
0x6a: {  	[sflag:s0] =	ssyncadd.s32 @!p0 s1  }
0x6b: {  	[bflag:$0x3] =	sbarrier.arrive $0xFFFF  }
0x6c: {  	_ =	shalt  }

</sc_bundles>
